<compile_context>
chip_gen: v7x
topology: tpu7x:2x2x1
jax: 0.10.2.dev20260603
libtpu: 0.0.44.dev20260713+nightly
codegen_flags: <defaults>
</compile_context>

<pallas_src>
import functools

import jax
import jax.numpy as jnp
from jax import lax
from jax.experimental import pallas as pl
from jax.experimental.pallas import tpu as pltpu
from jax.experimental.pallas import tpu_sc as plsc

_INFO = plsc.get_sparse_core_info()
_NC = _INFO.num_cores
_NS = _INFO.num_subcores
_NW = _NC * _NS

_BB = 128
_NB = 3
_SPLIT = 4


@functools.lru_cache(maxsize=None)
def _make_gather(S, B, V, D, b_base, b_len):
    NP = S // 2
    D2 = 2 * D
    per_w = b_len // _NW
    mesh = plsc.VectorSubcoreMesh(core_axis_name="c", subcore_axis_name="s")

    @functools.partial(
        pl.kernel,
        mesh=mesh,
        out_type=jax.ShapeDtypeStruct((NP, b_len, D2), jnp.float32),
        compiler_params=pltpu.CompilerParams(use_tc_tiling_on_sc=False),
        scratch_types=[
            pltpu.VMEM((S, per_w), jnp.int32),
            pltpu.VMEM((_NB, 2, per_w, D), jnp.float32),
            pltpu.SemaphoreType.DMA,
            pltpu.SemaphoreType.DMA,
        ],
    )
    def gather_kernel(ids_hbm, table_hbm, out_hbm, idx_v, rows_v, gsem, osem):
        wid = lax.axis_index("s") * _NC + lax.axis_index("c")

        def chunk(b0):
            pltpu.sync_copy(ids_hbm.at[:, pl.ds(b_base + b0, per_w)], idx_v)

            def fire(p, buf):
                for s01 in range(2):
                    pltpu.async_copy(
                        table_hbm.at[idx_v.at[2 * p + s01]],
                        rows_v.at[buf].at[s01],
                        gsem,
                    )

            def drain(p, buf):
                for s01 in range(2):
                    pltpu.make_async_copy(
                        table_hbm.at[idx_v.at[2 * p + s01]],
                        rows_v.at[buf].at[s01],
                        gsem,
                    ).wait()

            def out_copies(p, buf):
                return [
                    pltpu.make_async_copy(
                        rows_v.at[buf].at[s01],
                        out_hbm.at[p, pl.ds(b0, per_w), pl.ds(s01 * D, D)],
                        osem,
                    )
                    for s01 in range(2)
                ]

            fire(0, 0)

            def body(p, carry):
                buf = lax.rem(p, _NB)
                nbuf = lax.rem(p + 1, _NB)

                @pl.when(p >= _NB - 1)
                def _():
                    for c in out_copies(p, nbuf):
                        c.wait()

                @pl.when(p + 1 < NP)
                def _():
                    fire(p + 1, nbuf)

                drain(p, buf)
                for c in out_copies(p, buf):
                    c.start()
                return carry

            lax.fori_loop(0, NP, body, 0)
            for t in range(_NB - 1):
                for c in out_copies(NP - 1 - t, lax.rem(NP - 1 - t, _NB)):
                    c.wait()

        chunk(wid * per_w)

    return gather_kernel


@functools.lru_cache(maxsize=None)
def _make_transpose(S, B, D, b_base, b_len, first):
    NP = S // 2
    D2 = 2 * D
    blk0 = b_base // _BB

    def body(*refs):
        x_ref, o_ref = refs[-2], refs[-1]
        x = x_ref[...]
        y = jnp.transpose(x, (0, 2, 1))
        o_ref[...] = y.reshape(S, D, _BB)

    piece_spec = pl.BlockSpec((NP, _BB, D2), lambda i: (0, i, 0))
    if first:
        in_specs = [piece_spec]
        aliases = {}
    else:
        in_specs = [pl.BlockSpec(memory_space=pl.ANY), piece_spec]
        aliases = {0: 0}

    return pl.pallas_call(
        body,
        grid=(b_len // _BB,),
        in_specs=in_specs,
        out_specs=pl.BlockSpec((S, D, _BB), lambda i: (0, 0, blk0 + i)),
        out_shape=jax.ShapeDtypeStruct((S, D, B), jnp.float32),
        input_output_aliases=aliases,
    )


def kernel(intent_ids, table):
    Bt, S = intent_ids.shape
    V, D = table.shape
    ids_t = jnp.transpose(intent_ids).astype(jnp.int32)
    piece = Bt // _SPLIT
    outs1 = [
        _make_gather(S, Bt, V, D, j * piece, piece)(ids_t, table)
        for j in range(_SPLIT)
    ]
    out2 = _make_transpose(S, Bt, D, 0, piece, True)(outs1[0])
    for j in range(1, _SPLIT):
        out2 = _make_transpose(S, Bt, D, j * piece, piece, False)(out2, outs1[j])
    return jnp.transpose(out2, (2, 0, 1))

# --- scband reference (transcript-rebuilt; emitter-appended) ---
"""Pipeline reference for scband-intent-encoder-8572754722885 (READ-ONLY COPY).

The authoritative reference and input builder live on the scoring server;
editing this copy changes nothing except your own understanding.
"""

import jax, jax.numpy as jnp
import numpy as np

NUM_INTENTS = 100000
EMBED_DIM = 64
BATCH = 16384
SEQ_LEN = 200

def setup_inputs(seed: int = 0) -> dict:
    key = jax.random.key(seed)
    k1, k2 = jax.random.split(key)
    intent_ids = jax.random.randint(k1, (BATCH, SEQ_LEN), 0, NUM_INTENTS, dtype=jnp.int64 if jax.config.jax_enable_x64 else jnp.int32)
    table = jax.random.normal(k2, (NUM_INTENTS, EMBED_DIM), dtype=jnp.float32)
    return {"intent_ids": intent_ids, "table": table}

def reference(intent_ids, table):
    # nn.Embedding forward: row gather from embedding table
    return jnp.take(table, intent_ids, axis=0)

if __name__ == "__main__":
    import jax
    _d = setup_inputs()
    print(jax.jit(kernel)(*tuple(_d.values())))

</pallas_src>

<mosaic_0001>
#map = affine_map<(d0, d1) -> (0, 0)>
#map1 = affine_map<(d0, d1) -> (0, 0, 0)>
module attributes {stable_mosaic.version = 14 : i64} {
  func.func @gather_kernel(%arg0: i32, %arg1: i32, %arg2: memref<200x16384xi32, #tpu.memory_space<hbm>>, %arg3: memref<100000x64xf32, #tpu.memory_space<hbm>>, %arg4: memref<100x4096x128xf32, #tpu.memory_space<hbm>>, %arg5: memref<200x128xi32, #tpu.memory_space<vmem>>, %arg6: memref<3x2x128x64xf32, #tpu.memory_space<vmem>>, %arg7: memref<!tpu.dma_semaphore, #tpu.memory_space<semaphore_mem>>, %arg8: memref<!tpu.dma_semaphore, #tpu.memory_space<semaphore_mem>>) attributes {dimension_semantics = [#tpu.dimension_semantics<core_parallel>, #tpu.dimension_semantics<subcore_parallel>], iteration_bounds = array<i64: 2, 16>, scalar_prefetch = 0 : i64, scratch_operands = 4 : i64, tpu.core_type = #tpu.core_type<sc_vector_subcore>, window_params = [{transform_indices = #map}, {transform_indices = #map}, {transform_indices = #map1}]} {
    %mul3A = arith.constant 2 : i32
    %mul3A_0 = arith.muli %arg1, %mul3A : i32
    %add3A = arith.addi %mul3A_0, %arg0 : i32
    %mul3A_1 = arith.constant 128 : i32
    %mul3A_2 = arith.muli %add3A, %mul3A_1 : i32
    %add3A_3 = arith.constant 4096 : i32
    %add3A_4 = arith.addi %add3A_3, %mul3A_2 : i32
    "tpu.region"() ({
      %run_scoped3A = tpu.sem_alloc : memref<!tpu.dma_semaphore, #tpu.memory_space<semaphore_mem>>
      %dma_start3A_153 = arith.constant 0 : i32
      %dma_start3A_154 = tpu.memref_slice %arg2[%dma_start3A_153, %add3A_4] : memref<200x16384xi32, #tpu.memory_space<hbm>> -> memref<200x128xi32, #tpu.memory_space<hbm>>
      %dma_start3A_155 = arith.constant 0 : i32
      %dma_start3A_156 = tpu.memref_slice %arg2[%dma_start3A_155, %add3A_4] : memref<200x16384xi32, #tpu.memory_space<hbm>> -> memref<200x128xi32, #tpu.memory_space<hbm>>
      tpu.enqueue_dma source(%dma_start3A_156 : memref<200x128xi32, #tpu.memory_space<hbm>>) target(%arg5 : memref<200x128xi32, #tpu.memory_space<vmem>>) target_semaphore(%run_scoped3A : memref<!tpu.dma_semaphore, #tpu.memory_space<semaphore_mem>>)
      %dma_wait3A_157 = arith.constant 0 : i32
      %dma_wait3A_158 = tpu.memref_slice %arg2[%dma_wait3A_157, %add3A_4] : memref<200x16384xi32, #tpu.memory_space<hbm>> -> memref<200x128xi32, #tpu.memory_space<hbm>>
      %dma_wait3A_159 = arith.constant 0 : i32
      %dma_wait3A_160 = tpu.memref_slice %arg2[%dma_wait3A_159, %add3A_4] : memref<200x16384xi32, #tpu.memory_space<hbm>> -> memref<200x128xi32, #tpu.memory_space<hbm>>
      tpu.wait_dma2 semaphore(%run_scoped3A : memref<!tpu.dma_semaphore, #tpu.memory_space<semaphore_mem>>) src(%dma_wait3A_160 : memref<200x128xi32, #tpu.memory_space<hbm>>) dst(%arg5 : memref<200x128xi32, #tpu.memory_space<vmem>>)
      tpu.yield
    }) : () -> ()
    %dma_start3A = arith.constant 0 : i32
    %dma_start3A_5 = arith.constant 0 : i32
    %dma_start3A_6 = arith.constant 0 : i32
    %dma_start3A_7 = arith.constant 0 : i32
    %dma_start3A_8 = arith.constant 0 : i32
    %dma_start3A_9 = arith.constant 0 : i32
    %dma_start3A_10 = tpu.memref_slice %arg6[%dma_start3A_5, %dma_start3A_7, %dma_start3A_8, %dma_start3A_9] : memref<3x2x128x64xf32, #tpu.memory_space<vmem>> -> memref<1x2x128x64xf32, #tpu.memory_space<vmem>>
    %dma_start3A_11 = tpu.memref_squeeze %dma_start3A_10 : memref<1x2x128x64xf32, #tpu.memory_space<vmem>> -> memref<2x128x64xf32, #tpu.memory_space<vmem>>
    %dma_start3A_12 = arith.constant 0 : i32
    %dma_start3A_13 = arith.constant 0 : i32
    %dma_start3A_14 = tpu.memref_slice %dma_start3A_11[%dma_start3A_6, %dma_start3A_12, %dma_start3A_13] : memref<2x128x64xf32, #tpu.memory_space<vmem>> -> memref<1x128x64xf32, #tpu.memory_space<vmem>>
    %dma_start3A_15 = tpu.memref_squeeze %dma_start3A_14 : memref<1x128x64xf32, #tpu.memory_space<vmem>> -> memref<128x64xf32, #tpu.memory_space<vmem>>
    %dma_start3A_16 = arith.constant 0 : i32
    %dma_start3A_17 = tpu.memref_slice %arg5[%dma_start3A, %dma_start3A_16] : memref<200x128xi32, #tpu.memory_space<vmem>> -> memref<1x128xi32, #tpu.memory_space<vmem>>
    %dma_start3A_18 = tpu.memref_squeeze %dma_start3A_17 : memref<1x128xi32, #tpu.memory_space<vmem>> -> memref<128xi32, #tpu.memory_space<vmem>>
    %dma_start3A_19 = arith.constant 0 : i32
    %dma_start3A_20 = arith.constant 0 : i32
    %dma_start3A_21 = tpu.memref_slice %arg3[%dma_start3A_19, %dma_start3A_20] : memref<100000x64xf32, #tpu.memory_space<hbm>> -> memref<100000x64xf32, #tpu.memory_space<hbm>>
    tpu.enqueue_indirect_dma source(%dma_start3A_21 : memref<100000x64xf32, #tpu.memory_space<hbm>>) target(%dma_start3A_15 : memref<128x64xf32, #tpu.memory_space<vmem>>) offsets(%dma_start3A_18 : memref<128xi32, #tpu.memory_space<vmem>>) semaphore(%arg7 : memref<!tpu.dma_semaphore, #tpu.memory_space<semaphore_mem>>)
    %dma_start3A_22 = arith.constant 1 : i32
    %dma_start3A_23 = arith.constant 0 : i32
    %dma_start3A_24 = arith.constant 1 : i32
    %dma_start3A_25 = arith.constant 0 : i32
    %dma_start3A_26 = arith.constant 0 : i32
    %dma_start3A_27 = arith.constant 0 : i32
    %dma_start3A_28 = tpu.memref_slice %arg6[%dma_start3A_23, %dma_start3A_25, %dma_start3A_26, %dma_start3A_27] : memref<3x2x128x64xf32, #tpu.memory_space<vmem>> -> memref<1x2x128x64xf32, #tpu.memory_space<vmem>>
    %dma_start3A_29 = tpu.memref_squeeze %dma_start3A_28 : memref<1x2x128x64xf32, #tpu.memory_space<vmem>> -> memref<2x128x64xf32, #tpu.memory_space<vmem>>
    %dma_start3A_30 = arith.constant 0 : i32
    %dma_start3A_31 = arith.constant 0 : i32
    %dma_start3A_32 = tpu.memref_slice %dma_start3A_29[%dma_start3A_24, %dma_start3A_30, %dma_start3A_31] : memref<2x128x64xf32, #tpu.memory_space<vmem>> -> memref<1x128x64xf32, #tpu.memory_space<vmem>>
    %dma_start3A_33 = tpu.memref_squeeze %dma_start3A_32 : memref<1x128x64xf32, #tpu.memory_space<vmem>> -> memref<128x64xf32, #tpu.memory_space<vmem>>
    %dma_start3A_34 = arith.constant 0 : i32
    %dma_start3A_35 = tpu.memref_slice %arg5[%dma_start3A_22, %dma_start3A_34] : memref<200x128xi32, #tpu.memory_space<vmem>> -> memref<1x128xi32, #tpu.memory_space<vmem>>
    %dma_start3A_36 = tpu.memref_squeeze %dma_start3A_35 : memref<1x128xi32, #tpu.memory_space<vmem>> -> memref<128xi32, #tpu.memory_space<vmem>>
    %dma_start3A_37 = arith.constant 0 : i32
    %dma_start3A_38 = arith.constant 0 : i32
    %dma_start3A_39 = tpu.memref_slice %arg3[%dma_start3A_37, %dma_start3A_38] : memref<100000x64xf32, #tpu.memory_space<hbm>> -> memref<100000x64xf32, #tpu.memory_space<hbm>>
    tpu.enqueue_indirect_dma source(%dma_start3A_39 : memref<100000x64xf32, #tpu.memory_space<hbm>>) target(%dma_start3A_33 : memref<128x64xf32, #tpu.memory_space<vmem>>) offsets(%dma_start3A_36 : memref<128xi32, #tpu.memory_space<vmem>>) semaphore(%arg7 : memref<!tpu.dma_semaphore, #tpu.memory_space<semaphore_mem>>)
    %scan3A = arith.constant 0 : i32
    %scan3A_40 = arith.constant 0 : i32
    %scan3A_41 = arith.constant 100 : i32
    %scan3A_42 = arith.addi %scan3A_40, %scan3A_41 : i32
    %scan3A_43 = arith.constant 1 : i32
    scf.for %scan3A_153 = %scan3A_40 to %scan3A_42 step %scan3A_43  : i32 {
      %rem3A_154 = arith.constant 3 : i32
      %rem3A_155 = arith.remsi %scan3A_153, %rem3A_154 : i32
      %add3A_156 = arith.constant 1 : i32
      %add3A_157 = arith.addi %scan3A_153, %add3A_156 : i32
      %rem3A_158 = arith.constant 3 : i32
      %rem3A_159 = arith.remsi %add3A_157, %rem3A_158 : i32
      %ge3A = arith.constant 2 : i32
      %ge3A_160 = arith.cmpi sge, %scan3A_153, %ge3A : i32
      %convert_element_type3A = arith.extui %ge3A_160 : i1 to i32
      %cond3A = arith.constant 0 : i32
      %cond3A_161 = arith.cmpi ne, %convert_element_type3A, %cond3A : i32
      scf.if %cond3A_161 {
        %dma_wait3A_258 = arith.constant 0 : i32
        %dma_wait3A_259 = arith.constant 0 : i32
        %dma_wait3A_260 = arith.constant 0 : i32
        %dma_wait3A_261 = arith.constant 0 : i32
        %dma_wait3A_262 = tpu.memref_slice %arg6[%rem3A_159, %dma_wait3A_259, %dma_wait3A_260, %dma_wait3A_261] : memref<3x2x128x64xf32, #tpu.memory_space<vmem>> -> memref<1x2x128x64xf32, #tpu.memory_space<vmem>>
        %dma_wait3A_263 = tpu.memref_squeeze %dma_wait3A_262 : memref<1x2x128x64xf32, #tpu.memory_space<vmem>> -> memref<2x128x64xf32, #tpu.memory_space<vmem>>
        %dma_wait3A_264 = arith.constant 0 : i32
        %dma_wait3A_265 = arith.constant 0 : i32
        %dma_wait3A_266 = tpu.memref_slice %dma_wait3A_263[%dma_wait3A_258, %dma_wait3A_264, %dma_wait3A_265] : memref<2x128x64xf32, #tpu.memory_space<vmem>> -> memref<1x128x64xf32, #tpu.memory_space<vmem>>
        %dma_wait3A_267 = tpu.memref_squeeze %dma_wait3A_266 : memref<1x128x64xf32, #tpu.memory_space<vmem>> -> memref<128x64xf32, #tpu.memory_space<vmem>>
        %dma_wait3A_268 = arith.constant 0 : i32
        %dma_wait3A_269 = tpu.memref_slice %arg4[%scan3A_153, %mul3A_2, %dma_wait3A_268] : memref<100x4096x128xf32, #tpu.memory_space<hbm>> -> memref<1x128x64xf32, #tpu.memory_space<hbm>>
        %dma_wait3A_270 = tpu.memref_squeeze %dma_wait3A_269 : memref<1x128x64xf32, #tpu.memory_space<hbm>> -> memref<128x64xf32, #tpu.memory_space<hbm>>
        %dma_wait3A_271 = arith.constant 0 : i32
        %dma_wait3A_272 = tpu.memref_slice %arg4[%scan3A_153, %mul3A_2, %dma_wait3A_271] : memref<100x4096x128xf32, #tpu.memory_space<hbm>> -> memref<1x128x64xf32, #tpu.memory_space<hbm>>
        %dma_wait3A_273 = tpu.memref_squeeze %dma_wait3A_272 : memref<1x128x64xf32, #tpu.memory_space<hbm>> -> memref<128x64xf32, #tpu.memory_space<hbm>>
        %dma_wait3A_274 = arith.constant 0 : i32
        %dma_wait3A_275 = arith.constant 0 : i32
        %dma_wait3A_276 = arith.constant 0 : i32
        %dma_wait3A_277 = tpu.memref_slice %arg6[%rem3A_159, %dma_wait3A_274, %dma_wait3A_275, %dma_wait3A_276] : memref<3x2x128x64xf32, #tpu.memory_space<vmem>> -> memref<1x2x128x64xf32, #tpu.memory_space<vmem>>
        %dma_wait3A_278 = tpu.memref_squeeze %dma_wait3A_277 : memref<1x2x128x64xf32, #tpu.memory_space<vmem>> -> memref<2x128x64xf32, #tpu.memory_space<vmem>>
        %dma_wait3A_279 = arith.constant 0 : i32
        %dma_wait3A_280 = arith.constant 0 : i32
        %dma_wait3A_281 = tpu.memref_slice %dma_wait3A_278[%dma_wait3A_258, %dma_wait3A_279, %dma_wait3A_280] : memref<2x128x64xf32, #tpu.memory_space<vmem>> -> memref<1x128x64xf32, #tpu.memory_space<vmem>>
        %dma_wait3A_282 = tpu.memref_squeeze %dma_wait3A_281 : memref<1x128x64xf32, #tpu.memory_space<vmem>> -> memref<128x64xf32, #tpu.memory_space<vmem>>
        tpu.wait_dma2 semaphore(%arg8 : memref<!tpu.dma_semaphore, #tpu.memory_space<semaphore_mem>>) src(%dma_wait3A_282 : memref<128x64xf32, #tpu.memory_space<vmem>>) dst(%dma_wait3A_273 : memref<128x64xf32, #tpu.memory_space<hbm>>)
        %dma_wait3A_283 = arith.constant 1 : i32
        %dma_wait3A_284 = arith.constant 0 : i32
        %dma_wait3A_285 = arith.constant 0 : i32
        %dma_wait3A_286 = arith.constant 0 : i32
        %dma_wait3A_287 = tpu.memref_slice %arg6[%rem3A_159, %dma_wait3A_284, %dma_wait3A_285, %dma_wait3A_286] : memref<3x2x128x64xf32, #tpu.memory_space<vmem>> -> memref<1x2x128x64xf32, #tpu.memory_space<vmem>>
        %dma_wait3A_288 = tpu.memref_squeeze %dma_wait3A_287 : memref<1x2x128x64xf32, #tpu.memory_space<vmem>> -> memref<2x128x64xf32, #tpu.memory_space<vmem>>
        %dma_wait3A_289 = arith.constant 0 : i32
        %dma_wait3A_290 = arith.constant 0 : i32
        %dma_wait3A_291 = tpu.memref_slice %dma_wait3A_288[%dma_wait3A_283, %dma_wait3A_289, %dma_wait3A_290] : memref<2x128x64xf32, #tpu.memory_space<vmem>> -> memref<1x128x64xf32, #tpu.memory_space<vmem>>
        %dma_wait3A_292 = tpu.memref_squeeze %dma_wait3A_291 : memref<1x128x64xf32, #tpu.memory_space<vmem>> -> memref<128x64xf32, #tpu.memory_space<vmem>>
        %dma_wait3A_293 = arith.constant 64 : i32
        %dma_wait3A_294 = tpu.memref_slice %arg4[%scan3A_153, %mul3A_2, %dma_wait3A_293] : memref<100x4096x128xf32, #tpu.memory_space<hbm>> -> memref<1x128x64xf32, #tpu.memory_space<hbm>>
        %dma_wait3A_295 = tpu.memref_squeeze %dma_wait3A_294 : memref<1x128x64xf32, #tpu.memory_space<hbm>> -> memref<128x64xf32, #tpu.memory_space<hbm>>
        %dma_wait3A_296 = arith.constant 64 : i32
        %dma_wait3A_297 = tpu.memref_slice %arg4[%scan3A_153, %mul3A_2, %dma_wait3A_296] : memref<100x4096x128xf32, #tpu.memory_space<hbm>> -> memref<1x128x64xf32, #tpu.memory_space<hbm>>
        %dma_wait3A_298 = tpu.memref_squeeze %dma_wait3A_297 : memref<1x128x64xf32, #tpu.memory_space<hbm>> -> memref<128x64xf32, #tpu.memory_space<hbm>>
        %dma_wait3A_299 = arith.constant 0 : i32
        %dma_wait3A_300 = arith.constant 0 : i32
        %dma_wait3A_301 = arith.constant 0 : i32
        %dma_wait3A_302 = tpu.memref_slice %arg6[%rem3A_159, %dma_wait3A_299, %dma_wait3A_300, %dma_wait3A_301] : memref<3x2x128x64xf32, #tpu.memory_space<vmem>> -> memref<1x2x128x64xf32, #tpu.memory_space<vmem>>
        %dma_wait3A_303 = tpu.memref_squeeze %dma_wait3A_302 : memref<1x2x128x64xf32, #tpu.memory_space<vmem>> -> memref<2x128x64xf32, #tpu.memory_space<vmem>>
        %dma_wait3A_304 = arith.constant 0 : i32
        %dma_wait3A_305 = arith.constant 0 : i32
        %dma_wait3A_306 = tpu.memref_slice %dma_wait3A_303[%dma_wait3A_283, %dma_wait3A_304, %dma_wait3A_305] : memref<2x128x64xf32, #tpu.memory_space<vmem>> -> memref<1x128x64xf32, #tpu.memory_space<vmem>>
        %dma_wait3A_307 = tpu.memref_squeeze %dma_wait3A_306 : memref<1x128x64xf32, #tpu.memory_space<vmem>> -> memref<128x64xf32, #tpu.memory_space<vmem>>
        tpu.wait_dma2 semaphore(%arg8 : memref<!tpu.dma_semaphore, #tpu.memory_space<semaphore_mem>>) src(%dma_wait3A_307 : memref<128x64xf32, #tpu.memory_space<vmem>>) dst(%dma_wait3A_298 : memref<128x64xf32, #tpu.memory_space<hbm>>)
      } else {
      }
      %add3A_162 = arith.constant 1 : i32
      %add3A_163 = arith.addi %scan3A_153, %add3A_162 : i32
      %lt3A = arith.constant 100 : i32
      %lt3A_164 = arith.cmpi slt, %add3A_163, %lt3A : i32
      %convert_element_type3A_165 = arith.extui %lt3A_164 : i1 to i32
      %cond3A_166 = arith.constant 0 : i32
      %cond3A_167 = arith.cmpi ne, %convert_element_type3A_165, %cond3A_166 : i32
      scf.if %cond3A_167 {
        %add3A_258 = arith.constant 1 : i32
        %add3A_259 = arith.addi %scan3A_153, %add3A_258 : i32
        %mul3A_260 = arith.constant 2 : i32
        %mul3A_261 = arith.muli %mul3A_260, %add3A_259 : i32
        %add3A_262 = arith.constant 0 : i32
        %add3A_263 = arith.addi %mul3A_261, %add3A_262 : i32
        %dma_start3A_264 = arith.constant 0 : i32
        %dma_start3A_265 = arith.constant 0 : i32
        %dma_start3A_266 = arith.constant 0 : i32
        %dma_start3A_267 = arith.constant 0 : i32
        %dma_start3A_268 = tpu.memref_slice %arg6[%rem3A_159, %dma_start3A_265, %dma_start3A_266, %dma_start3A_267] : memref<3x2x128x64xf32, #tpu.memory_space<vmem>> -> memref<1x2x128x64xf32, #tpu.memory_space<vmem>>
        %dma_start3A_269 = tpu.memref_squeeze %dma_start3A_268 : memref<1x2x128x64xf32, #tpu.memory_space<vmem>> -> memref<2x128x64xf32, #tpu.memory_space<vmem>>
        %dma_start3A_270 = arith.constant 0 : i32
        %dma_start3A_271 = arith.constant 0 : i32
        %dma_start3A_272 = tpu.memref_slice %dma_start3A_269[%dma_start3A_264, %dma_start3A_270, %dma_start3A_271] : memref<2x128x64xf32, #tpu.memory_space<vmem>> -> memref<1x128x64xf32, #tpu.memory_space<vmem>>
        %dma_start3A_273 = tpu.memref_squeeze %dma_start3A_272 : memref<1x128x64xf32, #tpu.memory_space<vmem>> -> memref<128x64xf32, #tpu.memory_space<vmem>>
        %dma_start3A_274 = arith.constant 0 : i32
        %dma_start3A_275 = tpu.memref_slice %arg5[%add3A_263, %dma_start3A_274] : memref<200x128xi32, #tpu.memory_space<vmem>> -> memref<1x128xi32, #tpu.memory_space<vmem>>
        %dma_start3A_276 = tpu.memref_squeeze %dma_start3A_275 : memref<1x128xi32, #tpu.memory_space<vmem>> -> memref<128xi32, #tpu.memory_space<vmem>>
        %dma_start3A_277 = arith.constant 0 : i32
        %dma_start3A_278 = arith.constant 0 : i32
        %dma_start3A_279 = tpu.memref_slice %arg3[%dma_start3A_277, %dma_start3A_278] : memref<100000x64xf32, #tpu.memory_space<hbm>> -> memref<100000x64xf32, #tpu.memory_space<hbm>>
        tpu.enqueue_indirect_dma source(%dma_start3A_279 : memref<100000x64xf32, #tpu.memory_space<hbm>>) target(%dma_start3A_273 : memref<128x64xf32, #tpu.memory_space<vmem>>) offsets(%dma_start3A_276 : memref<128xi32, #tpu.memory_space<vmem>>) semaphore(%arg7 : memref<!tpu.dma_semaphore, #tpu.memory_space<semaphore_mem>>)
        %mul3A_280 = arith.constant 2 : i32
        %mul3A_281 = arith.muli %mul3A_280, %add3A_259 : i32
        %add3A_282 = arith.constant 1 : i32
        %add3A_283 = arith.addi %mul3A_281, %add3A_282 : i32
        %dma_start3A_284 = arith.constant 1 : i32
        %dma_start3A_285 = arith.constant 0 : i32
        %dma_start3A_286 = arith.constant 0 : i32
        %dma_start3A_287 = arith.constant 0 : i32
        %dma_start3A_288 = tpu.memref_slice %arg6[%rem3A_159, %dma_start3A_285, %dma_start3A_286, %dma_start3A_287] : memref<3x2x128x64xf32, #tpu.memory_space<vmem>> -> memref<1x2x128x64xf32, #tpu.memory_space<vmem>>
        %dma_start3A_289 = tpu.memref_squeeze %dma_start3A_288 : memref<1x2x128x64xf32, #tpu.memory_space<vmem>> -> memref<2x128x64xf32, #tpu.memory_space<vmem>>
        %dma_start3A_290 = arith.constant 0 : i32
        %dma_start3A_291 = arith.constant 0 : i32
        %dma_start3A_292 = tpu.memref_slice %dma_start3A_289[%dma_start3A_284, %dma_start3A_290, %dma_start3A_291] : memref<2x128x64xf32, #tpu.memory_space<vmem>> -> memref<1x128x64xf32, #tpu.memory_space<vmem>>
        %dma_start3A_293 = tpu.memref_squeeze %dma_start3A_292 : memref<1x128x64xf32, #tpu.memory_space<vmem>> -> memref<128x64xf32, #tpu.memory_space<vmem>>
        %dma_start3A_294 = arith.constant 0 : i32
        %dma_start3A_295 = tpu.memref_slice %arg5[%add3A_283, %dma_start3A_294] : memref<200x128xi32, #tpu.memory_space<vmem>> -> memref<1x128xi32, #tpu.memory_space<vmem>>
        %dma_start3A_296 = tpu.memref_squeeze %dma_start3A_295 : memref<1x128xi32, #tpu.memory_space<vmem>> -> memref<128xi32, #tpu.memory_space<vmem>>
        %dma_start3A_297 = arith.constant 0 : i32
        %dma_start3A_298 = arith.constant 0 : i32
        %dma_start3A_299 = tpu.memref_slice %arg3[%dma_start3A_297, %dma_start3A_298] : memref<100000x64xf32, #tpu.memory_space<hbm>> -> memref<100000x64xf32, #tpu.memory_space<hbm>>
        tpu.enqueue_indirect_dma source(%dma_start3A_299 : memref<100000x64xf32, #tpu.memory_space<hbm>>) target(%dma_start3A_293 : memref<128x64xf32, #tpu.memory_space<vmem>>) offsets(%dma_start3A_296 : memref<128xi32, #tpu.memory_space<vmem>>) semaphore(%arg7 : memref<!tpu.dma_semaphore, #tpu.memory_space<semaphore_mem>>)
      } else {
      }
      %mul3A_168 = arith.constant 2 : i32
      %mul3A_169 = arith.muli %mul3A_168, %scan3A_153 : i32
      %add3A_170 = arith.constant 0 : i32
      %add3A_171 = arith.addi %mul3A_169, %add3A_170 : i32
      %dma_wait3A_172 = arith.constant 0 : i32
      %dma_wait3A_173 = arith.constant 0 : i32
      %dma_wait3A_174 = arith.constant 0 : i32
      %dma_wait3A_175 = arith.constant 0 : i32
      %dma_wait3A_176 = tpu.memref_slice %arg6[%rem3A_155, %dma_wait3A_173, %dma_wait3A_174, %dma_wait3A_175] : memref<3x2x128x64xf32, #tpu.memory_space<vmem>> -> memref<1x2x128x64xf32, #tpu.memory_space<vmem>>
      %dma_wait3A_177 = tpu.memref_squeeze %dma_wait3A_176 : memref<1x2x128x64xf32, #tpu.memory_space<vmem>> -> memref<2x128x64xf32, #tpu.memory_space<vmem>>
      %dma_wait3A_178 = arith.constant 0 : i32
      %dma_wait3A_179 = arith.constant 0 : i32
      %dma_wait3A_180 = tpu.memref_slice %dma_wait3A_177[%dma_wait3A_172, %dma_wait3A_178, %dma_wait3A_179] : memref<2x128x64xf32, #tpu.memory_space<vmem>> -> memref<1x128x64xf32, #tpu.memory_space<vmem>>
      %dma_wait3A_181 = tpu.memref_squeeze %dma_wait3A_180 : memref<1x128x64xf32, #tpu.memory_space<vmem>> -> memref<128x64xf32, #tpu.memory_space<vmem>>
      %dma_wait3A_182 = arith.constant 0 : i32
      %dma_wait3A_183 = tpu.memref_slice %arg5[%add3A_171, %dma_wait3A_182] : memref<200x128xi32, #tpu.memory_space<vmem>> -> memref<1x128xi32, #tpu.memory_space<vmem>>
      %dma_wait3A_184 = tpu.memref_squeeze %dma_wait3A_183 : memref<1x128xi32, #tpu.memory_space<vmem>> -> memref<128xi32, #tpu.memory_space<vmem>>
      %dma_wait3A_185 = arith.constant 0 : i32
      %dma_wait3A_186 = arith.constant 0 : i32
      %dma_wait3A_187 = tpu.memref_slice %arg3[%dma_wait3A_185, %dma_wait3A_186] : memref<100000x64xf32, #tpu.memory_space<hbm>> -> memref<100000x64xf32, #tpu.memory_space<hbm>>
      tpu.wait_indirect_dma semaphore(%arg7 : memref<!tpu.dma_semaphore, #tpu.memory_space<semaphore_mem>>) src(%dma_wait3A_187 : memref<100000x64xf32, #tpu.memory_space<hbm>>) dst(%dma_wait3A_181 : memref<128x64xf32, #tpu.memory_space<vmem>>)
      %mul3A_188 = arith.constant 2 : i32
      %mul3A_189 = arith.muli %mul3A_188, %scan3A_153 : i32
      %add3A_190 = arith.constant 1 : i32
      %add3A_191 = arith.addi %mul3A_189, %add3A_190 : i32
      %dma_wait3A_192 = arith.constant 1 : i32
      %dma_wait3A_193 = arith.constant 0 : i32
      %dma_wait3A_194 = arith.constant 0 : i32
      %dma_wait3A_195 = arith.constant 0 : i32
      %dma_wait3A_196 = tpu.memref_slice %arg6[%rem3A_155, %dma_wait3A_193, %dma_wait3A_194, %dma_wait3A_195] : memref<3x2x128x64xf32, #tpu.memory_space<vmem>> -> memref<1x2x128x64xf32, #tpu.memory_space<vmem>>
      %dma_wait3A_197 = tpu.memref_squeeze %dma_wait3A_196 : memref<1x2x128x64xf32, #tpu.memory_space<vmem>> -> memref<2x128x64xf32, #tpu.memory_space<vmem>>
      %dma_wait3A_198 = arith.constant 0 : i32
      %dma_wait3A_199 = arith.constant 0 : i32
      %dma_wait3A_200 = tpu.memref_slice %dma_wait3A_197[%dma_wait3A_192, %dma_wait3A_198, %dma_wait3A_199] : memref<2x128x64xf32, #tpu.memory_space<vmem>> -> memref<1x128x64xf32, #tpu.memory_space<vmem>>
      %dma_wait3A_201 = tpu.memref_squeeze %dma_wait3A_200 : memref<1x128x64xf32, #tpu.memory_space<vmem>> -> memref<128x64xf32, #tpu.memory_space<vmem>>
      %dma_wait3A_202 = arith.constant 0 : i32
      %dma_wait3A_203 = tpu.memref_slice %arg5[%add3A_191, %dma_wait3A_202] : memref<200x128xi32, #tpu.memory_space<vmem>> -> memref<1x128xi32, #tpu.memory_space<vmem>>
      %dma_wait3A_204 = tpu.memref_squeeze %dma_wait3A_203 : memref<1x128xi32, #tpu.memory_space<vmem>> -> memref<128xi32, #tpu.memory_space<vmem>>
      %dma_wait3A_205 = arith.constant 0 : i32
      %dma_wait3A_206 = arith.constant 0 : i32
      %dma_wait3A_207 = tpu.memref_slice %arg3[%dma_wait3A_205, %dma_wait3A_206] : memref<100000x64xf32, #tpu.memory_space<hbm>> -> memref<100000x64xf32, #tpu.memory_space<hbm>>
      tpu.wait_indirect_dma semaphore(%arg7 : memref<!tpu.dma_semaphore, #tpu.memory_space<semaphore_mem>>) src(%dma_wait3A_207 : memref<100000x64xf32, #tpu.memory_space<hbm>>) dst(%dma_wait3A_201 : memref<128x64xf32, #tpu.memory_space<vmem>>)
      %dma_start3A_208 = arith.constant 0 : i32
      %dma_start3A_209 = arith.constant 0 : i32
      %dma_start3A_210 = arith.constant 0 : i32
      %dma_start3A_211 = arith.constant 0 : i32
      %dma_start3A_212 = tpu.memref_slice %arg6[%rem3A_155, %dma_start3A_209, %dma_start3A_210, %dma_start3A_211] : memref<3x2x128x64xf32, #tpu.memory_space<vmem>> -> memref<1x2x128x64xf32, #tpu.memory_space<vmem>>
      %dma_start3A_213 = tpu.memref_squeeze %dma_start3A_212 : memref<1x2x128x64xf32, #tpu.memory_space<vmem>> -> memref<2x128x64xf32, #tpu.memory_space<vmem>>
      %dma_start3A_214 = arith.constant 0 : i32
      %dma_start3A_215 = arith.constant 0 : i32
      %dma_start3A_216 = tpu.memref_slice %dma_start3A_213[%dma_start3A_208, %dma_start3A_214, %dma_start3A_215] : memref<2x128x64xf32, #tpu.memory_space<vmem>> -> memref<1x128x64xf32, #tpu.memory_space<vmem>>
      %dma_start3A_217 = tpu.memref_squeeze %dma_start3A_216 : memref<1x128x64xf32, #tpu.memory_space<vmem>> -> memref<128x64xf32, #tpu.memory_space<vmem>>
      %dma_start3A_218 = arith.constant 0 : i32
      %dma_start3A_219 = tpu.memref_slice %arg4[%scan3A_153, %mul3A_2, %dma_start3A_218] : memref<100x4096x128xf32, #tpu.memory_space<hbm>> -> memref<1x128x64xf32, #tpu.memory_space<hbm>>
      %dma_start3A_220 = tpu.memref_squeeze %dma_start3A_219 : memref<1x128x64xf32, #tpu.memory_space<hbm>> -> memref<128x64xf32, #tpu.memory_space<hbm>>
      %dma_start3A_221 = arith.constant 0 : i32
      %dma_start3A_222 = tpu.memref_slice %arg4[%scan3A_153, %mul3A_2, %dma_start3A_221] : memref<100x4096x128xf32, #tpu.memory_space<hbm>> -> memref<1x128x64xf32, #tpu.memory_space<hbm>>
      %dma_start3A_223 = tpu.memref_squeeze %dma_start3A_222 : memref<1x128x64xf32, #tpu.memory_space<hbm>> -> memref<128x64xf32, #tpu.memory_space<hbm>>
      %dma_start3A_224 = arith.constant 0 : i32
      %dma_start3A_225 = arith.constant 0 : i32
      %dma_start3A_226 = arith.constant 0 : i32
      %dma_start3A_227 = tpu.memref_slice %arg6[%rem3A_155, %dma_start3A_224, %dma_start3A_225, %dma_start3A_226] : memref<3x2x128x64xf32, #tpu.memory_space<vmem>> -> memref<1x2x128x64xf32, #tpu.memory_space<vmem>>
      %dma_start3A_228 = tpu.memref_squeeze %dma_start3A_227 : memref<1x2x128x64xf32, #tpu.memory_space<vmem>> -> memref<2x128x64xf32, #tpu.memory_space<vmem>>
      %dma_start3A_229 = arith.constant 0 : i32
      %dma_start3A_230 = arith.constant 0 : i32
      %dma_start3A_231 = tpu.memref_slice %dma_start3A_228[%dma_start3A_208, %dma_start3A_229, %dma_start3A_230] : memref<2x128x64xf32, #tpu.memory_space<vmem>> -> memref<1x128x64xf32, #tpu.memory_space<vmem>>
      %dma_start3A_232 = tpu.memref_squeeze %dma_start3A_231 : memref<1x128x64xf32, #tpu.memory_space<vmem>> -> memref<128x64xf32, #tpu.memory_space<vmem>>
      tpu.enqueue_dma source(%dma_start3A_232 : memref<128x64xf32, #tpu.memory_space<vmem>>) target(%dma_start3A_223 : memref<128x64xf32, #tpu.memory_space<hbm>>) target_semaphore(%arg8 : memref<!tpu.dma_semaphore, #tpu.memory_space<semaphore_mem>>)
      %dma_start3A_233 = arith.constant 1 : i32
      %dma_start3A_234 = arith.constant 0 : i32
      %dma_start3A_235 = arith.constant 0 : i32
      %dma_start3A_236 = arith.constant 0 : i32
      %dma_start3A_237 = tpu.memref_slice %arg6[%rem3A_155, %dma_start3A_234, %dma_start3A_235, %dma_start3A_236] : memref<3x2x128x64xf32, #tpu.memory_space<vmem>> -> memref<1x2x128x64xf32, #tpu.memory_space<vmem>>
      %dma_start3A_238 = tpu.memref_squeeze %dma_start3A_237 : memref<1x2x128x64xf32, #tpu.memory_space<vmem>> -> memref<2x128x64xf32, #tpu.memory_space<vmem>>
      %dma_start3A_239 = arith.constant 0 : i32
      %dma_start3A_240 = arith.constant 0 : i32
      %dma_start3A_241 = tpu.memref_slice %dma_start3A_238[%dma_start3A_233, %dma_start3A_239, %dma_start3A_240] : memref<2x128x64xf32, #tpu.memory_space<vmem>> -> memref<1x128x64xf32, #tpu.memory_space<vmem>>
      %dma_start3A_242 = tpu.memref_squeeze %dma_start3A_241 : memref<1x128x64xf32, #tpu.memory_space<vmem>> -> memref<128x64xf32, #tpu.memory_space<vmem>>
      %dma_start3A_243 = arith.constant 64 : i32
      %dma_start3A_244 = tpu.memref_slice %arg4[%scan3A_153, %mul3A_2, %dma_start3A_243] : memref<100x4096x128xf32, #tpu.memory_space<hbm>> -> memref<1x128x64xf32, #tpu.memory_space<hbm>>
      %dma_start3A_245 = tpu.memref_squeeze %dma_start3A_244 : memref<1x128x64xf32, #tpu.memory_space<hbm>> -> memref<128x64xf32, #tpu.memory_space<hbm>>
      %dma_start3A_246 = arith.constant 64 : i32
      %dma_start3A_247 = tpu.memref_slice %arg4[%scan3A_153, %mul3A_2, %dma_start3A_246] : memref<100x4096x128xf32, #tpu.memory_space<hbm>> -> memref<1x128x64xf32, #tpu.memory_space<hbm>>
      %dma_start3A_248 = tpu.memref_squeeze %dma_start3A_247 : memref<1x128x64xf32, #tpu.memory_space<hbm>> -> memref<128x64xf32, #tpu.memory_space<hbm>>
      %dma_start3A_249 = arith.constant 0 : i32
      %dma_start3A_250 = arith.constant 0 : i32
      %dma_start3A_251 = arith.constant 0 : i32
      %dma_start3A_252 = tpu.memref_slice %arg6[%rem3A_155, %dma_start3A_249, %dma_start3A_250, %dma_start3A_251] : memref<3x2x128x64xf32, #tpu.memory_space<vmem>> -> memref<1x2x128x64xf32, #tpu.memory_space<vmem>>
      %dma_start3A_253 = tpu.memref_squeeze %dma_start3A_252 : memref<1x2x128x64xf32, #tpu.memory_space<vmem>> -> memref<2x128x64xf32, #tpu.memory_space<vmem>>
      %dma_start3A_254 = arith.constant 0 : i32
      %dma_start3A_255 = arith.constant 0 : i32
      %dma_start3A_256 = tpu.memref_slice %dma_start3A_253[%dma_start3A_233, %dma_start3A_254, %dma_start3A_255] : memref<2x128x64xf32, #tpu.memory_space<vmem>> -> memref<1x128x64xf32, #tpu.memory_space<vmem>>
      %dma_start3A_257 = tpu.memref_squeeze %dma_start3A_256 : memref<1x128x64xf32, #tpu.memory_space<vmem>> -> memref<128x64xf32, #tpu.memory_space<vmem>>
      tpu.enqueue_dma source(%dma_start3A_257 : memref<128x64xf32, #tpu.memory_space<vmem>>) target(%dma_start3A_248 : memref<128x64xf32, #tpu.memory_space<hbm>>) target_semaphore(%arg8 : memref<!tpu.dma_semaphore, #tpu.memory_space<semaphore_mem>>)
    }
    %scan3A_44 = arith.constant 100 : i32
    %rem3A = arith.constant 99 : i32
    %rem3A_45 = arith.constant 3 : i32
    %rem3A_46 = arith.remsi %rem3A, %rem3A_45 : i32
    %dma_wait3A = arith.constant 0 : i32
    %dma_wait3A_47 = arith.constant 99 : i32
    %dma_wait3A_48 = arith.constant 0 : i32
    %dma_wait3A_49 = arith.constant 0 : i32
    %dma_wait3A_50 = arith.constant 0 : i32
    %dma_wait3A_51 = tpu.memref_slice %arg6[%rem3A_46, %dma_wait3A_48, %dma_wait3A_49, %dma_wait3A_50] : memref<3x2x128x64xf32, #tpu.memory_space<vmem>> -> memref<1x2x128x64xf32, #tpu.memory_space<vmem>>
    %dma_wait3A_52 = tpu.memref_squeeze %dma_wait3A_51 : memref<1x2x128x64xf32, #tpu.memory_space<vmem>> -> memref<2x128x64xf32, #tpu.memory_space<vmem>>
    %dma_wait3A_53 = arith.constant 0 : i32
    %dma_wait3A_54 = arith.constant 0 : i32
    %dma_wait3A_55 = tpu.memref_slice %dma_wait3A_52[%dma_wait3A, %dma_wait3A_53, %dma_wait3A_54] : memref<2x128x64xf32, #tpu.memory_space<vmem>> -> memref<1x128x64xf32, #tpu.memory_space<vmem>>
    %dma_wait3A_56 = tpu.memref_squeeze %dma_wait3A_55 : memref<1x128x64xf32, #tpu.memory_space<vmem>> -> memref<128x64xf32, #tpu.memory_space<vmem>>
    %dma_wait3A_57 = arith.constant 0 : i32
    %dma_wait3A_58 = tpu.memref_slice %arg4[%dma_wait3A_47, %mul3A_2, %dma_wait3A_57] : memref<100x4096x128xf32, #tpu.memory_space<hbm>> -> memref<1x128x64xf32, #tpu.memory_space<hbm>>
    %dma_wait3A_59 = tpu.memref_squeeze %dma_wait3A_58 : memref<1x128x64xf32, #tpu.memory_space<hbm>> -> memref<128x64xf32, #tpu.memory_space<hbm>>
    %dma_wait3A_60 = arith.constant 0 : i32
    %dma_wait3A_61 = tpu.memref_slice %arg4[%dma_wait3A_47, %mul3A_2, %dma_wait3A_60] : memref<100x4096x128xf32, #tpu.memory_space<hbm>> -> memref<1x128x64xf32, #tpu.memory_space<hbm>>
    %dma_wait3A_62 = tpu.memref_squeeze %dma_wait3A_61 : memref<1x128x64xf32, #tpu.memory_space<hbm>> -> memref<128x64xf32, #tpu.memory_space<hbm>>
    %dma_wait3A_63 = arith.constant 0 : i32
    %dma_wait3A_64 = arith.constant 0 : i32
    %dma_wait3A_65 = arith.constant 0 : i32
    %dma_wait3A_66 = tpu.memref_slice %arg6[%rem3A_46, %dma_wait3A_63, %dma_wait3A_64, %dma_wait3A_65] : memref<3x2x128x64xf32, #tpu.memory_space<vmem>> -> memref<1x2x128x64xf32, #tpu.memory_space<vmem>>
    %dma_wait3A_67 = tpu.memref_squeeze %dma_wait3A_66 : memref<1x2x128x64xf32, #tpu.memory_space<vmem>> -> memref<2x128x64xf32, #tpu.memory_space<vmem>>
    %dma_wait3A_68 = arith.constant 0 : i32
    %dma_wait3A_69 = arith.constant 0 : i32
    %dma_wait3A_70 = tpu.memref_slice %dma_wait3A_67[%dma_wait3A, %dma_wait3A_68, %dma_wait3A_69] : memref<2x128x64xf32, #tpu.memory_space<vmem>> -> memref<1x128x64xf32, #tpu.memory_space<vmem>>
    %dma_wait3A_71 = tpu.memref_squeeze %dma_wait3A_70 : memref<1x128x64xf32, #tpu.memory_space<vmem>> -> memref<128x64xf32, #tpu.memory_space<vmem>>
    tpu.wait_dma2 semaphore(%arg8 : memref<!tpu.dma_semaphore, #tpu.memory_space<semaphore_mem>>) src(%dma_wait3A_71 : memref<128x64xf32, #tpu.memory_space<vmem>>) dst(%dma_wait3A_62 : memref<128x64xf32, #tpu.memory_space<hbm>>)
    %dma_wait3A_72 = arith.constant 1 : i32
    %dma_wait3A_73 = arith.constant 99 : i32
    %dma_wait3A_74 = arith.constant 0 : i32
    %dma_wait3A_75 = arith.constant 0 : i32
    %dma_wait3A_76 = arith.constant 0 : i32
    %dma_wait3A_77 = tpu.memref_slice %arg6[%rem3A_46, %dma_wait3A_74, %dma_wait3A_75, %dma_wait3A_76] : memref<3x2x128x64xf32, #tpu.memory_space<vmem>> -> memref<1x2x128x64xf32, #tpu.memory_space<vmem>>
    %dma_wait3A_78 = tpu.memref_squeeze %dma_wait3A_77 : memref<1x2x128x64xf32, #tpu.memory_space<vmem>> -> memref<2x128x64xf32, #tpu.memory_space<vmem>>
    %dma_wait3A_79 = arith.constant 0 : i32
    %dma_wait3A_80 = arith.constant 0 : i32
    %dma_wait3A_81 = tpu.memref_slice %dma_wait3A_78[%dma_wait3A_72, %dma_wait3A_79, %dma_wait3A_80] : memref<2x128x64xf32, #tpu.memory_space<vmem>> -> memref<1x128x64xf32, #tpu.memory_space<vmem>>
    %dma_wait3A_82 = tpu.memref_squeeze %dma_wait3A_81 : memref<1x128x64xf32, #tpu.memory_space<vmem>> -> memref<128x64xf32, #tpu.memory_space<vmem>>
    %dma_wait3A_83 = arith.constant 64 : i32
    %dma_wait3A_84 = tpu.memref_slice %arg4[%dma_wait3A_73, %mul3A_2, %dma_wait3A_83] : memref<100x4096x128xf32, #tpu.memory_space<hbm>> -> memref<1x128x64xf32, #tpu.memory_space<hbm>>
    %dma_wait3A_85 = tpu.memref_squeeze %dma_wait3A_84 : memref<1x128x64xf32, #tpu.memory_space<hbm>> -> memref<128x64xf32, #tpu.memory_space<hbm>>
    %dma_wait3A_86 = arith.constant 64 : i32
    %dma_wait3A_87 = tpu.memref_slice %arg4[%dma_wait3A_73, %mul3A_2, %dma_wait3A_86] : memref<100x4096x128xf32, #tpu.memory_space<hbm>> -> memref<1x128x64xf32, #tpu.memory_space<hbm>>
    %dma_wait3A_88 = tpu.memref_squeeze %dma_wait3A_87 : memref<1x128x64xf32, #tpu.memory_space<hbm>> -> memref<128x64xf32, #tpu.memory_space<hbm>>
    %dma_wait3A_89 = arith.constant 0 : i32
    %dma_wait3A_90 = arith.constant 0 : i32
    %dma_wait3A_91 = arith.constant 0 : i32
    %dma_wait3A_92 = tpu.memref_slice %arg6[%rem3A_46, %dma_wait3A_89, %dma_wait3A_90, %dma_wait3A_91] : memref<3x2x128x64xf32, #tpu.memory_space<vmem>> -> memref<1x2x128x64xf32, #tpu.memory_space<vmem>>
    %dma_wait3A_93 = tpu.memref_squeeze %dma_wait3A_92 : memref<1x2x128x64xf32, #tpu.memory_space<vmem>> -> memref<2x128x64xf32, #tpu.memory_space<vmem>>
    %dma_wait3A_94 = arith.constant 0 : i32
    %dma_wait3A_95 = arith.constant 0 : i32
    %dma_wait3A_96 = tpu.memref_slice %dma_wait3A_93[%dma_wait3A_72, %dma_wait3A_94, %dma_wait3A_95] : memref<2x128x64xf32, #tpu.memory_space<vmem>> -> memref<1x128x64xf32, #tpu.memory_space<vmem>>
    %dma_wait3A_97 = tpu.memref_squeeze %dma_wait3A_96 : memref<1x128x64xf32, #tpu.memory_space<vmem>> -> memref<128x64xf32, #tpu.memory_space<vmem>>
    tpu.wait_dma2 semaphore(%arg8 : memref<!tpu.dma_semaphore, #tpu.memory_space<semaphore_mem>>) src(%dma_wait3A_97 : memref<128x64xf32, #tpu.memory_space<vmem>>) dst(%dma_wait3A_88 : memref<128x64xf32, #tpu.memory_space<hbm>>)
    %rem3A_98 = arith.constant 98 : i32
    %rem3A_99 = arith.constant 3 : i32
    %rem3A_100 = arith.remsi %rem3A_98, %rem3A_99 : i32
    %dma_wait3A_101 = arith.constant 0 : i32
    %dma_wait3A_102 = arith.constant 98 : i32
    %dma_wait3A_103 = arith.constant 0 : i32
    %dma_wait3A_104 = arith.constant 0 : i32
    %dma_wait3A_105 = arith.constant 0 : i32
    %dma_wait3A_106 = tpu.memref_slice %arg6[%rem3A_100, %dma_wait3A_103, %dma_wait3A_104, %dma_wait3A_105] : memref<3x2x128x64xf32, #tpu.memory_space<vmem>> -> memref<1x2x128x64xf32, #tpu.memory_space<vmem>>
    %dma_wait3A_107 = tpu.memref_squeeze %dma_wait3A_106 : memref<1x2x128x64xf32, #tpu.memory_space<vmem>> -> memref<2x128x64xf32, #tpu.memory_space<vmem>>
    %dma_wait3A_108 = arith.constant 0 : i32
    %dma_wait3A_109 = arith.constant 0 : i32
    %dma_wait3A_110 = tpu.memref_slice %dma_wait3A_107[%dma_wait3A_101, %dma_wait3A_108, %dma_wait3A_109] : memref<2x128x64xf32, #tpu.memory_space<vmem>> -> memref<1x128x64xf32, #tpu.memory_space<vmem>>
    %dma_wait3A_111 = tpu.memref_squeeze %dma_wait3A_110 : memref<1x128x64xf32, #tpu.memory_space<vmem>> -> memref<128x64xf32, #tpu.memory_space<vmem>>
    %dma_wait3A_112 = arith.constant 0 : i32
    %dma_wait3A_113 = tpu.memref_slice %arg4[%dma_wait3A_102, %mul3A_2, %dma_wait3A_112] : memref<100x4096x128xf32, #tpu.memory_space<hbm>> -> memref<1x128x64xf32, #tpu.memory_space<hbm>>
    %dma_wait3A_114 = tpu.memref_squeeze %dma_wait3A_113 : memref<1x128x64xf32, #tpu.memory_space<hbm>> -> memref<128x64xf32, #tpu.memory_space<hbm>>
    %dma_wait3A_115 = arith.constant 0 : i32
    %dma_wait3A_116 = tpu.memref_slice %arg4[%dma_wait3A_102, %mul3A_2, %dma_wait3A_115] : memref<100x4096x128xf32, #tpu.memory_space<hbm>> -> memref<1x128x64xf32, #tpu.memory_space<hbm>>
    %dma_wait3A_117 = tpu.memref_squeeze %dma_wait3A_116 : memref<1x128x64xf32, #tpu.memory_space<hbm>> -> memref<128x64xf32, #tpu.memory_space<hbm>>
    %dma_wait3A_118 = arith.constant 0 : i32
    %dma_wait3A_119 = arith.constant 0 : i32
    %dma_wait3A_120 = arith.constant 0 : i32
    %dma_wait3A_121 = tpu.memref_slice %arg6[%rem3A_100, %dma_wait3A_118, %dma_wait3A_119, %dma_wait3A_120] : memref<3x2x128x64xf32, #tpu.memory_space<vmem>> -> memref<1x2x128x64xf32, #tpu.memory_space<vmem>>
    %dma_wait3A_122 = tpu.memref_squeeze %dma_wait3A_121 : memref<1x2x128x64xf32, #tpu.memory_space<vmem>> -> memref<2x128x64xf32, #tpu.memory_space<vmem>>
    %dma_wait3A_123 = arith.constant 0 : i32
    %dma_wait3A_124 = arith.constant 0 : i32
    %dma_wait3A_125 = tpu.memref_slice %dma_wait3A_122[%dma_wait3A_101, %dma_wait3A_123, %dma_wait3A_124] : memref<2x128x64xf32, #tpu.memory_space<vmem>> -> memref<1x128x64xf32, #tpu.memory_space<vmem>>
    %dma_wait3A_126 = tpu.memref_squeeze %dma_wait3A_125 : memref<1x128x64xf32, #tpu.memory_space<vmem>> -> memref<128x64xf32, #tpu.memory_space<vmem>>
    tpu.wait_dma2 semaphore(%arg8 : memref<!tpu.dma_semaphore, #tpu.memory_space<semaphore_mem>>) src(%dma_wait3A_126 : memref<128x64xf32, #tpu.memory_space<vmem>>) dst(%dma_wait3A_117 : memref<128x64xf32, #tpu.memory_space<hbm>>)
    %dma_wait3A_127 = arith.constant 1 : i32
    %dma_wait3A_128 = arith.constant 98 : i32
    %dma_wait3A_129 = arith.constant 0 : i32
    %dma_wait3A_130 = arith.constant 0 : i32
    %dma_wait3A_131 = arith.constant 0 : i32
    %dma_wait3A_132 = tpu.memref_slice %arg6[%rem3A_100, %dma_wait3A_129, %dma_wait3A_130, %dma_wait3A_131] : memref<3x2x128x64xf32, #tpu.memory_space<vmem>> -> memref<1x2x128x64xf32, #tpu.memory_space<vmem>>
    %dma_wait3A_133 = tpu.memref_squeeze %dma_wait3A_132 : memref<1x2x128x64xf32, #tpu.memory_space<vmem>> -> memref<2x128x64xf32, #tpu.memory_space<vmem>>
    %dma_wait3A_134 = arith.constant 0 : i32
    %dma_wait3A_135 = arith.constant 0 : i32
    %dma_wait3A_136 = tpu.memref_slice %dma_wait3A_133[%dma_wait3A_127, %dma_wait3A_134, %dma_wait3A_135] : memref<2x128x64xf32, #tpu.memory_space<vmem>> -> memref<1x128x64xf32, #tpu.memory_space<vmem>>
    %dma_wait3A_137 = tpu.memref_squeeze %dma_wait3A_136 : memref<1x128x64xf32, #tpu.memory_space<vmem>> -> memref<128x64xf32, #tpu.memory_space<vmem>>
    %dma_wait3A_138 = arith.constant 64 : i32
    %dma_wait3A_139 = tpu.memref_slice %arg4[%dma_wait3A_128, %mul3A_2, %dma_wait3A_138] : memref<100x4096x128xf32, #tpu.memory_space<hbm>> -> memref<1x128x64xf32, #tpu.memory_space<hbm>>
    %dma_wait3A_140 = tpu.memref_squeeze %dma_wait3A_139 : memref<1x128x64xf32, #tpu.memory_space<hbm>> -> memref<128x64xf32, #tpu.memory_space<hbm>>
    %dma_wait3A_141 = arith.constant 64 : i32
    %dma_wait3A_142 = tpu.memref_slice %arg4[%dma_wait3A_128, %mul3A_2, %dma_wait3A_141] : memref<100x4096x128xf32, #tpu.memory_space<hbm>> -> memref<1x128x64xf32, #tpu.memory_space<hbm>>
    %dma_wait3A_143 = tpu.memref_squeeze %dma_wait3A_142 : memref<1x128x64xf32, #tpu.memory_space<hbm>> -> memref<128x64xf32, #tpu.memory_space<hbm>>
    %dma_wait3A_144 = arith.constant 0 : i32
    %dma_wait3A_145 = arith.constant 0 : i32
    %dma_wait3A_146 = arith.constant 0 : i32
    %dma_wait3A_147 = tpu.memref_slice %arg6[%rem3A_100, %dma_wait3A_144, %dma_wait3A_145, %dma_wait3A_146] : memref<3x2x128x64xf32, #tpu.memory_space<vmem>> -> memref<1x2x128x64xf32, #tpu.memory_space<vmem>>
    %dma_wait3A_148 = tpu.memref_squeeze %dma_wait3A_147 : memref<1x2x128x64xf32, #tpu.memory_space<vmem>> -> memref<2x128x64xf32, #tpu.memory_space<vmem>>
    %dma_wait3A_149 = arith.constant 0 : i32
    %dma_wait3A_150 = arith.constant 0 : i32
    %dma_wait3A_151 = tpu.memref_slice %dma_wait3A_148[%dma_wait3A_127, %dma_wait3A_149, %dma_wait3A_150] : memref<2x128x64xf32, #tpu.memory_space<vmem>> -> memref<1x128x64xf32, #tpu.memory_space<vmem>>
    %dma_wait3A_152 = tpu.memref_squeeze %dma_wait3A_151 : memref<1x128x64xf32, #tpu.memory_space<vmem>> -> memref<128x64xf32, #tpu.memory_space<vmem>>
    tpu.wait_dma2 semaphore(%arg8 : memref<!tpu.dma_semaphore, #tpu.memory_space<semaphore_mem>>) src(%dma_wait3A_152 : memref<128x64xf32, #tpu.memory_space<vmem>>) dst(%dma_wait3A_143 : memref<128x64xf32, #tpu.memory_space<hbm>>)
    return
  }
}

#map = affine_map<(d0, d1) -> (0, 0)>
#map1 = affine_map<(d0, d1) -> (0, 0, 0)>
module attributes {stable_mosaic.version = 14 : i64} {
  func.func @gather_kernel(%arg0: i32, %arg1: i32, %arg2: memref<200x16384xi32, #tpu.memory_space<hbm>>, %arg3: memref<100000x64xf32, #tpu.memory_space<hbm>>, %arg4: memref<100x4096x128xf32, #tpu.memory_space<hbm>>, %arg5: memref<200x128xi32, #tpu.memory_space<vmem>>, %arg6: memref<3x2x128x64xf32, #tpu.memory_space<vmem>>, %arg7: memref<!tpu.dma_semaphore, #tpu.memory_space<semaphore_mem>>, %arg8: memref<!tpu.dma_semaphore, #tpu.memory_space<semaphore_mem>>) attributes {dimension_semantics = [#tpu.dimension_semantics<core_parallel>, #tpu.dimension_semantics<subcore_parallel>], iteration_bounds = array<i64: 2, 16>, scalar_prefetch = 0 : i64, scratch_operands = 4 : i64, tpu.core_type = #tpu.core_type<sc_vector_subcore>, window_params = [{transform_indices = #map}, {transform_indices = #map}, {transform_indices = #map1}]} {
    %mul3A = arith.constant 2 : i32
    %mul3A_0 = arith.muli %arg1, %mul3A : i32
    %add3A = arith.addi %mul3A_0, %arg0 : i32
    %mul3A_1 = arith.constant 128 : i32
    %mul3A_2 = arith.muli %add3A, %mul3A_1 : i32
    %add3A_3 = arith.constant 12288 : i32
    %add3A_4 = arith.addi %add3A_3, %mul3A_2 : i32
    "tpu.region"() ({
      %run_scoped3A = tpu.sem_alloc : memref<!tpu.dma_semaphore, #tpu.memory_space<semaphore_mem>>
      %dma_start3A_153 = arith.constant 0 : i32
      %dma_start3A_154 = tpu.memref_slice %arg2[%dma_start3A_153, %add3A_4] : memref<200x16384xi32, #tpu.memory_space<hbm>> -> memref<200x128xi32, #tpu.memory_space<hbm>>
      %dma_start3A_155 = arith.constant 0 : i32
      %dma_start3A_156 = tpu.memref_slice %arg2[%dma_start3A_155, %add3A_4] : memref<200x16384xi32, #tpu.memory_space<hbm>> -> memref<200x128xi32, #tpu.memory_space<hbm>>
      tpu.enqueue_dma source(%dma_start3A_156 : memref<200x128xi32, #tpu.memory_space<hbm>>) target(%arg5 : memref<200x128xi32, #tpu.memory_space<vmem>>) target_semaphore(%run_scoped3A : memref<!tpu.dma_semaphore, #tpu.memory_space<semaphore_mem>>)
      %dma_wait3A_157 = arith.constant 0 : i32
      %dma_wait3A_158 = tpu.memref_slice %arg2[%dma_wait3A_157, %add3A_4] : memref<200x16384xi32, #tpu.memory_space<hbm>> -> memref<200x128xi32, #tpu.memory_space<hbm>>
      %dma_wait3A_159 = arith.constant 0 : i32
      %dma_wait3A_160 = tpu.memref_slice %arg2[%dma_wait3A_159, %add3A_4] : memref<200x16384xi32, #tpu.memory_space<hbm>> -> memref<200x128xi32, #tpu.memory_space<hbm>>
      tpu.wait_dma2 semaphore(%run_scoped3A : memref<!tpu.dma_semaphore, #tpu.memory_space<semaphore_mem>>) src(%dma_wait3A_160 : memref<200x128xi32, #tpu.memory_space<hbm>>) dst(%arg5 : memref<200x128xi32, #tpu.memory_space<vmem>>)
      tpu.yield
    }) : () -> ()
    %dma_start3A = arith.constant 0 : i32
    %dma_start3A_5 = arith.constant 0 : i32
    %dma_start3A_6 = arith.constant 0 : i32
    %dma_start3A_7 = arith.constant 0 : i32
    %dma_start3A_8 = arith.constant 0 : i32
    %dma_start3A_9 = arith.constant 0 : i32
    %dma_start3A_10 = tpu.memref_slice %arg6[%dma_start3A_5, %dma_start3A_7, %dma_start3A_8, %dma_start3A_9] : memref<3x2x128x64xf32, #tpu.memory_space<vmem>> -> memref<1x2x128x64xf32, #tpu.memory_space<vmem>>
    %dma_start3A_11 = tpu.memref_squeeze %dma_start3A_10 : memref<1x2x128x64xf32, #tpu.memory_space<vmem>> -> memref<2x128x64xf32, #tpu.memory_space<vmem>>
    %dma_start3A_12 = arith.constant 0 : i32
    %dma_start3A_13 = arith.constant 0 : i32
    %dma_start3A_14 = tpu.memref_slice %dma_start3A_11[%dma_start3A_6, %dma_start3A_12, %dma_start3A_13] : memref<2x128x64xf32, #tpu.memory_space<vmem>> -> memref<1x128x64xf32, #tpu.memory_space<vmem>>
    %dma_start3A_15 = tpu.memref_squeeze %dma_start3A_14 : memref<1x128x64xf32, #tpu.memory_space<vmem>> -> memref<128x64xf32, #tpu.memory_space<vmem>>
    %dma_start3A_16 = arith.constant 0 : i32
    %dma_start3A_17 = tpu.memref_slice %arg5[%dma_start3A, %dma_start3A_16] : memref<200x128xi32, #tpu.memory_space<vmem>> -> memref<1x128xi32, #tpu.memory_space<vmem>>
    %dma_start3A_18 = tpu.memref_squeeze %dma_start3A_17 : memref<1x128xi32, #tpu.memory_space<vmem>> -> memref<128xi32, #tpu.memory_space<vmem>>
    %dma_start3A_19 = arith.constant 0 : i32
    %dma_start3A_20 = arith.constant 0 : i32
    %dma_start3A_21 = tpu.memref_slice %arg3[%dma_start3A_19, %dma_start3A_20] : memref<100000x64xf32, #tpu.memory_space<hbm>> -> memref<100000x64xf32, #tpu.memory_space<hbm>>
    tpu.enqueue_indirect_dma source(%dma_start3A_21 : memref<100000x64xf32, #tpu.memory_space<hbm>>) target(%dma_start3A_15 : memref<128x64xf32, #tpu.memory_space<vmem>>) offsets(%dma_start3A_18 : memref<128xi32, #tpu.memory_space<vmem>>) semaphore(%arg7 : memref<!tpu.dma_semaphore, #tpu.memory_space<semaphore_mem>>)
    %dma_start3A_22 = arith.constant 1 : i32
    %dma_start3A_23 = arith.constant 0 : i32
    %dma_start3A_24 = arith.constant 1 : i32
    %dma_start3A_25 = arith.constant 0 : i32
    %dma_start3A_26 = arith.constant 0 : i32
    %dma_start3A_27 = arith.constant 0 : i32
    %dma_start3A_28 = tpu.memref_slice %arg6[%dma_start3A_23, %dma_start3A_25, %dma_start3A_26, %dma_start3A_27] : memref<3x2x128x64xf32, #tpu.memory_space<vmem>> -> memref<1x2x128x64xf32, #tpu.memory_space<vmem>>
    %dma_start3A_29 = tpu.memref_squeeze %dma_start3A_28 : memref<1x2x128x64xf32, #tpu.memory_space<vmem>> -> memref<2x128x64xf32, #tpu.memory_space<vmem>>
    %dma_start3A_30 = arith.constant 0 : i32
    %dma_start3A_31 = arith.constant 0 : i32
    %dma_start3A_32 = tpu.memref_slice %dma_start3A_29[%dma_start3A_24, %dma_start3A_30, %dma_start3A_31] : memref<2x128x64xf32, #tpu.memory_space<vmem>> -> memref<1x128x64xf32, #tpu.memory_space<vmem>>
    %dma_start3A_33 = tpu.memref_squeeze %dma_start3A_32 : memref<1x128x64xf32, #tpu.memory_space<vmem>> -> memref<128x64xf32, #tpu.memory_space<vmem>>
    %dma_start3A_34 = arith.constant 0 : i32
    %dma_start3A_35 = tpu.memref_slice %arg5[%dma_start3A_22, %dma_start3A_34] : memref<200x128xi32, #tpu.memory_space<vmem>> -> memref<1x128xi32, #tpu.memory_space<vmem>>
    %dma_start3A_36 = tpu.memref_squeeze %dma_start3A_35 : memref<1x128xi32, #tpu.memory_space<vmem>> -> memref<128xi32, #tpu.memory_space<vmem>>
    %dma_start3A_37 = arith.constant 0 : i32
    %dma_start3A_38 = arith.constant 0 : i32
    %dma_start3A_39 = tpu.memref_slice %arg3[%dma_start3A_37, %dma_start3A_38] : memref<100000x64xf32, #tpu.memory_space<hbm>> -> memref<100000x64xf32, #tpu.memory_space<hbm>>
    tpu.enqueue_indirect_dma source(%dma_start3A_39 : memref<100000x64xf32, #tpu.memory_space<hbm>>) target(%dma_start3A_33 : memref<128x64xf32, #tpu.memory_space<vmem>>) offsets(%dma_start3A_36 : memref<128xi32, #tpu.memory_space<vmem>>) semaphore(%arg7 : memref<!tpu.dma_semaphore, #tpu.memory_space<semaphore_mem>>)
    %scan3A = arith.constant 0 : i32
    %scan3A_40 = arith.constant 0 : i32
    %scan3A_41 = arith.constant 100 : i32
    %scan3A_42 = arith.addi %scan3A_40, %scan3A_41 : i32
    %scan3A_43 = arith.constant 1 : i32
    scf.for %scan3A_153 = %scan3A_40 to %scan3A_42 step %scan3A_43  : i32 {
      %rem3A_154 = arith.constant 3 : i32
      %rem3A_155 = arith.remsi %scan3A_153, %rem3A_154 : i32
      %add3A_156 = arith.constant 1 : i32
      %add3A_157 = arith.addi %scan3A_153, %add3A_156 : i32
      %rem3A_158 = arith.constant 3 : i32
      %rem3A_159 = arith.remsi %add3A_157, %rem3A_158 : i32
      %ge3A = arith.constant 2 : i32
      %ge3A_160 = arith.cmpi sge, %scan3A_153, %ge3A : i32
      %convert_element_type3A = arith.extui %ge3A_160 : i1 to i32
      %cond3A = arith.constant 0 : i32
      %cond3A_161 = arith.cmpi ne, %convert_element_type3A, %cond3A : i32
      scf.if %cond3A_161 {
        %dma_wait3A_258 = arith.constant 0 : i32
        %dma_wait3A_259 = arith.constant 0 : i32
        %dma_wait3A_260 = arith.constant 0 : i32
        %dma_wait3A_261 = arith.constant 0 : i32
        %dma_wait3A_262 = tpu.memref_slice %arg6[%rem3A_159, %dma_wait3A_259, %dma_wait3A_260, %dma_wait3A_261] : memref<3x2x128x64xf32, #tpu.memory_space<vmem>> -> memref<1x2x128x64xf32, #tpu.memory_space<vmem>>
        %dma_wait3A_263 = tpu.memref_squeeze %dma_wait3A_262 : memref<1x2x128x64xf32, #tpu.memory_space<vmem>> -> memref<2x128x64xf32, #tpu.memory_space<vmem>>
        %dma_wait3A_264 = arith.constant 0 : i32
        %dma_wait3A_265 = arith.constant 0 : i32
        %dma_wait3A_266 = tpu.memref_slice %dma_wait3A_263[%dma_wait3A_258, %dma_wait3A_264, %dma_wait3A_265] : memref<2x128x64xf32, #tpu.memory_space<vmem>> -> memref<1x128x64xf32, #tpu.memory_space<vmem>>
        %dma_wait3A_267 = tpu.memref_squeeze %dma_wait3A_266 : memref<1x128x64xf32, #tpu.memory_space<vmem>> -> memref<128x64xf32, #tpu.memory_space<vmem>>
        %dma_wait3A_268 = arith.constant 0 : i32
        %dma_wait3A_269 = tpu.memref_slice %arg4[%scan3A_153, %mul3A_2, %dma_wait3A_268] : memref<100x4096x128xf32, #tpu.memory_space<hbm>> -> memref<1x128x64xf32, #tpu.memory_space<hbm>>
        %dma_wait3A_270 = tpu.memref_squeeze %dma_wait3A_269 : memref<1x128x64xf32, #tpu.memory_space<hbm>> -> memref<128x64xf32, #tpu.memory_space<hbm>>
        %dma_wait3A_271 = arith.constant 0 : i32
        %dma_wait3A_272 = tpu.memref_slice %arg4[%scan3A_153, %mul3A_2, %dma_wait3A_271] : memref<100x4096x128xf32, #tpu.memory_space<hbm>> -> memref<1x128x64xf32, #tpu.memory_space<hbm>>
        %dma_wait3A_273 = tpu.memref_squeeze %dma_wait3A_272 : memref<1x128x64xf32, #tpu.memory_space<hbm>> -> memref<128x64xf32, #tpu.memory_space<hbm>>
        %dma_wait3A_274 = arith.constant 0 : i32
        %dma_wait3A_275 = arith.constant 0 : i32
        %dma_wait3A_276 = arith.constant 0 : i32
        %dma_wait3A_277 = tpu.memref_slice %arg6[%rem3A_159, %dma_wait3A_274, %dma_wait3A_275, %dma_wait3A_276] : memref<3x2x128x64xf32, #tpu.memory_space<vmem>> -> memref<1x2x128x64xf32, #tpu.memory_space<vmem>>
        %dma_wait3A_278 = tpu.memref_squeeze %dma_wait3A_277 : memref<1x2x128x64xf32, #tpu.memory_space<vmem>> -> memref<2x128x64xf32, #tpu.memory_space<vmem>>
        %dma_wait3A_279 = arith.constant 0 : i32
        %dma_wait3A_280 = arith.constant 0 : i32
        %dma_wait3A_281 = tpu.memref_slice %dma_wait3A_278[%dma_wait3A_258, %dma_wait3A_279, %dma_wait3A_280] : memref<2x128x64xf32, #tpu.memory_space<vmem>> -> memref<1x128x64xf32, #tpu.memory_space<vmem>>
        %dma_wait3A_282 = tpu.memref_squeeze %dma_wait3A_281 : memref<1x128x64xf32, #tpu.memory_space<vmem>> -> memref<128x64xf32, #tpu.memory_space<vmem>>
        tpu.wait_dma2 semaphore(%arg8 : memref<!tpu.dma_semaphore, #tpu.memory_space<semaphore_mem>>) src(%dma_wait3A_282 : memref<128x64xf32, #tpu.memory_space<vmem>>) dst(%dma_wait3A_273 : memref<128x64xf32, #tpu.memory_space<hbm>>)
        %dma_wait3A_283 = arith.constant 1 : i32
        %dma_wait3A_284 = arith.constant 0 : i32
        %dma_wait3A_285 = arith.constant 0 : i32
        %dma_wait3A_286 = arith.constant 0 : i32
        %dma_wait3A_287 = tpu.memref_slice %arg6[%rem3A_159, %dma_wait3A_284, %dma_wait3A_285, %dma_wait3A_286] : memref<3x2x128x64xf32, #tpu.memory_space<vmem>> -> memref<1x2x128x64xf32, #tpu.memory_space<vmem>>
        %dma_wait3A_288 = tpu.memref_squeeze %dma_wait3A_287 : memref<1x2x128x64xf32, #tpu.memory_space<vmem>> -> memref<2x128x64xf32, #tpu.memory_space<vmem>>
        %dma_wait3A_289 = arith.constant 0 : i32
        %dma_wait3A_290 = arith.constant 0 : i32
        %dma_wait3A_291 = tpu.memref_slice %dma_wait3A_288[%dma_wait3A_283, %dma_wait3A_289, %dma_wait3A_290] : memref<2x128x64xf32, #tpu.memory_space<vmem>> -> memref<1x128x64xf32, #tpu.memory_space<vmem>>
        %dma_wait3A_292 = tpu.memref_squeeze %dma_wait3A_291 : memref<1x128x64xf32, #tpu.memory_space<vmem>> -> memref<128x64xf32, #tpu.memory_space<vmem>>
        %dma_wait3A_293 = arith.constant 64 : i32
        %dma_wait3A_294 = tpu.memref_slice %arg4[%scan3A_153, %mul3A_2, %dma_wait3A_293] : memref<100x4096x128xf32, #tpu.memory_space<hbm>> -> memref<1x128x64xf32, #tpu.memory_space<hbm>>
        %dma_wait3A_295 = tpu.memref_squeeze %dma_wait3A_294 : memref<1x128x64xf32, #tpu.memory_space<hbm>> -> memref<128x64xf32, #tpu.memory_space<hbm>>
        %dma_wait3A_296 = arith.constant 64 : i32
        %dma_wait3A_297 = tpu.memref_slice %arg4[%scan3A_153, %mul3A_2, %dma_wait3A_296] : memref<100x4096x128xf32, #tpu.memory_space<hbm>> -> memref<1x128x64xf32, #tpu.memory_space<hbm>>
        %dma_wait3A_298 = tpu.memref_squeeze %dma_wait3A_297 : memref<1x128x64xf32, #tpu.memory_space<hbm>> -> memref<128x64xf32, #tpu.memory_space<hbm>>
        %dma_wait3A_299 = arith.constant 0 : i32
        %dma_wait3A_300 = arith.constant 0 : i32
        %dma_wait3A_301 = arith.constant 0 : i32
        %dma_wait3A_302 = tpu.memref_slice %arg6[%rem3A_159, %dma_wait3A_299, %dma_wait3A_300, %dma_wait3A_301] : memref<3x2x128x64xf32, #tpu.memory_space<vmem>> -> memref<1x2x128x64xf32, #tpu.memory_space<vmem>>
        %dma_wait3A_303 = tpu.memref_squeeze %dma_wait3A_302 : memref<1x2x128x64xf32, #tpu.memory_space<vmem>> -> memref<2x128x64xf32, #tpu.memory_space<vmem>>
        %dma_wait3A_304 = arith.constant 0 : i32
        %dma_wait3A_305 = arith.constant 0 : i32
        %dma_wait3A_306 = tpu.memref_slice %dma_wait3A_303[%dma_wait3A_283, %dma_wait3A_304, %dma_wait3A_305] : memref<2x128x64xf32, #tpu.memory_space<vmem>> -> memref<1x128x64xf32, #tpu.memory_space<vmem>>
        %dma_wait3A_307 = tpu.memref_squeeze %dma_wait3A_306 : memref<1x128x64xf32, #tpu.memory_space<vmem>> -> memref<128x64xf32, #tpu.memory_space<vmem>>
        tpu.wait_dma2 semaphore(%arg8 : memref<!tpu.dma_semaphore, #tpu.memory_space<semaphore_mem>>) src(%dma_wait3A_307 : memref<128x64xf32, #tpu.memory_space<vmem>>) dst(%dma_wait3A_298 : memref<128x64xf32, #tpu.memory_space<hbm>>)
      } else {
      }
      %add3A_162 = arith.constant 1 : i32
      %add3A_163 = arith.addi %scan3A_153, %add3A_162 : i32
      %lt3A = arith.constant 100 : i32
      %lt3A_164 = arith.cmpi slt, %add3A_163, %lt3A : i32
      %convert_element_type3A_165 = arith.extui %lt3A_164 : i1 to i32
      %cond3A_166 = arith.constant 0 : i32
      %cond3A_167 = arith.cmpi ne, %convert_element_type3A_165, %cond3A_166 : i32
      scf.if %cond3A_167 {
        %add3A_258 = arith.constant 1 : i32
        %add3A_259 = arith.addi %scan3A_153, %add3A_258 : i32
        %mul3A_260 = arith.constant 2 : i32
        %mul3A_261 = arith.muli %mul3A_260, %add3A_259 : i32
        %add3A_262 = arith.constant 0 : i32
        %add3A_263 = arith.addi %mul3A_261, %add3A_262 : i32
        %dma_start3A_264 = arith.constant 0 : i32
        %dma_start3A_265 = arith.constant 0 : i32
        %dma_start3A_266 = arith.constant 0 : i32
        %dma_start3A_267 = arith.constant 0 : i32
        %dma_start3A_268 = tpu.memref_slice %arg6[%rem3A_159, %dma_start3A_265, %dma_start3A_266, %dma_start3A_267] : memref<3x2x128x64xf32, #tpu.memory_space<vmem>> -> memref<1x2x128x64xf32, #tpu.memory_space<vmem>>
        %dma_start3A_269 = tpu.memref_squeeze %dma_start3A_268 : memref<1x2x128x64xf32, #tpu.memory_space<vmem>> -> memref<2x128x64xf32, #tpu.memory_space<vmem>>
        %dma_start3A_270 = arith.constant 0 : i32
        %dma_start3A_271 = arith.constant 0 : i32
        %dma_start3A_272 = tpu.memref_slice %dma_start3A_269[%dma_start3A_264, %dma_start3A_270, %dma_start3A_271] : memref<2x128x64xf32, #tpu.memory_space<vmem>> -> memref<1x128x64xf32, #tpu.memory_space<vmem>>
        %dma_start3A_273 = tpu.memref_squeeze %dma_start3A_272 : memref<1x128x64xf32, #tpu.memory_space<vmem>> -> memref<128x64xf32, #tpu.memory_space<vmem>>
        %dma_start3A_274 = arith.constant 0 : i32
        %dma_start3A_275 = tpu.memref_slice %arg5[%add3A_263, %dma_start3A_274] : memref<200x128xi32, #tpu.memory_space<vmem>> -> memref<1x128xi32, #tpu.memory_space<vmem>>
        %dma_start3A_276 = tpu.memref_squeeze %dma_start3A_275 : memref<1x128xi32, #tpu.memory_space<vmem>> -> memref<128xi32, #tpu.memory_space<vmem>>
        %dma_start3A_277 = arith.constant 0 : i32
        %dma_start3A_278 = arith.constant 0 : i32
        %dma_start3A_279 = tpu.memref_slice %arg3[%dma_start3A_277, %dma_start3A_278] : memref<100000x64xf32, #tpu.memory_space<hbm>> -> memref<100000x64xf32, #tpu.memory_space<hbm>>
        tpu.enqueue_indirect_dma source(%dma_start3A_279 : memref<100000x64xf32, #tpu.memory_space<hbm>>) target(%dma_start3A_273 : memref<128x64xf32, #tpu.memory_space<vmem>>) offsets(%dma_start3A_276 : memref<128xi32, #tpu.memory_space<vmem>>) semaphore(%arg7 : memref<!tpu.dma_semaphore, #tpu.memory_space<semaphore_mem>>)
        %mul3A_280 = arith.constant 2 : i32
        %mul3A_281 = arith.muli %mul3A_280, %add3A_259 : i32
        %add3A_282 = arith.constant 1 : i32
        %add3A_283 = arith.addi %mul3A_281, %add3A_282 : i32
        %dma_start3A_284 = arith.constant 1 : i32
        %dma_start3A_285 = arith.constant 0 : i32
        %dma_start3A_286 = arith.constant 0 : i32
        %dma_start3A_287 = arith.constant 0 : i32
        %dma_start3A_288 = tpu.memref_slice %arg6[%rem3A_159, %dma_start3A_285, %dma_start3A_286, %dma_start3A_287] : memref<3x2x128x64xf32, #tpu.memory_space<vmem>> -> memref<1x2x128x64xf32, #tpu.memory_space<vmem>>
        %dma_start3A_289 = tpu.memref_squeeze %dma_start3A_288 : memref<1x2x128x64xf32, #tpu.memory_space<vmem>> -> memref<2x128x64xf32, #tpu.memory_space<vmem>>
        %dma_start3A_290 = arith.constant 0 : i32
        %dma_start3A_291 = arith.constant 0 : i32
        %dma_start3A_292 = tpu.memref_slice %dma_start3A_289[%dma_start3A_284, %dma_start3A_290, %dma_start3A_291] : memref<2x128x64xf32, #tpu.memory_space<vmem>> -> memref<1x128x64xf32, #tpu.memory_space<vmem>>
        %dma_start3A_293 = tpu.memref_squeeze %dma_start3A_292 : memref<1x128x64xf32, #tpu.memory_space<vmem>> -> memref<128x64xf32, #tpu.memory_space<vmem>>
        %dma_start3A_294 = arith.constant 0 : i32
        %dma_start3A_295 = tpu.memref_slice %arg5[%add3A_283, %dma_start3A_294] : memref<200x128xi32, #tpu.memory_space<vmem>> -> memref<1x128xi32, #tpu.memory_space<vmem>>
        %dma_start3A_296 = tpu.memref_squeeze %dma_start3A_295 : memref<1x128xi32, #tpu.memory_space<vmem>> -> memref<128xi32, #tpu.memory_space<vmem>>
        %dma_start3A_297 = arith.constant 0 : i32
        %dma_start3A_298 = arith.constant 0 : i32
        %dma_start3A_299 = tpu.memref_slice %arg3[%dma_start3A_297, %dma_start3A_298] : memref<100000x64xf32, #tpu.memory_space<hbm>> -> memref<100000x64xf32, #tpu.memory_space<hbm>>
        tpu.enqueue_indirect_dma source(%dma_start3A_299 : memref<100000x64xf32, #tpu.memory_space<hbm>>) target(%dma_start3A_293 : memref<128x64xf32, #tpu.memory_space<vmem>>) offsets(%dma_start3A_296 : memref<128xi32, #tpu.memory_space<vmem>>) semaphore(%arg7 : memref<!tpu.dma_semaphore, #tpu.memory_space<semaphore_mem>>)
      } else {
      }
      %mul3A_168 = arith.constant 2 : i32
      %mul3A_169 = arith.muli %mul3A_168, %scan3A_153 : i32
      %add3A_170 = arith.constant 0 : i32
      %add3A_171 = arith.addi %mul3A_169, %add3A_170 : i32
      %dma_wait3A_172 = arith.constant 0 : i32
      %dma_wait3A_173 = arith.constant 0 : i32
      %dma_wait3A_174 = arith.constant 0 : i32
      %dma_wait3A_175 = arith.constant 0 : i32
      %dma_wait3A_176 = tpu.memref_slice %arg6[%rem3A_155, %dma_wait3A_173, %dma_wait3A_174, %dma_wait3A_175] : memref<3x2x128x64xf32, #tpu.memory_space<vmem>> -> memref<1x2x128x64xf32, #tpu.memory_space<vmem>>
      %dma_wait3A_177 = tpu.memref_squeeze %dma_wait3A_176 : memref<1x2x128x64xf32, #tpu.memory_space<vmem>> -> memref<2x128x64xf32, #tpu.memory_space<vmem>>
      %dma_wait3A_178 = arith.constant 0 : i32
      %dma_wait3A_179 = arith.constant 0 : i32
      %dma_wait3A_180 = tpu.memref_slice %dma_wait3A_177[%dma_wait3A_172, %dma_wait3A_178, %dma_wait3A_179] : memref<2x128x64xf32, #tpu.memory_space<vmem>> -> memref<1x128x64xf32, #tpu.memory_space<vmem>>
      %dma_wait3A_181 = tpu.memref_squeeze %dma_wait3A_180 : memref<1x128x64xf32, #tpu.memory_space<vmem>> -> memref<128x64xf32, #tpu.memory_space<vmem>>
      %dma_wait3A_182 = arith.constant 0 : i32
      %dma_wait3A_183 = tpu.memref_slice %arg5[%add3A_171, %dma_wait3A_182] : memref<200x128xi32, #tpu.memory_space<vmem>> -> memref<1x128xi32, #tpu.memory_space<vmem>>
      %dma_wait3A_184 = tpu.memref_squeeze %dma_wait3A_183 : memref<1x128xi32, #tpu.memory_space<vmem>> -> memref<128xi32, #tpu.memory_space<vmem>>
      %dma_wait3A_185 = arith.constant 0 : i32
      %dma_wait3A_186 = arith.constant 0 : i32
      %dma_wait3A_187 = tpu.memref_slice %arg3[%dma_wait3A_185, %dma_wait3A_186] : memref<100000x64xf32, #tpu.memory_space<hbm>> -> memref<100000x64xf32, #tpu.memory_space<hbm>>
      tpu.wait_indirect_dma semaphore(%arg7 : memref<!tpu.dma_semaphore, #tpu.memory_space<semaphore_mem>>) src(%dma_wait3A_187 : memref<100000x64xf32, #tpu.memory_space<hbm>>) dst(%dma_wait3A_181 : memref<128x64xf32, #tpu.memory_space<vmem>>)
      %mul3A_188 = arith.constant 2 : i32
      %mul3A_189 = arith.muli %mul3A_188, %scan3A_153 : i32
      %add3A_190 = arith.constant 1 : i32
      %add3A_191 = arith.addi %mul3A_189, %add3A_190 : i32
      %dma_wait3A_192 = arith.constant 1 : i32
      %dma_wait3A_193 = arith.constant 0 : i32
      %dma_wait3A_194 = arith.constant 0 : i32
      %dma_wait3A_195 = arith.constant 0 : i32
      %dma_wait3A_196 = tpu.memref_slice %arg6[%rem3A_155, %dma_wait3A_193, %dma_wait3A_194, %dma_wait3A_195] : memref<3x2x128x64xf32, #tpu.memory_space<vmem>> -> memref<1x2x128x64xf32, #tpu.memory_space<vmem>>
      %dma_wait3A_197 = tpu.memref_squeeze %dma_wait3A_196 : memref<1x2x128x64xf32, #tpu.memory_space<vmem>> -> memref<2x128x64xf32, #tpu.memory_space<vmem>>
      %dma_wait3A_198 = arith.constant 0 : i32
      %dma_wait3A_199 = arith.constant 0 : i32
      %dma_wait3A_200 = tpu.memref_slice %dma_wait3A_197[%dma_wait3A_192, %dma_wait3A_198, %dma_wait3A_199] : memref<2x128x64xf32, #tpu.memory_space<vmem>> -> memref<1x128x64xf32, #tpu.memory_space<vmem>>
      %dma_wait3A_201 = tpu.memref_squeeze %dma_wait3A_200 : memref<1x128x64xf32, #tpu.memory_space<vmem>> -> memref<128x64xf32, #tpu.memory_space<vmem>>
      %dma_wait3A_202 = arith.constant 0 : i32
      %dma_wait3A_203 = tpu.memref_slice %arg5[%add3A_191, %dma_wait3A_202] : memref<200x128xi32, #tpu.memory_space<vmem>> -> memref<1x128xi32, #tpu.memory_space<vmem>>
      %dma_wait3A_204 = tpu.memref_squeeze %dma_wait3A_203 : memref<1x128xi32, #tpu.memory_space<vmem>> -> memref<128xi32, #tpu.memory_space<vmem>>
      %dma_wait3A_205 = arith.constant 0 : i32
      %dma_wait3A_206 = arith.constant 0 : i32
      %dma_wait3A_207 = tpu.memref_slice %arg3[%dma_wait3A_205, %dma_wait3A_206] : memref<100000x64xf32, #tpu.memory_space<hbm>> -> memref<100000x64xf32, #tpu.memory_space<hbm>>
      tpu.wait_indirect_dma semaphore(%arg7 : memref<!tpu.dma_semaphore, #tpu.memory_space<semaphore_mem>>) src(%dma_wait3A_207 : memref<100000x64xf32, #tpu.memory_space<hbm>>) dst(%dma_wait3A_201 : memref<128x64xf32, #tpu.memory_space<vmem>>)
      %dma_start3A_208 = arith.constant 0 : i32
      %dma_start3A_209 = arith.constant 0 : i32
      %dma_start3A_210 = arith.constant 0 : i32
      %dma_start3A_211 = arith.constant 0 : i32
      %dma_start3A_212 = tpu.memref_slice %arg6[%rem3A_155, %dma_start3A_209, %dma_start3A_210, %dma_start3A_211] : memref<3x2x128x64xf32, #tpu.memory_space<vmem>> -> memref<1x2x128x64xf32, #tpu.memory_space<vmem>>
      %dma_start3A_213 = tpu.memref_squeeze %dma_start3A_212 : memref<1x2x128x64xf32, #tpu.memory_space<vmem>> -> memref<2x128x64xf32, #tpu.memory_space<vmem>>
      %dma_start3A_214 = arith.constant 0 : i32
      %dma_start3A_215 = arith.constant 0 : i32
      %dma_start3A_216 = tpu.memref_slice %dma_start3A_213[%dma_start3A_208, %dma_start3A_214, %dma_start3A_215] : memref<2x128x64xf32, #tpu.memory_space<vmem>> -> memref<1x128x64xf32, #tpu.memory_space<vmem>>
      %dma_start3A_217 = tpu.memref_squeeze %dma_start3A_216 : memref<1x128x64xf32, #tpu.memory_space<vmem>> -> memref<128x64xf32, #tpu.memory_space<vmem>>
      %dma_start3A_218 = arith.constant 0 : i32
      %dma_start3A_219 = tpu.memref_slice %arg4[%scan3A_153, %mul3A_2, %dma_start3A_218] : memref<100x4096x128xf32, #tpu.memory_space<hbm>> -> memref<1x128x64xf32, #tpu.memory_space<hbm>>
      %dma_start3A_220 = tpu.memref_squeeze %dma_start3A_219 : memref<1x128x64xf32, #tpu.memory_space<hbm>> -> memref<128x64xf32, #tpu.memory_space<hbm>>
      %dma_start3A_221 = arith.constant 0 : i32
      %dma_start3A_222 = tpu.memref_slice %arg4[%scan3A_153, %mul3A_2, %dma_start3A_221] : memref<100x4096x128xf32, #tpu.memory_space<hbm>> -> memref<1x128x64xf32, #tpu.memory_space<hbm>>
      %dma_start3A_223 = tpu.memref_squeeze %dma_start3A_222 : memref<1x128x64xf32, #tpu.memory_space<hbm>> -> memref<128x64xf32, #tpu.memory_space<hbm>>
      %dma_start3A_224 = arith.constant 0 : i32
      %dma_start3A_225 = arith.constant 0 : i32
      %dma_start3A_226 = arith.constant 0 : i32
      %dma_start3A_227 = tpu.memref_slice %arg6[%rem3A_155, %dma_start3A_224, %dma_start3A_225, %dma_start3A_226] : memref<3x2x128x64xf32, #tpu.memory_space<vmem>> -> memref<1x2x128x64xf32, #tpu.memory_space<vmem>>
      %dma_start3A_228 = tpu.memref_squeeze %dma_start3A_227 : memref<1x2x128x64xf32, #tpu.memory_space<vmem>> -> memref<2x128x64xf32, #tpu.memory_space<vmem>>
      %dma_start3A_229 = arith.constant 0 : i32
      %dma_start3A_230 = arith.constant 0 : i32
      %dma_start3A_231 = tpu.memref_slice %dma_start3A_228[%dma_start3A_208, %dma_start3A_229, %dma_start3A_230] : memref<2x128x64xf32, #tpu.memory_space<vmem>> -> memref<1x128x64xf32, #tpu.memory_space<vmem>>
      %dma_start3A_232 = tpu.memref_squeeze %dma_start3A_231 : memref<1x128x64xf32, #tpu.memory_space<vmem>> -> memref<128x64xf32, #tpu.memory_space<vmem>>
      tpu.enqueue_dma source(%dma_start3A_232 : memref<128x64xf32, #tpu.memory_space<vmem>>) target(%dma_start3A_223 : memref<128x64xf32, #tpu.memory_space<hbm>>) target_semaphore(%arg8 : memref<!tpu.dma_semaphore, #tpu.memory_space<semaphore_mem>>)
      %dma_start3A_233 = arith.constant 1 : i32
      %dma_start3A_234 = arith.constant 0 : i32
      %dma_start3A_235 = arith.constant 0 : i32
      %dma_start3A_236 = arith.constant 0 : i32
      %dma_start3A_237 = tpu.memref_slice %arg6[%rem3A_155, %dma_start3A_234, %dma_start3A_235, %dma_start3A_236] : memref<3x2x128x64xf32, #tpu.memory_space<vmem>> -> memref<1x2x128x64xf32, #tpu.memory_space<vmem>>
      %dma_start3A_238 = tpu.memref_squeeze %dma_start3A_237 : memref<1x2x128x64xf32, #tpu.memory_space<vmem>> -> memref<2x128x64xf32, #tpu.memory_space<vmem>>
      %dma_start3A_239 = arith.constant 0 : i32
      %dma_start3A_240 = arith.constant 0 : i32
      %dma_start3A_241 = tpu.memref_slice %dma_start3A_238[%dma_start3A_233, %dma_start3A_239, %dma_start3A_240] : memref<2x128x64xf32, #tpu.memory_space<vmem>> -> memref<1x128x64xf32, #tpu.memory_space<vmem>>
      %dma_start3A_242 = tpu.memref_squeeze %dma_start3A_241 : memref<1x128x64xf32, #tpu.memory_space<vmem>> -> memref<128x64xf32, #tpu.memory_space<vmem>>
      %dma_start3A_243 = arith.constant 64 : i32
      %dma_start3A_244 = tpu.memref_slice %arg4[%scan3A_153, %mul3A_2, %dma_start3A_243] : memref<100x4096x128xf32, #tpu.memory_space<hbm>> -> memref<1x128x64xf32, #tpu.memory_space<hbm>>
      %dma_start3A_245 = tpu.memref_squeeze %dma_start3A_244 : memref<1x128x64xf32, #tpu.memory_space<hbm>> -> memref<128x64xf32, #tpu.memory_space<hbm>>
      %dma_start3A_246 = arith.constant 64 : i32
      %dma_start3A_247 = tpu.memref_slice %arg4[%scan3A_153, %mul3A_2, %dma_start3A_246] : memref<100x4096x128xf32, #tpu.memory_space<hbm>> -> memref<1x128x64xf32, #tpu.memory_space<hbm>>
      %dma_start3A_248 = tpu.memref_squeeze %dma_start3A_247 : memref<1x128x64xf32, #tpu.memory_space<hbm>> -> memref<128x64xf32, #tpu.memory_space<hbm>>
      %dma_start3A_249 = arith.constant 0 : i32
      %dma_start3A_250 = arith.constant 0 : i32
      %dma_start3A_251 = arith.constant 0 : i32
      %dma_start3A_252 = tpu.memref_slice %arg6[%rem3A_155, %dma_start3A_249, %dma_start3A_250, %dma_start3A_251] : memref<3x2x128x64xf32, #tpu.memory_space<vmem>> -> memref<1x2x128x64xf32, #tpu.memory_space<vmem>>
      %dma_start3A_253 = tpu.memref_squeeze %dma_start3A_252 : memref<1x2x128x64xf32, #tpu.memory_space<vmem>> -> memref<2x128x64xf32, #tpu.memory_space<vmem>>
      %dma_start3A_254 = arith.constant 0 : i32
      %dma_start3A_255 = arith.constant 0 : i32
      %dma_start3A_256 = tpu.memref_slice %dma_start3A_253[%dma_start3A_233, %dma_start3A_254, %dma_start3A_255] : memref<2x128x64xf32, #tpu.memory_space<vmem>> -> memref<1x128x64xf32, #tpu.memory_space<vmem>>
      %dma_start3A_257 = tpu.memref_squeeze %dma_start3A_256 : memref<1x128x64xf32, #tpu.memory_space<vmem>> -> memref<128x64xf32, #tpu.memory_space<vmem>>
      tpu.enqueue_dma source(%dma_start3A_257 : memref<128x64xf32, #tpu.memory_space<vmem>>) target(%dma_start3A_248 : memref<128x64xf32, #tpu.memory_space<hbm>>) target_semaphore(%arg8 : memref<!tpu.dma_semaphore, #tpu.memory_space<semaphore_mem>>)
    }
    %scan3A_44 = arith.constant 100 : i32
    %rem3A = arith.constant 99 : i32
    %rem3A_45 = arith.constant 3 : i32
    %rem3A_46 = arith.remsi %rem3A, %rem3A_45 : i32
    %dma_wait3A = arith.constant 0 : i32
    %dma_wait3A_47 = arith.constant 99 : i32
    %dma_wait3A_48 = arith.constant 0 : i32
    %dma_wait3A_49 = arith.constant 0 : i32
    %dma_wait3A_50 = arith.constant 0 : i32
    %dma_wait3A_51 = tpu.memref_slice %arg6[%rem3A_46, %dma_wait3A_48, %dma_wait3A_49, %dma_wait3A_50] : memref<3x2x128x64xf32, #tpu.memory_space<vmem>> -> memref<1x2x128x64xf32, #tpu.memory_space<vmem>>
    %dma_wait3A_52 = tpu.memref_squeeze %dma_wait3A_51 : memref<1x2x128x64xf32, #tpu.memory_space<vmem>> -> memref<2x128x64xf32, #tpu.memory_space<vmem>>
    %dma_wait3A_53 = arith.constant 0 : i32
    %dma_wait3A_54 = arith.constant 0 : i32
    %dma_wait3A_55 = tpu.memref_slice %dma_wait3A_52[%dma_wait3A, %dma_wait3A_53, %dma_wait3A_54] : memref<2x128x64xf32, #tpu.memory_space<vmem>> -> memref<1x128x64xf32, #tpu.memory_space<vmem>>
    %dma_wait3A_56 = tpu.memref_squeeze %dma_wait3A_55 : memref<1x128x64xf32, #tpu.memory_space<vmem>> -> memref<128x64xf32, #tpu.memory_space<vmem>>
    %dma_wait3A_57 = arith.constant 0 : i32
    %dma_wait3A_58 = tpu.memref_slice %arg4[%dma_wait3A_47, %mul3A_2, %dma_wait3A_57] : memref<100x4096x128xf32, #tpu.memory_space<hbm>> -> memref<1x128x64xf32, #tpu.memory_space<hbm>>
    %dma_wait3A_59 = tpu.memref_squeeze %dma_wait3A_58 : memref<1x128x64xf32, #tpu.memory_space<hbm>> -> memref<128x64xf32, #tpu.memory_space<hbm>>
    %dma_wait3A_60 = arith.constant 0 : i32
    %dma_wait3A_61 = tpu.memref_slice %arg4[%dma_wait3A_47, %mul3A_2, %dma_wait3A_60] : memref<100x4096x128xf32, #tpu.memory_space<hbm>> -> memref<1x128x64xf32, #tpu.memory_space<hbm>>
    %dma_wait3A_62 = tpu.memref_squeeze %dma_wait3A_61 : memref<1x128x64xf32, #tpu.memory_space<hbm>> -> memref<128x64xf32, #tpu.memory_space<hbm>>
    %dma_wait3A_63 = arith.constant 0 : i32
    %dma_wait3A_64 = arith.constant 0 : i32
    %dma_wait3A_65 = arith.constant 0 : i32
    %dma_wait3A_66 = tpu.memref_slice %arg6[%rem3A_46, %dma_wait3A_63, %dma_wait3A_64, %dma_wait3A_65] : memref<3x2x128x64xf32, #tpu.memory_space<vmem>> -> memref<1x2x128x64xf32, #tpu.memory_space<vmem>>
    %dma_wait3A_67 = tpu.memref_squeeze %dma_wait3A_66 : memref<1x2x128x64xf32, #tpu.memory_space<vmem>> -> memref<2x128x64xf32, #tpu.memory_space<vmem>>
    %dma_wait3A_68 = arith.constant 0 : i32
    %dma_wait3A_69 = arith.constant 0 : i32
    %dma_wait3A_70 = tpu.memref_slice %dma_wait3A_67[%dma_wait3A, %dma_wait3A_68, %dma_wait3A_69] : memref<2x128x64xf32, #tpu.memory_space<vmem>> -> memref<1x128x64xf32, #tpu.memory_space<vmem>>
    %dma_wait3A_71 = tpu.memref_squeeze %dma_wait3A_70 : memref<1x128x64xf32, #tpu.memory_space<vmem>> -> memref<128x64xf32, #tpu.memory_space<vmem>>
    tpu.wait_dma2 semaphore(%arg8 : memref<!tpu.dma_semaphore, #tpu.memory_space<semaphore_mem>>) src(%dma_wait3A_71 : memref<128x64xf32, #tpu.memory_space<vmem>>) dst(%dma_wait3A_62 : memref<128x64xf32, #tpu.memory_space<hbm>>)
    %dma_wait3A_72 = arith.constant 1 : i32
    %dma_wait3A_73 = arith.constant 99 : i32
    %dma_wait3A_74 = arith.constant 0 : i32
    %dma_wait3A_75 = arith.constant 0 : i32
    %dma_wait3A_76 = arith.constant 0 : i32
    %dma_wait3A_77 = tpu.memref_slice %arg6[%rem3A_46, %dma_wait3A_74, %dma_wait3A_75, %dma_wait3A_76] : memref<3x2x128x64xf32, #tpu.memory_space<vmem>> -> memref<1x2x128x64xf32, #tpu.memory_space<vmem>>
    %dma_wait3A_78 = tpu.memref_squeeze %dma_wait3A_77 : memref<1x2x128x64xf32, #tpu.memory_space<vmem>> -> memref<2x128x64xf32, #tpu.memory_space<vmem>>
    %dma_wait3A_79 = arith.constant 0 : i32
    %dma_wait3A_80 = arith.constant 0 : i32
    %dma_wait3A_81 = tpu.memref_slice %dma_wait3A_78[%dma_wait3A_72, %dma_wait3A_79, %dma_wait3A_80] : memref<2x128x64xf32, #tpu.memory_space<vmem>> -> memref<1x128x64xf32, #tpu.memory_space<vmem>>
    %dma_wait3A_82 = tpu.memref_squeeze %dma_wait3A_81 : memref<1x128x64xf32, #tpu.memory_space<vmem>> -> memref<128x64xf32, #tpu.memory_space<vmem>>
    %dma_wait3A_83 = arith.constant 64 : i32
    %dma_wait3A_84 = tpu.memref_slice %arg4[%dma_wait3A_73, %mul3A_2, %dma_wait3A_83] : memref<100x4096x128xf32, #tpu.memory_space<hbm>> -> memref<1x128x64xf32, #tpu.memory_space<hbm>>
    %dma_wait3A_85 = tpu.memref_squeeze %dma_wait3A_84 : memref<1x128x64xf32, #tpu.memory_space<hbm>> -> memref<128x64xf32, #tpu.memory_space<hbm>>
    %dma_wait3A_86 = arith.constant 64 : i32
    %dma_wait3A_87 = tpu.memref_slice %arg4[%dma_wait3A_73, %mul3A_2, %dma_wait3A_86] : memref<100x4096x128xf32, #tpu.memory_space<hbm>> -> memref<1x128x64xf32, #tpu.memory_space<hbm>>
    %dma_wait3A_88 = tpu.memref_squeeze %dma_wait3A_87 : memref<1x128x64xf32, #tpu.memory_space<hbm>> -> memref<128x64xf32, #tpu.memory_space<hbm>>
    %dma_wait3A_89 = arith.constant 0 : i32
    %dma_wait3A_90 = arith.constant 0 : i32
    %dma_wait3A_91 = arith.constant 0 : i32
    %dma_wait3A_92 = tpu.memref_slice %arg6[%rem3A_46, %dma_wait3A_89, %dma_wait3A_90, %dma_wait3A_91] : memref<3x2x128x64xf32, #tpu.memory_space<vmem>> -> memref<1x2x128x64xf32, #tpu.memory_space<vmem>>
    %dma_wait3A_93 = tpu.memref_squeeze %dma_wait3A_92 : memref<1x2x128x64xf32, #tpu.memory_space<vmem>> -> memref<2x128x64xf32, #tpu.memory_space<vmem>>
    %dma_wait3A_94 = arith.constant 0 : i32
    %dma_wait3A_95 = arith.constant 0 : i32
    %dma_wait3A_96 = tpu.memref_slice %dma_wait3A_93[%dma_wait3A_72, %dma_wait3A_94, %dma_wait3A_95] : memref<2x128x64xf32, #tpu.memory_space<vmem>> -> memref<1x128x64xf32, #tpu.memory_space<vmem>>
    %dma_wait3A_97 = tpu.memref_squeeze %dma_wait3A_96 : memref<1x128x64xf32, #tpu.memory_space<vmem>> -> memref<128x64xf32, #tpu.memory_space<vmem>>
    tpu.wait_dma2 semaphore(%arg8 : memref<!tpu.dma_semaphore, #tpu.memory_space<semaphore_mem>>) src(%dma_wait3A_97 : memref<128x64xf32, #tpu.memory_space<vmem>>) dst(%dma_wait3A_88 : memref<128x64xf32, #tpu.memory_space<hbm>>)
    %rem3A_98 = arith.constant 98 : i32
    %rem3A_99 = arith.constant 3 : i32
    %rem3A_100 = arith.remsi %rem3A_98, %rem3A_99 : i32
    %dma_wait3A_101 = arith.constant 0 : i32
    %dma_wait3A_102 = arith.constant 98 : i32
    %dma_wait3A_103 = arith.constant 0 : i32
    %dma_wait3A_104 = arith.constant 0 : i32
    %dma_wait3A_105 = arith.constant 0 : i32
    %dma_wait3A_106 = tpu.memref_slice %arg6[%rem3A_100, %dma_wait3A_103, %dma_wait3A_104, %dma_wait3A_105] : memref<3x2x128x64xf32, #tpu.memory_space<vmem>> -> memref<1x2x128x64xf32, #tpu.memory_space<vmem>>
    %dma_wait3A_107 = tpu.memref_squeeze %dma_wait3A_106 : memref<1x2x128x64xf32, #tpu.memory_space<vmem>> -> memref<2x128x64xf32, #tpu.memory_space<vmem>>
    %dma_wait3A_108 = arith.constant 0 : i32
    %dma_wait3A_109 = arith.constant 0 : i32
    %dma_wait3A_110 = tpu.memref_slice %dma_wait3A_107[%dma_wait3A_101, %dma_wait3A_108, %dma_wait3A_109] : memref<2x128x64xf32, #tpu.memory_space<vmem>> -> memref<1x128x64xf32, #tpu.memory_space<vmem>>
    %dma_wait3A_111 = tpu.memref_squeeze %dma_wait3A_110 : memref<1x128x64xf32, #tpu.memory_space<vmem>> -> memref<128x64xf32, #tpu.memory_space<vmem>>
    %dma_wait3A_112 = arith.constant 0 : i32
    %dma_wait3A_113 = tpu.memref_slice %arg4[%dma_wait3A_102, %mul3A_2, %dma_wait3A_112] : memref<100x4096x128xf32, #tpu.memory_space<hbm>> -> memref<1x128x64xf32, #tpu.memory_space<hbm>>
    %dma_wait3A_114 = tpu.memref_squeeze %dma_wait3A_113 : memref<1x128x64xf32, #tpu.memory_space<hbm>> -> memref<128x64xf32, #tpu.memory_space<hbm>>
    %dma_wait3A_115 = arith.constant 0 : i32
    %dma_wait3A_116 = tpu.memref_slice %arg4[%dma_wait3A_102, %mul3A_2, %dma_wait3A_115] : memref<100x4096x128xf32, #tpu.memory_space<hbm>> -> memref<1x128x64xf32, #tpu.memory_space<hbm>>
    %dma_wait3A_117 = tpu.memref_squeeze %dma_wait3A_116 : memref<1x128x64xf32, #tpu.memory_space<hbm>> -> memref<128x64xf32, #tpu.memory_space<hbm>>
    %dma_wait3A_118 = arith.constant 0 : i32
    %dma_wait3A_119 = arith.constant 0 : i32
    %dma_wait3A_120 = arith.constant 0 : i32
    %dma_wait3A_121 = tpu.memref_slice %arg6[%rem3A_100, %dma_wait3A_118, %dma_wait3A_119, %dma_wait3A_120] : memref<3x2x128x64xf32, #tpu.memory_space<vmem>> -> memref<1x2x128x64xf32, #tpu.memory_space<vmem>>
    %dma_wait3A_122 = tpu.memref_squeeze %dma_wait3A_121 : memref<1x2x128x64xf32, #tpu.memory_space<vmem>> -> memref<2x128x64xf32, #tpu.memory_space<vmem>>
    %dma_wait3A_123 = arith.constant 0 : i32
    %dma_wait3A_124 = arith.constant 0 : i32
    %dma_wait3A_125 = tpu.memref_slice %dma_wait3A_122[%dma_wait3A_101, %dma_wait3A_123, %dma_wait3A_124] : memref<2x128x64xf32, #tpu.memory_space<vmem>> -> memref<1x128x64xf32, #tpu.memory_space<vmem>>
    %dma_wait3A_126 = tpu.memref_squeeze %dma_wait3A_125 : memref<1x128x64xf32, #tpu.memory_space<vmem>> -> memref<128x64xf32, #tpu.memory_space<vmem>>
    tpu.wait_dma2 semaphore(%arg8 : memref<!tpu.dma_semaphore, #tpu.memory_space<semaphore_mem>>) src(%dma_wait3A_126 : memref<128x64xf32, #tpu.memory_space<vmem>>) dst(%dma_wait3A_117 : memref<128x64xf32, #tpu.memory_space<hbm>>)
    %dma_wait3A_127 = arith.constant 1 : i32
    %dma_wait3A_128 = arith.constant 98 : i32
    %dma_wait3A_129 = arith.constant 0 : i32
    %dma_wait3A_130 = arith.constant 0 : i32
    %dma_wait3A_131 = arith.constant 0 : i32
    %dma_wait3A_132 = tpu.memref_slice %arg6[%rem3A_100, %dma_wait3A_129, %dma_wait3A_130, %dma_wait3A_131] : memref<3x2x128x64xf32, #tpu.memory_space<vmem>> -> memref<1x2x128x64xf32, #tpu.memory_space<vmem>>
    %dma_wait3A_133 = tpu.memref_squeeze %dma_wait3A_132 : memref<1x2x128x64xf32, #tpu.memory_space<vmem>> -> memref<2x128x64xf32, #tpu.memory_space<vmem>>
    %dma_wait3A_134 = arith.constant 0 : i32
    %dma_wait3A_135 = arith.constant 0 : i32
    %dma_wait3A_136 = tpu.memref_slice %dma_wait3A_133[%dma_wait3A_127, %dma_wait3A_134, %dma_wait3A_135] : memref<2x128x64xf32, #tpu.memory_space<vmem>> -> memref<1x128x64xf32, #tpu.memory_space<vmem>>
    %dma_wait3A_137 = tpu.memref_squeeze %dma_wait3A_136 : memref<1x128x64xf32, #tpu.memory_space<vmem>> -> memref<128x64xf32, #tpu.memory_space<vmem>>
    %dma_wait3A_138 = arith.constant 64 : i32
    %dma_wait3A_139 = tpu.memref_slice %arg4[%dma_wait3A_128, %mul3A_2, %dma_wait3A_138] : memref<100x4096x128xf32, #tpu.memory_space<hbm>> -> memref<1x128x64xf32, #tpu.memory_space<hbm>>
    %dma_wait3A_140 = tpu.memref_squeeze %dma_wait3A_139 : memref<1x128x64xf32, #tpu.memory_space<hbm>> -> memref<128x64xf32, #tpu.memory_space<hbm>>
    %dma_wait3A_141 = arith.constant 64 : i32
    %dma_wait3A_142 = tpu.memref_slice %arg4[%dma_wait3A_128, %mul3A_2, %dma_wait3A_141] : memref<100x4096x128xf32, #tpu.memory_space<hbm>> -> memref<1x128x64xf32, #tpu.memory_space<hbm>>
    %dma_wait3A_143 = tpu.memref_squeeze %dma_wait3A_142 : memref<1x128x64xf32, #tpu.memory_space<hbm>> -> memref<128x64xf32, #tpu.memory_space<hbm>>
    %dma_wait3A_144 = arith.constant 0 : i32
    %dma_wait3A_145 = arith.constant 0 : i32
    %dma_wait3A_146 = arith.constant 0 : i32
    %dma_wait3A_147 = tpu.memref_slice %arg6[%rem3A_100, %dma_wait3A_144, %dma_wait3A_145, %dma_wait3A_146] : memref<3x2x128x64xf32, #tpu.memory_space<vmem>> -> memref<1x2x128x64xf32, #tpu.memory_space<vmem>>
    %dma_wait3A_148 = tpu.memref_squeeze %dma_wait3A_147 : memref<1x2x128x64xf32, #tpu.memory_space<vmem>> -> memref<2x128x64xf32, #tpu.memory_space<vmem>>
    %dma_wait3A_149 = arith.constant 0 : i32
    %dma_wait3A_150 = arith.constant 0 : i32
    %dma_wait3A_151 = tpu.memref_slice %dma_wait3A_148[%dma_wait3A_127, %dma_wait3A_149, %dma_wait3A_150] : memref<2x128x64xf32, #tpu.memory_space<vmem>> -> memref<1x128x64xf32, #tpu.memory_space<vmem>>
    %dma_wait3A_152 = tpu.memref_squeeze %dma_wait3A_151 : memref<1x128x64xf32, #tpu.memory_space<vmem>> -> memref<128x64xf32, #tpu.memory_space<vmem>>
    tpu.wait_dma2 semaphore(%arg8 : memref<!tpu.dma_semaphore, #tpu.memory_space<semaphore_mem>>) src(%dma_wait3A_152 : memref<128x64xf32, #tpu.memory_space<vmem>>) dst(%dma_wait3A_143 : memref<128x64xf32, #tpu.memory_space<hbm>>)
    return
  }
}

#map = affine_map<(d0, d1) -> (0, 0)>
#map1 = affine_map<(d0, d1) -> (0, 0, 0)>
module attributes {stable_mosaic.version = 14 : i64} {
  func.func @gather_kernel(%arg0: i32, %arg1: i32, %arg2: memref<200x16384xi32, #tpu.memory_space<hbm>>, %arg3: memref<100000x64xf32, #tpu.memory_space<hbm>>, %arg4: memref<100x4096x128xf32, #tpu.memory_space<hbm>>, %arg5: memref<200x128xi32, #tpu.memory_space<vmem>>, %arg6: memref<3x2x128x64xf32, #tpu.memory_space<vmem>>, %arg7: memref<!tpu.dma_semaphore, #tpu.memory_space<semaphore_mem>>, %arg8: memref<!tpu.dma_semaphore, #tpu.memory_space<semaphore_mem>>) attributes {dimension_semantics = [#tpu.dimension_semantics<core_parallel>, #tpu.dimension_semantics<subcore_parallel>], iteration_bounds = array<i64: 2, 16>, scalar_prefetch = 0 : i64, scratch_operands = 4 : i64, tpu.core_type = #tpu.core_type<sc_vector_subcore>, window_params = [{transform_indices = #map}, {transform_indices = #map}, {transform_indices = #map1}]} {
    %mul3A = arith.constant 2 : i32
    %mul3A_0 = arith.muli %arg1, %mul3A : i32
    %add3A = arith.addi %mul3A_0, %arg0 : i32
    %mul3A_1 = arith.constant 128 : i32
    %mul3A_2 = arith.muli %add3A, %mul3A_1 : i32
    %add3A_3 = arith.constant 8192 : i32
    %add3A_4 = arith.addi %add3A_3, %mul3A_2 : i32
    "tpu.region"() ({
      %run_scoped3A = tpu.sem_alloc : memref<!tpu.dma_semaphore, #tpu.memory_space<semaphore_mem>>
      %dma_start3A_153 = arith.constant 0 : i32
      %dma_start3A_154 = tpu.memref_slice %arg2[%dma_start3A_153, %add3A_4] : memref<200x16384xi32, #tpu.memory_space<hbm>> -> memref<200x128xi32, #tpu.memory_space<hbm>>
      %dma_start3A_155 = arith.constant 0 : i32
      %dma_start3A_156 = tpu.memref_slice %arg2[%dma_start3A_155, %add3A_4] : memref<200x16384xi32, #tpu.memory_space<hbm>> -> memref<200x128xi32, #tpu.memory_space<hbm>>
      tpu.enqueue_dma source(%dma_start3A_156 : memref<200x128xi32, #tpu.memory_space<hbm>>) target(%arg5 : memref<200x128xi32, #tpu.memory_space<vmem>>) target_semaphore(%run_scoped3A : memref<!tpu.dma_semaphore, #tpu.memory_space<semaphore_mem>>)
      %dma_wait3A_157 = arith.constant 0 : i32
      %dma_wait3A_158 = tpu.memref_slice %arg2[%dma_wait3A_157, %add3A_4] : memref<200x16384xi32, #tpu.memory_space<hbm>> -> memref<200x128xi32, #tpu.memory_space<hbm>>
      %dma_wait3A_159 = arith.constant 0 : i32
      %dma_wait3A_160 = tpu.memref_slice %arg2[%dma_wait3A_159, %add3A_4] : memref<200x16384xi32, #tpu.memory_space<hbm>> -> memref<200x128xi32, #tpu.memory_space<hbm>>
      tpu.wait_dma2 semaphore(%run_scoped3A : memref<!tpu.dma_semaphore, #tpu.memory_space<semaphore_mem>>) src(%dma_wait3A_160 : memref<200x128xi32, #tpu.memory_space<hbm>>) dst(%arg5 : memref<200x128xi32, #tpu.memory_space<vmem>>)
      tpu.yield
    }) : () -> ()
    %dma_start3A = arith.constant 0 : i32
    %dma_start3A_5 = arith.constant 0 : i32
    %dma_start3A_6 = arith.constant 0 : i32
    %dma_start3A_7 = arith.constant 0 : i32
    %dma_start3A_8 = arith.constant 0 : i32
    %dma_start3A_9 = arith.constant 0 : i32
    %dma_start3A_10 = tpu.memref_slice %arg6[%dma_start3A_5, %dma_start3A_7, %dma_start3A_8, %dma_start3A_9] : memref<3x2x128x64xf32, #tpu.memory_space<vmem>> -> memref<1x2x128x64xf32, #tpu.memory_space<vmem>>
    %dma_start3A_11 = tpu.memref_squeeze %dma_start3A_10 : memref<1x2x128x64xf32, #tpu.memory_space<vmem>> -> memref<2x128x64xf32, #tpu.memory_space<vmem>>
    %dma_start3A_12 = arith.constant 0 : i32
    %dma_start3A_13 = arith.constant 0 : i32
    %dma_start3A_14 = tpu.memref_slice %dma_start3A_11[%dma_start3A_6, %dma_start3A_12, %dma_start3A_13] : memref<2x128x64xf32, #tpu.memory_space<vmem>> -> memref<1x128x64xf32, #tpu.memory_space<vmem>>
    %dma_start3A_15 = tpu.memref_squeeze %dma_start3A_14 : memref<1x128x64xf32, #tpu.memory_space<vmem>> -> memref<128x64xf32, #tpu.memory_space<vmem>>
    %dma_start3A_16 = arith.constant 0 : i32
    %dma_start3A_17 = tpu.memref_slice %arg5[%dma_start3A, %dma_start3A_16] : memref<200x128xi32, #tpu.memory_space<vmem>> -> memref<1x128xi32, #tpu.memory_space<vmem>>
    %dma_start3A_18 = tpu.memref_squeeze %dma_start3A_17 : memref<1x128xi32, #tpu.memory_space<vmem>> -> memref<128xi32, #tpu.memory_space<vmem>>
    %dma_start3A_19 = arith.constant 0 : i32
    %dma_start3A_20 = arith.constant 0 : i32
    %dma_start3A_21 = tpu.memref_slice %arg3[%dma_start3A_19, %dma_start3A_20] : memref<100000x64xf32, #tpu.memory_space<hbm>> -> memref<100000x64xf32, #tpu.memory_space<hbm>>
    tpu.enqueue_indirect_dma source(%dma_start3A_21 : memref<100000x64xf32, #tpu.memory_space<hbm>>) target(%dma_start3A_15 : memref<128x64xf32, #tpu.memory_space<vmem>>) offsets(%dma_start3A_18 : memref<128xi32, #tpu.memory_space<vmem>>) semaphore(%arg7 : memref<!tpu.dma_semaphore, #tpu.memory_space<semaphore_mem>>)
    %dma_start3A_22 = arith.constant 1 : i32
    %dma_start3A_23 = arith.constant 0 : i32
    %dma_start3A_24 = arith.constant 1 : i32
    %dma_start3A_25 = arith.constant 0 : i32
    %dma_start3A_26 = arith.constant 0 : i32
    %dma_start3A_27 = arith.constant 0 : i32
    %dma_start3A_28 = tpu.memref_slice %arg6[%dma_start3A_23, %dma_start3A_25, %dma_start3A_26, %dma_start3A_27] : memref<3x2x128x64xf32, #tpu.memory_space<vmem>> -> memref<1x2x128x64xf32, #tpu.memory_space<vmem>>
    %dma_start3A_29 = tpu.memref_squeeze %dma_start3A_28 : memref<1x2x128x64xf32, #tpu.memory_space<vmem>> -> memref<2x128x64xf32, #tpu.memory_space<vmem>>
    %dma_start3A_30 = arith.constant 0 : i32
    %dma_start3A_31 = arith.constant 0 : i32
    %dma_start3A_32 = tpu.memref_slice %dma_start3A_29[%dma_start3A_24, %dma_start3A_30, %dma_start3A_31] : memref<2x128x64xf32, #tpu.memory_space<vmem>> -> memref<1x128x64xf32, #tpu.memory_space<vmem>>
    %dma_start3A_33 = tpu.memref_squeeze %dma_start3A_32 : memref<1x128x64xf32, #tpu.memory_space<vmem>> -> memref<128x64xf32, #tpu.memory_space<vmem>>
    %dma_start3A_34 = arith.constant 0 : i32
    %dma_start3A_35 = tpu.memref_slice %arg5[%dma_start3A_22, %dma_start3A_34] : memref<200x128xi32, #tpu.memory_space<vmem>> -> memref<1x128xi32, #tpu.memory_space<vmem>>
    %dma_start3A_36 = tpu.memref_squeeze %dma_start3A_35 : memref<1x128xi32, #tpu.memory_space<vmem>> -> memref<128xi32, #tpu.memory_space<vmem>>
    %dma_start3A_37 = arith.constant 0 : i32
    %dma_start3A_38 = arith.constant 0 : i32
    %dma_start3A_39 = tpu.memref_slice %arg3[%dma_start3A_37, %dma_start3A_38] : memref<100000x64xf32, #tpu.memory_space<hbm>> -> memref<100000x64xf32, #tpu.memory_space<hbm>>
    tpu.enqueue_indirect_dma source(%dma_start3A_39 : memref<100000x64xf32, #tpu.memory_space<hbm>>) target(%dma_start3A_33 : memref<128x64xf32, #tpu.memory_space<vmem>>) offsets(%dma_start3A_36 : memref<128xi32, #tpu.memory_space<vmem>>) semaphore(%arg7 : memref<!tpu.dma_semaphore, #tpu.memory_space<semaphore_mem>>)
    %scan3A = arith.constant 0 : i32
    %scan3A_40 = arith.constant 0 : i32
    %scan3A_41 = arith.constant 100 : i32
    %scan3A_42 = arith.addi %scan3A_40, %scan3A_41 : i32
    %scan3A_43 = arith.constant 1 : i32
    scf.for %scan3A_153 = %scan3A_40 to %scan3A_42 step %scan3A_43  : i32 {
      %rem3A_154 = arith.constant 3 : i32
      %rem3A_155 = arith.remsi %scan3A_153, %rem3A_154 : i32
      %add3A_156 = arith.constant 1 : i32
      %add3A_157 = arith.addi %scan3A_153, %add3A_156 : i32
      %rem3A_158 = arith.constant 3 : i32
      %rem3A_159 = arith.remsi %add3A_157, %rem3A_158 : i32
      %ge3A = arith.constant 2 : i32
      %ge3A_160 = arith.cmpi sge, %scan3A_153, %ge3A : i32
      %convert_element_type3A = arith.extui %ge3A_160 : i1 to i32
      %cond3A = arith.constant 0 : i32
      %cond3A_161 = arith.cmpi ne, %convert_element_type3A, %cond3A : i32
      scf.if %cond3A_161 {
        %dma_wait3A_258 = arith.constant 0 : i32
        %dma_wait3A_259 = arith.constant 0 : i32
        %dma_wait3A_260 = arith.constant 0 : i32
        %dma_wait3A_261 = arith.constant 0 : i32
        %dma_wait3A_262 = tpu.memref_slice %arg6[%rem3A_159, %dma_wait3A_259, %dma_wait3A_260, %dma_wait3A_261] : memref<3x2x128x64xf32, #tpu.memory_space<vmem>> -> memref<1x2x128x64xf32, #tpu.memory_space<vmem>>
        %dma_wait3A_263 = tpu.memref_squeeze %dma_wait3A_262 : memref<1x2x128x64xf32, #tpu.memory_space<vmem>> -> memref<2x128x64xf32, #tpu.memory_space<vmem>>
        %dma_wait3A_264 = arith.constant 0 : i32
        %dma_wait3A_265 = arith.constant 0 : i32
        %dma_wait3A_266 = tpu.memref_slice %dma_wait3A_263[%dma_wait3A_258, %dma_wait3A_264, %dma_wait3A_265] : memref<2x128x64xf32, #tpu.memory_space<vmem>> -> memref<1x128x64xf32, #tpu.memory_space<vmem>>
        %dma_wait3A_267 = tpu.memref_squeeze %dma_wait3A_266 : memref<1x128x64xf32, #tpu.memory_space<vmem>> -> memref<128x64xf32, #tpu.memory_space<vmem>>
        %dma_wait3A_268 = arith.constant 0 : i32
        %dma_wait3A_269 = tpu.memref_slice %arg4[%scan3A_153, %mul3A_2, %dma_wait3A_268] : memref<100x4096x128xf32, #tpu.memory_space<hbm>> -> memref<1x128x64xf32, #tpu.memory_space<hbm>>
        %dma_wait3A_270 = tpu.memref_squeeze %dma_wait3A_269 : memref<1x128x64xf32, #tpu.memory_space<hbm>> -> memref<128x64xf32, #tpu.memory_space<hbm>>
        %dma_wait3A_271 = arith.constant 0 : i32
        %dma_wait3A_272 = tpu.memref_slice %arg4[%scan3A_153, %mul3A_2, %dma_wait3A_271] : memref<100x4096x128xf32, #tpu.memory_space<hbm>> -> memref<1x128x64xf32, #tpu.memory_space<hbm>>
        %dma_wait3A_273 = tpu.memref_squeeze %dma_wait3A_272 : memref<1x128x64xf32, #tpu.memory_space<hbm>> -> memref<128x64xf32, #tpu.memory_space<hbm>>
        %dma_wait3A_274 = arith.constant 0 : i32
        %dma_wait3A_275 = arith.constant 0 : i32
        %dma_wait3A_276 = arith.constant 0 : i32
        %dma_wait3A_277 = tpu.memref_slice %arg6[%rem3A_159, %dma_wait3A_274, %dma_wait3A_275, %dma_wait3A_276] : memref<3x2x128x64xf32, #tpu.memory_space<vmem>> -> memref<1x2x128x64xf32, #tpu.memory_space<vmem>>
        %dma_wait3A_278 = tpu.memref_squeeze %dma_wait3A_277 : memref<1x2x128x64xf32, #tpu.memory_space<vmem>> -> memref<2x128x64xf32, #tpu.memory_space<vmem>>
        %dma_wait3A_279 = arith.constant 0 : i32
        %dma_wait3A_280 = arith.constant 0 : i32
        %dma_wait3A_281 = tpu.memref_slice %dma_wait3A_278[%dma_wait3A_258, %dma_wait3A_279, %dma_wait3A_280] : memref<2x128x64xf32, #tpu.memory_space<vmem>> -> memref<1x128x64xf32, #tpu.memory_space<vmem>>
        %dma_wait3A_282 = tpu.memref_squeeze %dma_wait3A_281 : memref<1x128x64xf32, #tpu.memory_space<vmem>> -> memref<128x64xf32, #tpu.memory_space<vmem>>
        tpu.wait_dma2 semaphore(%arg8 : memref<!tpu.dma_semaphore, #tpu.memory_space<semaphore_mem>>) src(%dma_wait3A_282 : memref<128x64xf32, #tpu.memory_space<vmem>>) dst(%dma_wait3A_273 : memref<128x64xf32, #tpu.memory_space<hbm>>)
        %dma_wait3A_283 = arith.constant 1 : i32
        %dma_wait3A_284 = arith.constant 0 : i32
        %dma_wait3A_285 = arith.constant 0 : i32
        %dma_wait3A_286 = arith.constant 0 : i32
        %dma_wait3A_287 = tpu.memref_slice %arg6[%rem3A_159, %dma_wait3A_284, %dma_wait3A_285, %dma_wait3A_286] : memref<3x2x128x64xf32, #tpu.memory_space<vmem>> -> memref<1x2x128x64xf32, #tpu.memory_space<vmem>>
        %dma_wait3A_288 = tpu.memref_squeeze %dma_wait3A_287 : memref<1x2x128x64xf32, #tpu.memory_space<vmem>> -> memref<2x128x64xf32, #tpu.memory_space<vmem>>
        %dma_wait3A_289 = arith.constant 0 : i32
        %dma_wait3A_290 = arith.constant 0 : i32
        %dma_wait3A_291 = tpu.memref_slice %dma_wait3A_288[%dma_wait3A_283, %dma_wait3A_289, %dma_wait3A_290] : memref<2x128x64xf32, #tpu.memory_space<vmem>> -> memref<1x128x64xf32, #tpu.memory_space<vmem>>
        %dma_wait3A_292 = tpu.memref_squeeze %dma_wait3A_291 : memref<1x128x64xf32, #tpu.memory_space<vmem>> -> memref<128x64xf32, #tpu.memory_space<vmem>>
        %dma_wait3A_293 = arith.constant 64 : i32
        %dma_wait3A_294 = tpu.memref_slice %arg4[%scan3A_153, %mul3A_2, %dma_wait3A_293] : memref<100x4096x128xf32, #tpu.memory_space<hbm>> -> memref<1x128x64xf32, #tpu.memory_space<hbm>>
        %dma_wait3A_295 = tpu.memref_squeeze %dma_wait3A_294 : memref<1x128x64xf32, #tpu.memory_space<hbm>> -> memref<128x64xf32, #tpu.memory_space<hbm>>
        %dma_wait3A_296 = arith.constant 64 : i32
        %dma_wait3A_297 = tpu.memref_slice %arg4[%scan3A_153, %mul3A_2, %dma_wait3A_296] : memref<100x4096x128xf32, #tpu.memory_space<hbm>> -> memref<1x128x64xf32, #tpu.memory_space<hbm>>
        %dma_wait3A_298 = tpu.memref_squeeze %dma_wait3A_297 : memref<1x128x64xf32, #tpu.memory_space<hbm>> -> memref<128x64xf32, #tpu.memory_space<hbm>>
        %dma_wait3A_299 = arith.constant 0 : i32
        %dma_wait3A_300 = arith.constant 0 : i32
        %dma_wait3A_301 = arith.constant 0 : i32
        %dma_wait3A_302 = tpu.memref_slice %arg6[%rem3A_159, %dma_wait3A_299, %dma_wait3A_300, %dma_wait3A_301] : memref<3x2x128x64xf32, #tpu.memory_space<vmem>> -> memref<1x2x128x64xf32, #tpu.memory_space<vmem>>
        %dma_wait3A_303 = tpu.memref_squeeze %dma_wait3A_302 : memref<1x2x128x64xf32, #tpu.memory_space<vmem>> -> memref<2x128x64xf32, #tpu.memory_space<vmem>>
        %dma_wait3A_304 = arith.constant 0 : i32
        %dma_wait3A_305 = arith.constant 0 : i32
        %dma_wait3A_306 = tpu.memref_slice %dma_wait3A_303[%dma_wait3A_283, %dma_wait3A_304, %dma_wait3A_305] : memref<2x128x64xf32, #tpu.memory_space<vmem>> -> memref<1x128x64xf32, #tpu.memory_space<vmem>>
        %dma_wait3A_307 = tpu.memref_squeeze %dma_wait3A_306 : memref<1x128x64xf32, #tpu.memory_space<vmem>> -> memref<128x64xf32, #tpu.memory_space<vmem>>
        tpu.wait_dma2 semaphore(%arg8 : memref<!tpu.dma_semaphore, #tpu.memory_space<semaphore_mem>>) src(%dma_wait3A_307 : memref<128x64xf32, #tpu.memory_space<vmem>>) dst(%dma_wait3A_298 : memref<128x64xf32, #tpu.memory_space<hbm>>)
      } else {
      }
      %add3A_162 = arith.constant 1 : i32
      %add3A_163 = arith.addi %scan3A_153, %add3A_162 : i32
      %lt3A = arith.constant 100 : i32
      %lt3A_164 = arith.cmpi slt, %add3A_163, %lt3A : i32
      %convert_element_type3A_165 = arith.extui %lt3A_164 : i1 to i32
      %cond3A_166 = arith.constant 0 : i32
      %cond3A_167 = arith.cmpi ne, %convert_element_type3A_165, %cond3A_166 : i32
      scf.if %cond3A_167 {
        %add3A_258 = arith.constant 1 : i32
        %add3A_259 = arith.addi %scan3A_153, %add3A_258 : i32
        %mul3A_260 = arith.constant 2 : i32
        %mul3A_261 = arith.muli %mul3A_260, %add3A_259 : i32
        %add3A_262 = arith.constant 0 : i32
        %add3A_263 = arith.addi %mul3A_261, %add3A_262 : i32
        %dma_start3A_264 = arith.constant 0 : i32
        %dma_start3A_265 = arith.constant 0 : i32
        %dma_start3A_266 = arith.constant 0 : i32
        %dma_start3A_267 = arith.constant 0 : i32
        %dma_start3A_268 = tpu.memref_slice %arg6[%rem3A_159, %dma_start3A_265, %dma_start3A_266, %dma_start3A_267] : memref<3x2x128x64xf32, #tpu.memory_space<vmem>> -> memref<1x2x128x64xf32, #tpu.memory_space<vmem>>
        %dma_start3A_269 = tpu.memref_squeeze %dma_start3A_268 : memref<1x2x128x64xf32, #tpu.memory_space<vmem>> -> memref<2x128x64xf32, #tpu.memory_space<vmem>>
        %dma_start3A_270 = arith.constant 0 : i32
        %dma_start3A_271 = arith.constant 0 : i32
        %dma_start3A_272 = tpu.memref_slice %dma_start3A_269[%dma_start3A_264, %dma_start3A_270, %dma_start3A_271] : memref<2x128x64xf32, #tpu.memory_space<vmem>> -> memref<1x128x64xf32, #tpu.memory_space<vmem>>
        %dma_start3A_273 = tpu.memref_squeeze %dma_start3A_272 : memref<1x128x64xf32, #tpu.memory_space<vmem>> -> memref<128x64xf32, #tpu.memory_space<vmem>>
        %dma_start3A_274 = arith.constant 0 : i32
        %dma_start3A_275 = tpu.memref_slice %arg5[%add3A_263, %dma_start3A_274] : memref<200x128xi32, #tpu.memory_space<vmem>> -> memref<1x128xi32, #tpu.memory_space<vmem>>
        %dma_start3A_276 = tpu.memref_squeeze %dma_start3A_275 : memref<1x128xi32, #tpu.memory_space<vmem>> -> memref<128xi32, #tpu.memory_space<vmem>>
        %dma_start3A_277 = arith.constant 0 : i32
        %dma_start3A_278 = arith.constant 0 : i32
        %dma_start3A_279 = tpu.memref_slice %arg3[%dma_start3A_277, %dma_start3A_278] : memref<100000x64xf32, #tpu.memory_space<hbm>> -> memref<100000x64xf32, #tpu.memory_space<hbm>>
        tpu.enqueue_indirect_dma source(%dma_start3A_279 : memref<100000x64xf32, #tpu.memory_space<hbm>>) target(%dma_start3A_273 : memref<128x64xf32, #tpu.memory_space<vmem>>) offsets(%dma_start3A_276 : memref<128xi32, #tpu.memory_space<vmem>>) semaphore(%arg7 : memref<!tpu.dma_semaphore, #tpu.memory_space<semaphore_mem>>)
        %mul3A_280 = arith.constant 2 : i32
        %mul3A_281 = arith.muli %mul3A_280, %add3A_259 : i32
        %add3A_282 = arith.constant 1 : i32
        %add3A_283 = arith.addi %mul3A_281, %add3A_282 : i32
        %dma_start3A_284 = arith.constant 1 : i32
        %dma_start3A_285 = arith.constant 0 : i32
        %dma_start3A_286 = arith.constant 0 : i32
        %dma_start3A_287 = arith.constant 0 : i32
        %dma_start3A_288 = tpu.memref_slice %arg6[%rem3A_159, %dma_start3A_285, %dma_start3A_286, %dma_start3A_287] : memref<3x2x128x64xf32, #tpu.memory_space<vmem>> -> memref<1x2x128x64xf32, #tpu.memory_space<vmem>>
        %dma_start3A_289 = tpu.memref_squeeze %dma_start3A_288 : memref<1x2x128x64xf32, #tpu.memory_space<vmem>> -> memref<2x128x64xf32, #tpu.memory_space<vmem>>
        %dma_start3A_290 = arith.constant 0 : i32
        %dma_start3A_291 = arith.constant 0 : i32
        %dma_start3A_292 = tpu.memref_slice %dma_start3A_289[%dma_start3A_284, %dma_start3A_290, %dma_start3A_291] : memref<2x128x64xf32, #tpu.memory_space<vmem>> -> memref<1x128x64xf32, #tpu.memory_space<vmem>>
        %dma_start3A_293 = tpu.memref_squeeze %dma_start3A_292 : memref<1x128x64xf32, #tpu.memory_space<vmem>> -> memref<128x64xf32, #tpu.memory_space<vmem>>
        %dma_start3A_294 = arith.constant 0 : i32
        %dma_start3A_295 = tpu.memref_slice %arg5[%add3A_283, %dma_start3A_294] : memref<200x128xi32, #tpu.memory_space<vmem>> -> memref<1x128xi32, #tpu.memory_space<vmem>>
        %dma_start3A_296 = tpu.memref_squeeze %dma_start3A_295 : memref<1x128xi32, #tpu.memory_space<vmem>> -> memref<128xi32, #tpu.memory_space<vmem>>
        %dma_start3A_297 = arith.constant 0 : i32
        %dma_start3A_298 = arith.constant 0 : i32
        %dma_start3A_299 = tpu.memref_slice %arg3[%dma_start3A_297, %dma_start3A_298] : memref<100000x64xf32, #tpu.memory_space<hbm>> -> memref<100000x64xf32, #tpu.memory_space<hbm>>
        tpu.enqueue_indirect_dma source(%dma_start3A_299 : memref<100000x64xf32, #tpu.memory_space<hbm>>) target(%dma_start3A_293 : memref<128x64xf32, #tpu.memory_space<vmem>>) offsets(%dma_start3A_296 : memref<128xi32, #tpu.memory_space<vmem>>) semaphore(%arg7 : memref<!tpu.dma_semaphore, #tpu.memory_space<semaphore_mem>>)
      } else {
      }
      %mul3A_168 = arith.constant 2 : i32
      %mul3A_169 = arith.muli %mul3A_168, %scan3A_153 : i32
      %add3A_170 = arith.constant 0 : i32
      %add3A_171 = arith.addi %mul3A_169, %add3A_170 : i32
      %dma_wait3A_172 = arith.constant 0 : i32
      %dma_wait3A_173 = arith.constant 0 : i32
      %dma_wait3A_174 = arith.constant 0 : i32
      %dma_wait3A_175 = arith.constant 0 : i32
      %dma_wait3A_176 = tpu.memref_slice %arg6[%rem3A_155, %dma_wait3A_173, %dma_wait3A_174, %dma_wait3A_175] : memref<3x2x128x64xf32, #tpu.memory_space<vmem>> -> memref<1x2x128x64xf32, #tpu.memory_space<vmem>>
      %dma_wait3A_177 = tpu.memref_squeeze %dma_wait3A_176 : memref<1x2x128x64xf32, #tpu.memory_space<vmem>> -> memref<2x128x64xf32, #tpu.memory_space<vmem>>
      %dma_wait3A_178 = arith.constant 0 : i32
      %dma_wait3A_179 = arith.constant 0 : i32
      %dma_wait3A_180 = tpu.memref_slice %dma_wait3A_177[%dma_wait3A_172, %dma_wait3A_178, %dma_wait3A_179] : memref<2x128x64xf32, #tpu.memory_space<vmem>> -> memref<1x128x64xf32, #tpu.memory_space<vmem>>
      %dma_wait3A_181 = tpu.memref_squeeze %dma_wait3A_180 : memref<1x128x64xf32, #tpu.memory_space<vmem>> -> memref<128x64xf32, #tpu.memory_space<vmem>>
      %dma_wait3A_182 = arith.constant 0 : i32
      %dma_wait3A_183 = tpu.memref_slice %arg5[%add3A_171, %dma_wait3A_182] : memref<200x128xi32, #tpu.memory_space<vmem>> -> memref<1x128xi32, #tpu.memory_space<vmem>>
      %dma_wait3A_184 = tpu.memref_squeeze %dma_wait3A_183 : memref<1x128xi32, #tpu.memory_space<vmem>> -> memref<128xi32, #tpu.memory_space<vmem>>
      %dma_wait3A_185 = arith.constant 0 : i32
      %dma_wait3A_186 = arith.constant 0 : i32
      %dma_wait3A_187 = tpu.memref_slice %arg3[%dma_wait3A_185, %dma_wait3A_186] : memref<100000x64xf32, #tpu.memory_space<hbm>> -> memref<100000x64xf32, #tpu.memory_space<hbm>>
      tpu.wait_indirect_dma semaphore(%arg7 : memref<!tpu.dma_semaphore, #tpu.memory_space<semaphore_mem>>) src(%dma_wait3A_187 : memref<100000x64xf32, #tpu.memory_space<hbm>>) dst(%dma_wait3A_181 : memref<128x64xf32, #tpu.memory_space<vmem>>)
      %mul3A_188 = arith.constant 2 : i32
      %mul3A_189 = arith.muli %mul3A_188, %scan3A_153 : i32
      %add3A_190 = arith.constant 1 : i32
      %add3A_191 = arith.addi %mul3A_189, %add3A_190 : i32
      %dma_wait3A_192 = arith.constant 1 : i32
      %dma_wait3A_193 = arith.constant 0 : i32
      %dma_wait3A_194 = arith.constant 0 : i32
      %dma_wait3A_195 = arith.constant 0 : i32
      %dma_wait3A_196 = tpu.memref_slice %arg6[%rem3A_155, %dma_wait3A_193, %dma_wait3A_194, %dma_wait3A_195] : memref<3x2x128x64xf32, #tpu.memory_space<vmem>> -> memref<1x2x128x64xf32, #tpu.memory_space<vmem>>
      %dma_wait3A_197 = tpu.memref_squeeze %dma_wait3A_196 : memref<1x2x128x64xf32, #tpu.memory_space<vmem>> -> memref<2x128x64xf32, #tpu.memory_space<vmem>>
      %dma_wait3A_198 = arith.constant 0 : i32
      %dma_wait3A_199 = arith.constant 0 : i32
      %dma_wait3A_200 = tpu.memref_slice %dma_wait3A_197[%dma_wait3A_192, %dma_wait3A_198, %dma_wait3A_199] : memref<2x128x64xf32, #tpu.memory_space<vmem>> -> memref<1x128x64xf32, #tpu.memory_space<vmem>>
      %dma_wait3A_201 = tpu.memref_squeeze %dma_wait3A_200 : memref<1x128x64xf32, #tpu.memory_space<vmem>> -> memref<128x64xf32, #tpu.memory_space<vmem>>
      %dma_wait3A_202 = arith.constant 0 : i32
      %dma_wait3A_203 = tpu.memref_slice %arg5[%add3A_191, %dma_wait3A_202] : memref<200x128xi32, #tpu.memory_space<vmem>> -> memref<1x128xi32, #tpu.memory_space<vmem>>
      %dma_wait3A_204 = tpu.memref_squeeze %dma_wait3A_203 : memref<1x128xi32, #tpu.memory_space<vmem>> -> memref<128xi32, #tpu.memory_space<vmem>>
      %dma_wait3A_205 = arith.constant 0 : i32
      %dma_wait3A_206 = arith.constant 0 : i32
      %dma_wait3A_207 = tpu.memref_slice %arg3[%dma_wait3A_205, %dma_wait3A_206] : memref<100000x64xf32, #tpu.memory_space<hbm>> -> memref<100000x64xf32, #tpu.memory_space<hbm>>
      tpu.wait_indirect_dma semaphore(%arg7 : memref<!tpu.dma_semaphore, #tpu.memory_space<semaphore_mem>>) src(%dma_wait3A_207 : memref<100000x64xf32, #tpu.memory_space<hbm>>) dst(%dma_wait3A_201 : memref<128x64xf32, #tpu.memory_space<vmem>>)
      %dma_start3A_208 = arith.constant 0 : i32
      %dma_start3A_209 = arith.constant 0 : i32
      %dma_start3A_210 = arith.constant 0 : i32
      %dma_start3A_211 = arith.constant 0 : i32
      %dma_start3A_212 = tpu.memref_slice %arg6[%rem3A_155, %dma_start3A_209, %dma_start3A_210, %dma_start3A_211] : memref<3x2x128x64xf32, #tpu.memory_space<vmem>> -> memref<1x2x128x64xf32, #tpu.memory_space<vmem>>
      %dma_start3A_213 = tpu.memref_squeeze %dma_start3A_212 : memref<1x2x128x64xf32, #tpu.memory_space<vmem>> -> memref<2x128x64xf32, #tpu.memory_space<vmem>>
      %dma_start3A_214 = arith.constant 0 : i32
      %dma_start3A_215 = arith.constant 0 : i32
      %dma_start3A_216 = tpu.memref_slice %dma_start3A_213[%dma_start3A_208, %dma_start3A_214, %dma_start3A_215] : memref<2x128x64xf32, #tpu.memory_space<vmem>> -> memref<1x128x64xf32, #tpu.memory_space<vmem>>
      %dma_start3A_217 = tpu.memref_squeeze %dma_start3A_216 : memref<1x128x64xf32, #tpu.memory_space<vmem>> -> memref<128x64xf32, #tpu.memory_space<vmem>>
      %dma_start3A_218 = arith.constant 0 : i32
      %dma_start3A_219 = tpu.memref_slice %arg4[%scan3A_153, %mul3A_2, %dma_start3A_218] : memref<100x4096x128xf32, #tpu.memory_space<hbm>> -> memref<1x128x64xf32, #tpu.memory_space<hbm>>
      %dma_start3A_220 = tpu.memref_squeeze %dma_start3A_219 : memref<1x128x64xf32, #tpu.memory_space<hbm>> -> memref<128x64xf32, #tpu.memory_space<hbm>>
      %dma_start3A_221 = arith.constant 0 : i32
      %dma_start3A_222 = tpu.memref_slice %arg4[%scan3A_153, %mul3A_2, %dma_start3A_221] : memref<100x4096x128xf32, #tpu.memory_space<hbm>> -> memref<1x128x64xf32, #tpu.memory_space<hbm>>
      %dma_start3A_223 = tpu.memref_squeeze %dma_start3A_222 : memref<1x128x64xf32, #tpu.memory_space<hbm>> -> memref<128x64xf32, #tpu.memory_space<hbm>>
      %dma_start3A_224 = arith.constant 0 : i32
      %dma_start3A_225 = arith.constant 0 : i32
      %dma_start3A_226 = arith.constant 0 : i32
      %dma_start3A_227 = tpu.memref_slice %arg6[%rem3A_155, %dma_start3A_224, %dma_start3A_225, %dma_start3A_226] : memref<3x2x128x64xf32, #tpu.memory_space<vmem>> -> memref<1x2x128x64xf32, #tpu.memory_space<vmem>>
      %dma_start3A_228 = tpu.memref_squeeze %dma_start3A_227 : memref<1x2x128x64xf32, #tpu.memory_space<vmem>> -> memref<2x128x64xf32, #tpu.memory_space<vmem>>
      %dma_start3A_229 = arith.constant 0 : i32
      %dma_start3A_230 = arith.constant 0 : i32
      %dma_start3A_231 = tpu.memref_slice %dma_start3A_228[%dma_start3A_208, %dma_start3A_229, %dma_start3A_230] : memref<2x128x64xf32, #tpu.memory_space<vmem>> -> memref<1x128x64xf32, #tpu.memory_space<vmem>>
      %dma_start3A_232 = tpu.memref_squeeze %dma_start3A_231 : memref<1x128x64xf32, #tpu.memory_space<vmem>> -> memref<128x64xf32, #tpu.memory_space<vmem>>
      tpu.enqueue_dma source(%dma_start3A_232 : memref<128x64xf32, #tpu.memory_space<vmem>>) target(%dma_start3A_223 : memref<128x64xf32, #tpu.memory_space<hbm>>) target_semaphore(%arg8 : memref<!tpu.dma_semaphore, #tpu.memory_space<semaphore_mem>>)
      %dma_start3A_233 = arith.constant 1 : i32
      %dma_start3A_234 = arith.constant 0 : i32
      %dma_start3A_235 = arith.constant 0 : i32
      %dma_start3A_236 = arith.constant 0 : i32
      %dma_start3A_237 = tpu.memref_slice %arg6[%rem3A_155, %dma_start3A_234, %dma_start3A_235, %dma_start3A_236] : memref<3x2x128x64xf32, #tpu.memory_space<vmem>> -> memref<1x2x128x64xf32, #tpu.memory_space<vmem>>
      %dma_start3A_238 = tpu.memref_squeeze %dma_start3A_237 : memref<1x2x128x64xf32, #tpu.memory_space<vmem>> -> memref<2x128x64xf32, #tpu.memory_space<vmem>>
      %dma_start3A_239 = arith.constant 0 : i32
      %dma_start3A_240 = arith.constant 0 : i32
      %dma_start3A_241 = tpu.memref_slice %dma_start3A_238[%dma_start3A_233, %dma_start3A_239, %dma_start3A_240] : memref<2x128x64xf32, #tpu.memory_space<vmem>> -> memref<1x128x64xf32, #tpu.memory_space<vmem>>
      %dma_start3A_242 = tpu.memref_squeeze %dma_start3A_241 : memref<1x128x64xf32, #tpu.memory_space<vmem>> -> memref<128x64xf32, #tpu.memory_space<vmem>>
      %dma_start3A_243 = arith.constant 64 : i32
      %dma_start3A_244 = tpu.memref_slice %arg4[%scan3A_153, %mul3A_2, %dma_start3A_243] : memref<100x4096x128xf32, #tpu.memory_space<hbm>> -> memref<1x128x64xf32, #tpu.memory_space<hbm>>
      %dma_start3A_245 = tpu.memref_squeeze %dma_start3A_244 : memref<1x128x64xf32, #tpu.memory_space<hbm>> -> memref<128x64xf32, #tpu.memory_space<hbm>>
      %dma_start3A_246 = arith.constant 64 : i32
      %dma_start3A_247 = tpu.memref_slice %arg4[%scan3A_153, %mul3A_2, %dma_start3A_246] : memref<100x4096x128xf32, #tpu.memory_space<hbm>> -> memref<1x128x64xf32, #tpu.memory_space<hbm>>
      %dma_start3A_248 = tpu.memref_squeeze %dma_start3A_247 : memref<1x128x64xf32, #tpu.memory_space<hbm>> -> memref<128x64xf32, #tpu.memory_space<hbm>>
      %dma_start3A_249 = arith.constant 0 : i32
      %dma_start3A_250 = arith.constant 0 : i32
      %dma_start3A_251 = arith.constant 0 : i32
      %dma_start3A_252 = tpu.memref_slice %arg6[%rem3A_155, %dma_start3A_249, %dma_start3A_250, %dma_start3A_251] : memref<3x2x128x64xf32, #tpu.memory_space<vmem>> -> memref<1x2x128x64xf32, #tpu.memory_space<vmem>>
      %dma_start3A_253 = tpu.memref_squeeze %dma_start3A_252 : memref<1x2x128x64xf32, #tpu.memory_space<vmem>> -> memref<2x128x64xf32, #tpu.memory_space<vmem>>
      %dma_start3A_254 = arith.constant 0 : i32
      %dma_start3A_255 = arith.constant 0 : i32
      %dma_start3A_256 = tpu.memref_slice %dma_start3A_253[%dma_start3A_233, %dma_start3A_254, %dma_start3A_255] : memref<2x128x64xf32, #tpu.memory_space<vmem>> -> memref<1x128x64xf32, #tpu.memory_space<vmem>>
      %dma_start3A_257 = tpu.memref_squeeze %dma_start3A_256 : memref<1x128x64xf32, #tpu.memory_space<vmem>> -> memref<128x64xf32, #tpu.memory_space<vmem>>
      tpu.enqueue_dma source(%dma_start3A_257 : memref<128x64xf32, #tpu.memory_space<vmem>>) target(%dma_start3A_248 : memref<128x64xf32, #tpu.memory_space<hbm>>) target_semaphore(%arg8 : memref<!tpu.dma_semaphore, #tpu.memory_space<semaphore_mem>>)
    }
    %scan3A_44 = arith.constant 100 : i32
    %rem3A = arith.constant 99 : i32
    %rem3A_45 = arith.constant 3 : i32
    %rem3A_46 = arith.remsi %rem3A, %rem3A_45 : i32
    %dma_wait3A = arith.constant 0 : i32
    %dma_wait3A_47 = arith.constant 99 : i32
    %dma_wait3A_48 = arith.constant 0 : i32
    %dma_wait3A_49 = arith.constant 0 : i32
    %dma_wait3A_50 = arith.constant 0 : i32
    %dma_wait3A_51 = tpu.memref_slice %arg6[%rem3A_46, %dma_wait3A_48, %dma_wait3A_49, %dma_wait3A_50] : memref<3x2x128x64xf32, #tpu.memory_space<vmem>> -> memref<1x2x128x64xf32, #tpu.memory_space<vmem>>
    %dma_wait3A_52 = tpu.memref_squeeze %dma_wait3A_51 : memref<1x2x128x64xf32, #tpu.memory_space<vmem>> -> memref<2x128x64xf32, #tpu.memory_space<vmem>>
    %dma_wait3A_53 = arith.constant 0 : i32
    %dma_wait3A_54 = arith.constant 0 : i32
    %dma_wait3A_55 = tpu.memref_slice %dma_wait3A_52[%dma_wait3A, %dma_wait3A_53, %dma_wait3A_54] : memref<2x128x64xf32, #tpu.memory_space<vmem>> -> memref<1x128x64xf32, #tpu.memory_space<vmem>>
    %dma_wait3A_56 = tpu.memref_squeeze %dma_wait3A_55 : memref<1x128x64xf32, #tpu.memory_space<vmem>> -> memref<128x64xf32, #tpu.memory_space<vmem>>
    %dma_wait3A_57 = arith.constant 0 : i32
    %dma_wait3A_58 = tpu.memref_slice %arg4[%dma_wait3A_47, %mul3A_2, %dma_wait3A_57] : memref<100x4096x128xf32, #tpu.memory_space<hbm>> -> memref<1x128x64xf32, #tpu.memory_space<hbm>>
    %dma_wait3A_59 = tpu.memref_squeeze %dma_wait3A_58 : memref<1x128x64xf32, #tpu.memory_space<hbm>> -> memref<128x64xf32, #tpu.memory_space<hbm>>
    %dma_wait3A_60 = arith.constant 0 : i32
    %dma_wait3A_61 = tpu.memref_slice %arg4[%dma_wait3A_47, %mul3A_2, %dma_wait3A_60] : memref<100x4096x128xf32, #tpu.memory_space<hbm>> -> memref<1x128x64xf32, #tpu.memory_space<hbm>>
    %dma_wait3A_62 = tpu.memref_squeeze %dma_wait3A_61 : memref<1x128x64xf32, #tpu.memory_space<hbm>> -> memref<128x64xf32, #tpu.memory_space<hbm>>
    %dma_wait3A_63 = arith.constant 0 : i32
    %dma_wait3A_64 = arith.constant 0 : i32
    %dma_wait3A_65 = arith.constant 0 : i32
    %dma_wait3A_66 = tpu.memref_slice %arg6[%rem3A_46, %dma_wait3A_63, %dma_wait3A_64, %dma_wait3A_65] : memref<3x2x128x64xf32, #tpu.memory_space<vmem>> -> memref<1x2x128x64xf32, #tpu.memory_space<vmem>>
    %dma_wait3A_67 = tpu.memref_squeeze %dma_wait3A_66 : memref<1x2x128x64xf32, #tpu.memory_space<vmem>> -> memref<2x128x64xf32, #tpu.memory_space<vmem>>
    %dma_wait3A_68 = arith.constant 0 : i32
    %dma_wait3A_69 = arith.constant 0 : i32
    %dma_wait3A_70 = tpu.memref_slice %dma_wait3A_67[%dma_wait3A, %dma_wait3A_68, %dma_wait3A_69] : memref<2x128x64xf32, #tpu.memory_space<vmem>> -> memref<1x128x64xf32, #tpu.memory_space<vmem>>
    %dma_wait3A_71 = tpu.memref_squeeze %dma_wait3A_70 : memref<1x128x64xf32, #tpu.memory_space<vmem>> -> memref<128x64xf32, #tpu.memory_space<vmem>>
    tpu.wait_dma2 semaphore(%arg8 : memref<!tpu.dma_semaphore, #tpu.memory_space<semaphore_mem>>) src(%dma_wait3A_71 : memref<128x64xf32, #tpu.memory_space<vmem>>) dst(%dma_wait3A_62 : memref<128x64xf32, #tpu.memory_space<hbm>>)
    %dma_wait3A_72 = arith.constant 1 : i32
    %dma_wait3A_73 = arith.constant 99 : i32
    %dma_wait3A_74 = arith.constant 0 : i32
    %dma_wait3A_75 = arith.constant 0 : i32
    %dma_wait3A_76 = arith.constant 0 : i32
    %dma_wait3A_77 = tpu.memref_slice %arg6[%rem3A_46, %dma_wait3A_74, %dma_wait3A_75, %dma_wait3A_76] : memref<3x2x128x64xf32, #tpu.memory_space<vmem>> -> memref<1x2x128x64xf32, #tpu.memory_space<vmem>>
    %dma_wait3A_78 = tpu.memref_squeeze %dma_wait3A_77 : memref<1x2x128x64xf32, #tpu.memory_space<vmem>> -> memref<2x128x64xf32, #tpu.memory_space<vmem>>
    %dma_wait3A_79 = arith.constant 0 : i32
    %dma_wait3A_80 = arith.constant 0 : i32
    %dma_wait3A_81 = tpu.memref_slice %dma_wait3A_78[%dma_wait3A_72, %dma_wait3A_79, %dma_wait3A_80] : memref<2x128x64xf32, #tpu.memory_space<vmem>> -> memref<1x128x64xf32, #tpu.memory_space<vmem>>
    %dma_wait3A_82 = tpu.memref_squeeze %dma_wait3A_81 : memref<1x128x64xf32, #tpu.memory_space<vmem>> -> memref<128x64xf32, #tpu.memory_space<vmem>>
    %dma_wait3A_83 = arith.constant 64 : i32
    %dma_wait3A_84 = tpu.memref_slice %arg4[%dma_wait3A_73, %mul3A_2, %dma_wait3A_83] : memref<100x4096x128xf32, #tpu.memory_space<hbm>> -> memref<1x128x64xf32, #tpu.memory_space<hbm>>
    %dma_wait3A_85 = tpu.memref_squeeze %dma_wait3A_84 : memref<1x128x64xf32, #tpu.memory_space<hbm>> -> memref<128x64xf32, #tpu.memory_space<hbm>>
    %dma_wait3A_86 = arith.constant 64 : i32
    %dma_wait3A_87 = tpu.memref_slice %arg4[%dma_wait3A_73, %mul3A_2, %dma_wait3A_86] : memref<100x4096x128xf32, #tpu.memory_space<hbm>> -> memref<1x128x64xf32, #tpu.memory_space<hbm>>
    %dma_wait3A_88 = tpu.memref_squeeze %dma_wait3A_87 : memref<1x128x64xf32, #tpu.memory_space<hbm>> -> memref<128x64xf32, #tpu.memory_space<hbm>>
    %dma_wait3A_89 = arith.constant 0 : i32
    %dma_wait3A_90 = arith.constant 0 : i32
    %dma_wait3A_91 = arith.constant 0 : i32
    %dma_wait3A_92 = tpu.memref_slice %arg6[%rem3A_46, %dma_wait3A_89, %dma_wait3A_90, %dma_wait3A_91] : memref<3x2x128x64xf32, #tpu.memory_space<vmem>> -> memref<1x2x128x64xf32, #tpu.memory_space<vmem>>
    %dma_wait3A_93 = tpu.memref_squeeze %dma_wait3A_92 : memref<1x2x128x64xf32, #tpu.memory_space<vmem>> -> memref<2x128x64xf32, #tpu.memory_space<vmem>>
    %dma_wait3A_94 = arith.constant 0 : i32
    %dma_wait3A_95 = arith.constant 0 : i32
    %dma_wait3A_96 = tpu.memref_slice %dma_wait3A_93[%dma_wait3A_72, %dma_wait3A_94, %dma_wait3A_95] : memref<2x128x64xf32, #tpu.memory_space<vmem>> -> memref<1x128x64xf32, #tpu.memory_space<vmem>>
    %dma_wait3A_97 = tpu.memref_squeeze %dma_wait3A_96 : memref<1x128x64xf32, #tpu.memory_space<vmem>> -> memref<128x64xf32, #tpu.memory_space<vmem>>
    tpu.wait_dma2 semaphore(%arg8 : memref<!tpu.dma_semaphore, #tpu.memory_space<semaphore_mem>>) src(%dma_wait3A_97 : memref<128x64xf32, #tpu.memory_space<vmem>>) dst(%dma_wait3A_88 : memref<128x64xf32, #tpu.memory_space<hbm>>)
    %rem3A_98 = arith.constant 98 : i32
    %rem3A_99 = arith.constant 3 : i32
    %rem3A_100 = arith.remsi %rem3A_98, %rem3A_99 : i32
    %dma_wait3A_101 = arith.constant 0 : i32
    %dma_wait3A_102 = arith.constant 98 : i32
    %dma_wait3A_103 = arith.constant 0 : i32
    %dma_wait3A_104 = arith.constant 0 : i32
    %dma_wait3A_105 = arith.constant 0 : i32
    %dma_wait3A_106 = tpu.memref_slice %arg6[%rem3A_100, %dma_wait3A_103, %dma_wait3A_104, %dma_wait3A_105] : memref<3x2x128x64xf32, #tpu.memory_space<vmem>> -> memref<1x2x128x64xf32, #tpu.memory_space<vmem>>
    %dma_wait3A_107 = tpu.memref_squeeze %dma_wait3A_106 : memref<1x2x128x64xf32, #tpu.memory_space<vmem>> -> memref<2x128x64xf32, #tpu.memory_space<vmem>>
    %dma_wait3A_108 = arith.constant 0 : i32
    %dma_wait3A_109 = arith.constant 0 : i32
    %dma_wait3A_110 = tpu.memref_slice %dma_wait3A_107[%dma_wait3A_101, %dma_wait3A_108, %dma_wait3A_109] : memref<2x128x64xf32, #tpu.memory_space<vmem>> -> memref<1x128x64xf32, #tpu.memory_space<vmem>>
    %dma_wait3A_111 = tpu.memref_squeeze %dma_wait3A_110 : memref<1x128x64xf32, #tpu.memory_space<vmem>> -> memref<128x64xf32, #tpu.memory_space<vmem>>
    %dma_wait3A_112 = arith.constant 0 : i32
    %dma_wait3A_113 = tpu.memref_slice %arg4[%dma_wait3A_102, %mul3A_2, %dma_wait3A_112] : memref<100x4096x128xf32, #tpu.memory_space<hbm>> -> memref<1x128x64xf32, #tpu.memory_space<hbm>>
    %dma_wait3A_114 = tpu.memref_squeeze %dma_wait3A_113 : memref<1x128x64xf32, #tpu.memory_space<hbm>> -> memref<128x64xf32, #tpu.memory_space<hbm>>
    %dma_wait3A_115 = arith.constant 0 : i32
    %dma_wait3A_116 = tpu.memref_slice %arg4[%dma_wait3A_102, %mul3A_2, %dma_wait3A_115] : memref<100x4096x128xf32, #tpu.memory_space<hbm>> -> memref<1x128x64xf32, #tpu.memory_space<hbm>>
    %dma_wait3A_117 = tpu.memref_squeeze %dma_wait3A_116 : memref<1x128x64xf32, #tpu.memory_space<hbm>> -> memref<128x64xf32, #tpu.memory_space<hbm>>
    %dma_wait3A_118 = arith.constant 0 : i32
    %dma_wait3A_119 = arith.constant 0 : i32
    %dma_wait3A_120 = arith.constant 0 : i32
    %dma_wait3A_121 = tpu.memref_slice %arg6[%rem3A_100, %dma_wait3A_118, %dma_wait3A_119, %dma_wait3A_120] : memref<3x2x128x64xf32, #tpu.memory_space<vmem>> -> memref<1x2x128x64xf32, #tpu.memory_space<vmem>>
    %dma_wait3A_122 = tpu.memref_squeeze %dma_wait3A_121 : memref<1x2x128x64xf32, #tpu.memory_space<vmem>> -> memref<2x128x64xf32, #tpu.memory_space<vmem>>
    %dma_wait3A_123 = arith.constant 0 : i32
    %dma_wait3A_124 = arith.constant 0 : i32
    %dma_wait3A_125 = tpu.memref_slice %dma_wait3A_122[%dma_wait3A_101, %dma_wait3A_123, %dma_wait3A_124] : memref<2x128x64xf32, #tpu.memory_space<vmem>> -> memref<1x128x64xf32, #tpu.memory_space<vmem>>
    %dma_wait3A_126 = tpu.memref_squeeze %dma_wait3A_125 : memref<1x128x64xf32, #tpu.memory_space<vmem>> -> memref<128x64xf32, #tpu.memory_space<vmem>>
    tpu.wait_dma2 semaphore(%arg8 : memref<!tpu.dma_semaphore, #tpu.memory_space<semaphore_mem>>) src(%dma_wait3A_126 : memref<128x64xf32, #tpu.memory_space<vmem>>) dst(%dma_wait3A_117 : memref<128x64xf32, #tpu.memory_space<hbm>>)
    %dma_wait3A_127 = arith.constant 1 : i32
    %dma_wait3A_128 = arith.constant 98 : i32
    %dma_wait3A_129 = arith.constant 0 : i32
    %dma_wait3A_130 = arith.constant 0 : i32
    %dma_wait3A_131 = arith.constant 0 : i32
    %dma_wait3A_132 = tpu.memref_slice %arg6[%rem3A_100, %dma_wait3A_129, %dma_wait3A_130, %dma_wait3A_131] : memref<3x2x128x64xf32, #tpu.memory_space<vmem>> -> memref<1x2x128x64xf32, #tpu.memory_space<vmem>>
    %dma_wait3A_133 = tpu.memref_squeeze %dma_wait3A_132 : memref<1x2x128x64xf32, #tpu.memory_space<vmem>> -> memref<2x128x64xf32, #tpu.memory_space<vmem>>
    %dma_wait3A_134 = arith.constant 0 : i32
    %dma_wait3A_135 = arith.constant 0 : i32
    %dma_wait3A_136 = tpu.memref_slice %dma_wait3A_133[%dma_wait3A_127, %dma_wait3A_134, %dma_wait3A_135] : memref<2x128x64xf32, #tpu.memory_space<vmem>> -> memref<1x128x64xf32, #tpu.memory_space<vmem>>
    %dma_wait3A_137 = tpu.memref_squeeze %dma_wait3A_136 : memref<1x128x64xf32, #tpu.memory_space<vmem>> -> memref<128x64xf32, #tpu.memory_space<vmem>>
    %dma_wait3A_138 = arith.constant 64 : i32
    %dma_wait3A_139 = tpu.memref_slice %arg4[%dma_wait3A_128, %mul3A_2, %dma_wait3A_138] : memref<100x4096x128xf32, #tpu.memory_space<hbm>> -> memref<1x128x64xf32, #tpu.memory_space<hbm>>
    %dma_wait3A_140 = tpu.memref_squeeze %dma_wait3A_139 : memref<1x128x64xf32, #tpu.memory_space<hbm>> -> memref<128x64xf32, #tpu.memory_space<hbm>>
    %dma_wait3A_141 = arith.constant 64 : i32
    %dma_wait3A_142 = tpu.memref_slice %arg4[%dma_wait3A_128, %mul3A_2, %dma_wait3A_141] : memref<100x4096x128xf32, #tpu.memory_space<hbm>> -> memref<1x128x64xf32, #tpu.memory_space<hbm>>
    %dma_wait3A_143 = tpu.memref_squeeze %dma_wait3A_142 : memref<1x128x64xf32, #tpu.memory_space<hbm>> -> memref<128x64xf32, #tpu.memory_space<hbm>>
    %dma_wait3A_144 = arith.constant 0 : i32
    %dma_wait3A_145 = arith.constant 0 : i32
    %dma_wait3A_146 = arith.constant 0 : i32
    %dma_wait3A_147 = tpu.memref_slice %arg6[%rem3A_100, %dma_wait3A_144, %dma_wait3A_145, %dma_wait3A_146] : memref<3x2x128x64xf32, #tpu.memory_space<vmem>> -> memref<1x2x128x64xf32, #tpu.memory_space<vmem>>
    %dma_wait3A_148 = tpu.memref_squeeze %dma_wait3A_147 : memref<1x2x128x64xf32, #tpu.memory_space<vmem>> -> memref<2x128x64xf32, #tpu.memory_space<vmem>>
    %dma_wait3A_149 = arith.constant 0 : i32
    %dma_wait3A_150 = arith.constant 0 : i32
    %dma_wait3A_151 = tpu.memref_slice %dma_wait3A_148[%dma_wait3A_127, %dma_wait3A_149, %dma_wait3A_150] : memref<2x128x64xf32, #tpu.memory_space<vmem>> -> memref<1x128x64xf32, #tpu.memory_space<vmem>>
    %dma_wait3A_152 = tpu.memref_squeeze %dma_wait3A_151 : memref<1x128x64xf32, #tpu.memory_space<vmem>> -> memref<128x64xf32, #tpu.memory_space<vmem>>
    tpu.wait_dma2 semaphore(%arg8 : memref<!tpu.dma_semaphore, #tpu.memory_space<semaphore_mem>>) src(%dma_wait3A_152 : memref<128x64xf32, #tpu.memory_space<vmem>>) dst(%dma_wait3A_143 : memref<128x64xf32, #tpu.memory_space<hbm>>)
    return
  }
}

#map = affine_map<(d0, d1) -> (0, 0)>
#map1 = affine_map<(d0, d1) -> (0, 0, 0)>
module attributes {stable_mosaic.version = 14 : i64} {
  func.func @gather_kernel(%arg0: i32, %arg1: i32, %arg2: memref<200x16384xi32, #tpu.memory_space<hbm>>, %arg3: memref<100000x64xf32, #tpu.memory_space<hbm>>, %arg4: memref<100x4096x128xf32, #tpu.memory_space<hbm>>, %arg5: memref<200x128xi32, #tpu.memory_space<vmem>>, %arg6: memref<3x2x128x64xf32, #tpu.memory_space<vmem>>, %arg7: memref<!tpu.dma_semaphore, #tpu.memory_space<semaphore_mem>>, %arg8: memref<!tpu.dma_semaphore, #tpu.memory_space<semaphore_mem>>) attributes {dimension_semantics = [#tpu.dimension_semantics<core_parallel>, #tpu.dimension_semantics<subcore_parallel>], iteration_bounds = array<i64: 2, 16>, scalar_prefetch = 0 : i64, scratch_operands = 4 : i64, tpu.core_type = #tpu.core_type<sc_vector_subcore>, window_params = [{transform_indices = #map}, {transform_indices = #map}, {transform_indices = #map1}]} {
    %mul3A = arith.constant 2 : i32
    %mul3A_0 = arith.muli %arg1, %mul3A : i32
    %add3A = arith.addi %mul3A_0, %arg0 : i32
    %mul3A_1 = arith.constant 128 : i32
    %mul3A_2 = arith.muli %add3A, %mul3A_1 : i32
    %add3A_3 = arith.constant 0 : i32
    %add3A_4 = arith.addi %add3A_3, %mul3A_2 : i32
    "tpu.region"() ({
      %run_scoped3A = tpu.sem_alloc : memref<!tpu.dma_semaphore, #tpu.memory_space<semaphore_mem>>
      %dma_start3A_153 = arith.constant 0 : i32
      %dma_start3A_154 = tpu.memref_slice %arg2[%dma_start3A_153, %add3A_4] : memref<200x16384xi32, #tpu.memory_space<hbm>> -> memref<200x128xi32, #tpu.memory_space<hbm>>
      %dma_start3A_155 = arith.constant 0 : i32
      %dma_start3A_156 = tpu.memref_slice %arg2[%dma_start3A_155, %add3A_4] : memref<200x16384xi32, #tpu.memory_space<hbm>> -> memref<200x128xi32, #tpu.memory_space<hbm>>
      tpu.enqueue_dma source(%dma_start3A_156 : memref<200x128xi32, #tpu.memory_space<hbm>>) target(%arg5 : memref<200x128xi32, #tpu.memory_space<vmem>>) target_semaphore(%run_scoped3A : memref<!tpu.dma_semaphore, #tpu.memory_space<semaphore_mem>>)
      %dma_wait3A_157 = arith.constant 0 : i32
      %dma_wait3A_158 = tpu.memref_slice %arg2[%dma_wait3A_157, %add3A_4] : memref<200x16384xi32, #tpu.memory_space<hbm>> -> memref<200x128xi32, #tpu.memory_space<hbm>>
      %dma_wait3A_159 = arith.constant 0 : i32
      %dma_wait3A_160 = tpu.memref_slice %arg2[%dma_wait3A_159, %add3A_4] : memref<200x16384xi32, #tpu.memory_space<hbm>> -> memref<200x128xi32, #tpu.memory_space<hbm>>
      tpu.wait_dma2 semaphore(%run_scoped3A : memref<!tpu.dma_semaphore, #tpu.memory_space<semaphore_mem>>) src(%dma_wait3A_160 : memref<200x128xi32, #tpu.memory_space<hbm>>) dst(%arg5 : memref<200x128xi32, #tpu.memory_space<vmem>>)
      tpu.yield
    }) : () -> ()
    %dma_start3A = arith.constant 0 : i32
    %dma_start3A_5 = arith.constant 0 : i32
    %dma_start3A_6 = arith.constant 0 : i32
    %dma_start3A_7 = arith.constant 0 : i32
    %dma_start3A_8 = arith.constant 0 : i32
    %dma_start3A_9 = arith.constant 0 : i32
    %dma_start3A_10 = tpu.memref_slice %arg6[%dma_start3A_5, %dma_start3A_7, %dma_start3A_8, %dma_start3A_9] : memref<3x2x128x64xf32, #tpu.memory_space<vmem>> -> memref<1x2x128x64xf32, #tpu.memory_space<vmem>>
    %dma_start3A_11 = tpu.memref_squeeze %dma_start3A_10 : memref<1x2x128x64xf32, #tpu.memory_space<vmem>> -> memref<2x128x64xf32, #tpu.memory_space<vmem>>
    %dma_start3A_12 = arith.constant 0 : i32
    %dma_start3A_13 = arith.constant 0 : i32
    %dma_start3A_14 = tpu.memref_slice %dma_start3A_11[%dma_start3A_6, %dma_start3A_12, %dma_start3A_13] : memref<2x128x64xf32, #tpu.memory_space<vmem>> -> memref<1x128x64xf32, #tpu.memory_space<vmem>>
    %dma_start3A_15 = tpu.memref_squeeze %dma_start3A_14 : memref<1x128x64xf32, #tpu.memory_space<vmem>> -> memref<128x64xf32, #tpu.memory_space<vmem>>
    %dma_start3A_16 = arith.constant 0 : i32
    %dma_start3A_17 = tpu.memref_slice %arg5[%dma_start3A, %dma_start3A_16] : memref<200x128xi32, #tpu.memory_space<vmem>> -> memref<1x128xi32, #tpu.memory_space<vmem>>
    %dma_start3A_18 = tpu.memref_squeeze %dma_start3A_17 : memref<1x128xi32, #tpu.memory_space<vmem>> -> memref<128xi32, #tpu.memory_space<vmem>>
    %dma_start3A_19 = arith.constant 0 : i32
    %dma_start3A_20 = arith.constant 0 : i32
    %dma_start3A_21 = tpu.memref_slice %arg3[%dma_start3A_19, %dma_start3A_20] : memref<100000x64xf32, #tpu.memory_space<hbm>> -> memref<100000x64xf32, #tpu.memory_space<hbm>>
    tpu.enqueue_indirect_dma source(%dma_start3A_21 : memref<100000x64xf32, #tpu.memory_space<hbm>>) target(%dma_start3A_15 : memref<128x64xf32, #tpu.memory_space<vmem>>) offsets(%dma_start3A_18 : memref<128xi32, #tpu.memory_space<vmem>>) semaphore(%arg7 : memref<!tpu.dma_semaphore, #tpu.memory_space<semaphore_mem>>)
    %dma_start3A_22 = arith.constant 1 : i32
    %dma_start3A_23 = arith.constant 0 : i32
    %dma_start3A_24 = arith.constant 1 : i32
    %dma_start3A_25 = arith.constant 0 : i32
    %dma_start3A_26 = arith.constant 0 : i32
    %dma_start3A_27 = arith.constant 0 : i32
    %dma_start3A_28 = tpu.memref_slice %arg6[%dma_start3A_23, %dma_start3A_25, %dma_start3A_26, %dma_start3A_27] : memref<3x2x128x64xf32, #tpu.memory_space<vmem>> -> memref<1x2x128x64xf32, #tpu.memory_space<vmem>>
    %dma_start3A_29 = tpu.memref_squeeze %dma_start3A_28 : memref<1x2x128x64xf32, #tpu.memory_space<vmem>> -> memref<2x128x64xf32, #tpu.memory_space<vmem>>
    %dma_start3A_30 = arith.constant 0 : i32
    %dma_start3A_31 = arith.constant 0 : i32
    %dma_start3A_32 = tpu.memref_slice %dma_start3A_29[%dma_start3A_24, %dma_start3A_30, %dma_start3A_31] : memref<2x128x64xf32, #tpu.memory_space<vmem>> -> memref<1x128x64xf32, #tpu.memory_space<vmem>>
    %dma_start3A_33 = tpu.memref_squeeze %dma_start3A_32 : memref<1x128x64xf32, #tpu.memory_space<vmem>> -> memref<128x64xf32, #tpu.memory_space<vmem>>
    %dma_start3A_34 = arith.constant 0 : i32
    %dma_start3A_35 = tpu.memref_slice %arg5[%dma_start3A_22, %dma_start3A_34] : memref<200x128xi32, #tpu.memory_space<vmem>> -> memref<1x128xi32, #tpu.memory_space<vmem>>
    %dma_start3A_36 = tpu.memref_squeeze %dma_start3A_35 : memref<1x128xi32, #tpu.memory_space<vmem>> -> memref<128xi32, #tpu.memory_space<vmem>>
    %dma_start3A_37 = arith.constant 0 : i32
    %dma_start3A_38 = arith.constant 0 : i32
    %dma_start3A_39 = tpu.memref_slice %arg3[%dma_start3A_37, %dma_start3A_38] : memref<100000x64xf32, #tpu.memory_space<hbm>> -> memref<100000x64xf32, #tpu.memory_space<hbm>>
    tpu.enqueue_indirect_dma source(%dma_start3A_39 : memref<100000x64xf32, #tpu.memory_space<hbm>>) target(%dma_start3A_33 : memref<128x64xf32, #tpu.memory_space<vmem>>) offsets(%dma_start3A_36 : memref<128xi32, #tpu.memory_space<vmem>>) semaphore(%arg7 : memref<!tpu.dma_semaphore, #tpu.memory_space<semaphore_mem>>)
    %scan3A = arith.constant 0 : i32
    %scan3A_40 = arith.constant 0 : i32
    %scan3A_41 = arith.constant 100 : i32
    %scan3A_42 = arith.addi %scan3A_40, %scan3A_41 : i32
    %scan3A_43 = arith.constant 1 : i32
    scf.for %scan3A_153 = %scan3A_40 to %scan3A_42 step %scan3A_43  : i32 {
      %rem3A_154 = arith.constant 3 : i32
      %rem3A_155 = arith.remsi %scan3A_153, %rem3A_154 : i32
      %add3A_156 = arith.constant 1 : i32
      %add3A_157 = arith.addi %scan3A_153, %add3A_156 : i32
      %rem3A_158 = arith.constant 3 : i32
      %rem3A_159 = arith.remsi %add3A_157, %rem3A_158 : i32
      %ge3A = arith.constant 2 : i32
      %ge3A_160 = arith.cmpi sge, %scan3A_153, %ge3A : i32
      %convert_element_type3A = arith.extui %ge3A_160 : i1 to i32
      %cond3A = arith.constant 0 : i32
      %cond3A_161 = arith.cmpi ne, %convert_element_type3A, %cond3A : i32
      scf.if %cond3A_161 {
        %dma_wait3A_258 = arith.constant 0 : i32
        %dma_wait3A_259 = arith.constant 0 : i32
        %dma_wait3A_260 = arith.constant 0 : i32
        %dma_wait3A_261 = arith.constant 0 : i32
        %dma_wait3A_262 = tpu.memref_slice %arg6[%rem3A_159, %dma_wait3A_259, %dma_wait3A_260, %dma_wait3A_261] : memref<3x2x128x64xf32, #tpu.memory_space<vmem>> -> memref<1x2x128x64xf32, #tpu.memory_space<vmem>>
        %dma_wait3A_263 = tpu.memref_squeeze %dma_wait3A_262 : memref<1x2x128x64xf32, #tpu.memory_space<vmem>> -> memref<2x128x64xf32, #tpu.memory_space<vmem>>
        %dma_wait3A_264 = arith.constant 0 : i32
        %dma_wait3A_265 = arith.constant 0 : i32
        %dma_wait3A_266 = tpu.memref_slice %dma_wait3A_263[%dma_wait3A_258, %dma_wait3A_264, %dma_wait3A_265] : memref<2x128x64xf32, #tpu.memory_space<vmem>> -> memref<1x128x64xf32, #tpu.memory_space<vmem>>
        %dma_wait3A_267 = tpu.memref_squeeze %dma_wait3A_266 : memref<1x128x64xf32, #tpu.memory_space<vmem>> -> memref<128x64xf32, #tpu.memory_space<vmem>>
        %dma_wait3A_268 = arith.constant 0 : i32
        %dma_wait3A_269 = tpu.memref_slice %arg4[%scan3A_153, %mul3A_2, %dma_wait3A_268] : memref<100x4096x128xf32, #tpu.memory_space<hbm>> -> memref<1x128x64xf32, #tpu.memory_space<hbm>>
        %dma_wait3A_270 = tpu.memref_squeeze %dma_wait3A_269 : memref<1x128x64xf32, #tpu.memory_space<hbm>> -> memref<128x64xf32, #tpu.memory_space<hbm>>
        %dma_wait3A_271 = arith.constant 0 : i32
        %dma_wait3A_272 = tpu.memref_slice %arg4[%scan3A_153, %mul3A_2, %dma_wait3A_271] : memref<100x4096x128xf32, #tpu.memory_space<hbm>> -> memref<1x128x64xf32, #tpu.memory_space<hbm>>
        %dma_wait3A_273 = tpu.memref_squeeze %dma_wait3A_272 : memref<1x128x64xf32, #tpu.memory_space<hbm>> -> memref<128x64xf32, #tpu.memory_space<hbm>>
        %dma_wait3A_274 = arith.constant 0 : i32
        %dma_wait3A_275 = arith.constant 0 : i32
        %dma_wait3A_276 = arith.constant 0 : i32
        %dma_wait3A_277 = tpu.memref_slice %arg6[%rem3A_159, %dma_wait3A_274, %dma_wait3A_275, %dma_wait3A_276] : memref<3x2x128x64xf32, #tpu.memory_space<vmem>> -> memref<1x2x128x64xf32, #tpu.memory_space<vmem>>
        %dma_wait3A_278 = tpu.memref_squeeze %dma_wait3A_277 : memref<1x2x128x64xf32, #tpu.memory_space<vmem>> -> memref<2x128x64xf32, #tpu.memory_space<vmem>>
        %dma_wait3A_279 = arith.constant 0 : i32
        %dma_wait3A_280 = arith.constant 0 : i32
        %dma_wait3A_281 = tpu.memref_slice %dma_wait3A_278[%dma_wait3A_258, %dma_wait3A_279, %dma_wait3A_280] : memref<2x128x64xf32, #tpu.memory_space<vmem>> -> memref<1x128x64xf32, #tpu.memory_space<vmem>>
        %dma_wait3A_282 = tpu.memref_squeeze %dma_wait3A_281 : memref<1x128x64xf32, #tpu.memory_space<vmem>> -> memref<128x64xf32, #tpu.memory_space<vmem>>
        tpu.wait_dma2 semaphore(%arg8 : memref<!tpu.dma_semaphore, #tpu.memory_space<semaphore_mem>>) src(%dma_wait3A_282 : memref<128x64xf32, #tpu.memory_space<vmem>>) dst(%dma_wait3A_273 : memref<128x64xf32, #tpu.memory_space<hbm>>)
        %dma_wait3A_283 = arith.constant 1 : i32
        %dma_wait3A_284 = arith.constant 0 : i32
        %dma_wait3A_285 = arith.constant 0 : i32
        %dma_wait3A_286 = arith.constant 0 : i32
        %dma_wait3A_287 = tpu.memref_slice %arg6[%rem3A_159, %dma_wait3A_284, %dma_wait3A_285, %dma_wait3A_286] : memref<3x2x128x64xf32, #tpu.memory_space<vmem>> -> memref<1x2x128x64xf32, #tpu.memory_space<vmem>>
        %dma_wait3A_288 = tpu.memref_squeeze %dma_wait3A_287 : memref<1x2x128x64xf32, #tpu.memory_space<vmem>> -> memref<2x128x64xf32, #tpu.memory_space<vmem>>
        %dma_wait3A_289 = arith.constant 0 : i32
        %dma_wait3A_290 = arith.constant 0 : i32
        %dma_wait3A_291 = tpu.memref_slice %dma_wait3A_288[%dma_wait3A_283, %dma_wait3A_289, %dma_wait3A_290] : memref<2x128x64xf32, #tpu.memory_space<vmem>> -> memref<1x128x64xf32, #tpu.memory_space<vmem>>
        %dma_wait3A_292 = tpu.memref_squeeze %dma_wait3A_291 : memref<1x128x64xf32, #tpu.memory_space<vmem>> -> memref<128x64xf32, #tpu.memory_space<vmem>>
        %dma_wait3A_293 = arith.constant 64 : i32
        %dma_wait3A_294 = tpu.memref_slice %arg4[%scan3A_153, %mul3A_2, %dma_wait3A_293] : memref<100x4096x128xf32, #tpu.memory_space<hbm>> -> memref<1x128x64xf32, #tpu.memory_space<hbm>>
        %dma_wait3A_295 = tpu.memref_squeeze %dma_wait3A_294 : memref<1x128x64xf32, #tpu.memory_space<hbm>> -> memref<128x64xf32, #tpu.memory_space<hbm>>
        %dma_wait3A_296 = arith.constant 64 : i32
        %dma_wait3A_297 = tpu.memref_slice %arg4[%scan3A_153, %mul3A_2, %dma_wait3A_296] : memref<100x4096x128xf32, #tpu.memory_space<hbm>> -> memref<1x128x64xf32, #tpu.memory_space<hbm>>
        %dma_wait3A_298 = tpu.memref_squeeze %dma_wait3A_297 : memref<1x128x64xf32, #tpu.memory_space<hbm>> -> memref<128x64xf32, #tpu.memory_space<hbm>>
        %dma_wait3A_299 = arith.constant 0 : i32
        %dma_wait3A_300 = arith.constant 0 : i32
        %dma_wait3A_301 = arith.constant 0 : i32
        %dma_wait3A_302 = tpu.memref_slice %arg6[%rem3A_159, %dma_wait3A_299, %dma_wait3A_300, %dma_wait3A_301] : memref<3x2x128x64xf32, #tpu.memory_space<vmem>> -> memref<1x2x128x64xf32, #tpu.memory_space<vmem>>
        %dma_wait3A_303 = tpu.memref_squeeze %dma_wait3A_302 : memref<1x2x128x64xf32, #tpu.memory_space<vmem>> -> memref<2x128x64xf32, #tpu.memory_space<vmem>>
        %dma_wait3A_304 = arith.constant 0 : i32
        %dma_wait3A_305 = arith.constant 0 : i32
        %dma_wait3A_306 = tpu.memref_slice %dma_wait3A_303[%dma_wait3A_283, %dma_wait3A_304, %dma_wait3A_305] : memref<2x128x64xf32, #tpu.memory_space<vmem>> -> memref<1x128x64xf32, #tpu.memory_space<vmem>>
        %dma_wait3A_307 = tpu.memref_squeeze %dma_wait3A_306 : memref<1x128x64xf32, #tpu.memory_space<vmem>> -> memref<128x64xf32, #tpu.memory_space<vmem>>
        tpu.wait_dma2 semaphore(%arg8 : memref<!tpu.dma_semaphore, #tpu.memory_space<semaphore_mem>>) src(%dma_wait3A_307 : memref<128x64xf32, #tpu.memory_space<vmem>>) dst(%dma_wait3A_298 : memref<128x64xf32, #tpu.memory_space<hbm>>)
      } else {
      }
      %add3A_162 = arith.constant 1 : i32
      %add3A_163 = arith.addi %scan3A_153, %add3A_162 : i32
      %lt3A = arith.constant 100 : i32
      %lt3A_164 = arith.cmpi slt, %add3A_163, %lt3A : i32
      %convert_element_type3A_165 = arith.extui %lt3A_164 : i1 to i32
      %cond3A_166 = arith.constant 0 : i32
      %cond3A_167 = arith.cmpi ne, %convert_element_type3A_165, %cond3A_166 : i32
      scf.if %cond3A_167 {
        %add3A_258 = arith.constant 1 : i32
        %add3A_259 = arith.addi %scan3A_153, %add3A_258 : i32
        %mul3A_260 = arith.constant 2 : i32
        %mul3A_261 = arith.muli %mul3A_260, %add3A_259 : i32
        %add3A_262 = arith.constant 0 : i32
        %add3A_263 = arith.addi %mul3A_261, %add3A_262 : i32
        %dma_start3A_264 = arith.constant 0 : i32
        %dma_start3A_265 = arith.constant 0 : i32
        %dma_start3A_266 = arith.constant 0 : i32
        %dma_start3A_267 = arith.constant 0 : i32
        %dma_start3A_268 = tpu.memref_slice %arg6[%rem3A_159, %dma_start3A_265, %dma_start3A_266, %dma_start3A_267] : memref<3x2x128x64xf32, #tpu.memory_space<vmem>> -> memref<1x2x128x64xf32, #tpu.memory_space<vmem>>
        %dma_start3A_269 = tpu.memref_squeeze %dma_start3A_268 : memref<1x2x128x64xf32, #tpu.memory_space<vmem>> -> memref<2x128x64xf32, #tpu.memory_space<vmem>>
        %dma_start3A_270 = arith.constant 0 : i32
        %dma_start3A_271 = arith.constant 0 : i32
        %dma_start3A_272 = tpu.memref_slice %dma_start3A_269[%dma_start3A_264, %dma_start3A_270, %dma_start3A_271] : memref<2x128x64xf32, #tpu.memory_space<vmem>> -> memref<1x128x64xf32, #tpu.memory_space<vmem>>
        %dma_start3A_273 = tpu.memref_squeeze %dma_start3A_272 : memref<1x128x64xf32, #tpu.memory_space<vmem>> -> memref<128x64xf32, #tpu.memory_space<vmem>>
        %dma_start3A_274 = arith.constant 0 : i32
        %dma_start3A_275 = tpu.memref_slice %arg5[%add3A_263, %dma_start3A_274] : memref<200x128xi32, #tpu.memory_space<vmem>> -> memref<1x128xi32, #tpu.memory_space<vmem>>
        %dma_start3A_276 = tpu.memref_squeeze %dma_start3A_275 : memref<1x128xi32, #tpu.memory_space<vmem>> -> memref<128xi32, #tpu.memory_space<vmem>>
        %dma_start3A_277 = arith.constant 0 : i32
        %dma_start3A_278 = arith.constant 0 : i32
        %dma_start3A_279 = tpu.memref_slice %arg3[%dma_start3A_277, %dma_start3A_278] : memref<100000x64xf32, #tpu.memory_space<hbm>> -> memref<100000x64xf32, #tpu.memory_space<hbm>>
        tpu.enqueue_indirect_dma source(%dma_start3A_279 : memref<100000x64xf32, #tpu.memory_space<hbm>>) target(%dma_start3A_273 : memref<128x64xf32, #tpu.memory_space<vmem>>) offsets(%dma_start3A_276 : memref<128xi32, #tpu.memory_space<vmem>>) semaphore(%arg7 : memref<!tpu.dma_semaphore, #tpu.memory_space<semaphore_mem>>)
        %mul3A_280 = arith.constant 2 : i32
        %mul3A_281 = arith.muli %mul3A_280, %add3A_259 : i32
        %add3A_282 = arith.constant 1 : i32
        %add3A_283 = arith.addi %mul3A_281, %add3A_282 : i32
        %dma_start3A_284 = arith.constant 1 : i32
        %dma_start3A_285 = arith.constant 0 : i32
        %dma_start3A_286 = arith.constant 0 : i32
        %dma_start3A_287 = arith.constant 0 : i32
        %dma_start3A_288 = tpu.memref_slice %arg6[%rem3A_159, %dma_start3A_285, %dma_start3A_286, %dma_start3A_287] : memref<3x2x128x64xf32, #tpu.memory_space<vmem>> -> memref<1x2x128x64xf32, #tpu.memory_space<vmem>>
        %dma_start3A_289 = tpu.memref_squeeze %dma_start3A_288 : memref<1x2x128x64xf32, #tpu.memory_space<vmem>> -> memref<2x128x64xf32, #tpu.memory_space<vmem>>
        %dma_start3A_290 = arith.constant 0 : i32
        %dma_start3A_291 = arith.constant 0 : i32
        %dma_start3A_292 = tpu.memref_slice %dma_start3A_289[%dma_start3A_284, %dma_start3A_290, %dma_start3A_291] : memref<2x128x64xf32, #tpu.memory_space<vmem>> -> memref<1x128x64xf32, #tpu.memory_space<vmem>>
        %dma_start3A_293 = tpu.memref_squeeze %dma_start3A_292 : memref<1x128x64xf32, #tpu.memory_space<vmem>> -> memref<128x64xf32, #tpu.memory_space<vmem>>
        %dma_start3A_294 = arith.constant 0 : i32
        %dma_start3A_295 = tpu.memref_slice %arg5[%add3A_283, %dma_start3A_294] : memref<200x128xi32, #tpu.memory_space<vmem>> -> memref<1x128xi32, #tpu.memory_space<vmem>>
        %dma_start3A_296 = tpu.memref_squeeze %dma_start3A_295 : memref<1x128xi32, #tpu.memory_space<vmem>> -> memref<128xi32, #tpu.memory_space<vmem>>
        %dma_start3A_297 = arith.constant 0 : i32
        %dma_start3A_298 = arith.constant 0 : i32
        %dma_start3A_299 = tpu.memref_slice %arg3[%dma_start3A_297, %dma_start3A_298] : memref<100000x64xf32, #tpu.memory_space<hbm>> -> memref<100000x64xf32, #tpu.memory_space<hbm>>
        tpu.enqueue_indirect_dma source(%dma_start3A_299 : memref<100000x64xf32, #tpu.memory_space<hbm>>) target(%dma_start3A_293 : memref<128x64xf32, #tpu.memory_space<vmem>>) offsets(%dma_start3A_296 : memref<128xi32, #tpu.memory_space<vmem>>) semaphore(%arg7 : memref<!tpu.dma_semaphore, #tpu.memory_space<semaphore_mem>>)
      } else {
      }
      %mul3A_168 = arith.constant 2 : i32
      %mul3A_169 = arith.muli %mul3A_168, %scan3A_153 : i32
      %add3A_170 = arith.constant 0 : i32
      %add3A_171 = arith.addi %mul3A_169, %add3A_170 : i32
      %dma_wait3A_172 = arith.constant 0 : i32
      %dma_wait3A_173 = arith.constant 0 : i32
      %dma_wait3A_174 = arith.constant 0 : i32
      %dma_wait3A_175 = arith.constant 0 : i32
      %dma_wait3A_176 = tpu.memref_slice %arg6[%rem3A_155, %dma_wait3A_173, %dma_wait3A_174, %dma_wait3A_175] : memref<3x2x128x64xf32, #tpu.memory_space<vmem>> -> memref<1x2x128x64xf32, #tpu.memory_space<vmem>>
      %dma_wait3A_177 = tpu.memref_squeeze %dma_wait3A_176 : memref<1x2x128x64xf32, #tpu.memory_space<vmem>> -> memref<2x128x64xf32, #tpu.memory_space<vmem>>
      %dma_wait3A_178 = arith.constant 0 : i32
      %dma_wait3A_179 = arith.constant 0 : i32
      %dma_wait3A_180 = tpu.memref_slice %dma_wait3A_177[%dma_wait3A_172, %dma_wait3A_178, %dma_wait3A_179] : memref<2x128x64xf32, #tpu.memory_space<vmem>> -> memref<1x128x64xf32, #tpu.memory_space<vmem>>
      %dma_wait3A_181 = tpu.memref_squeeze %dma_wait3A_180 : memref<1x128x64xf32, #tpu.memory_space<vmem>> -> memref<128x64xf32, #tpu.memory_space<vmem>>
      %dma_wait3A_182 = arith.constant 0 : i32
      %dma_wait3A_183 = tpu.memref_slice %arg5[%add3A_171, %dma_wait3A_182] : memref<200x128xi32, #tpu.memory_space<vmem>> -> memref<1x128xi32, #tpu.memory_space<vmem>>
      %dma_wait3A_184 = tpu.memref_squeeze %dma_wait3A_183 : memref<1x128xi32, #tpu.memory_space<vmem>> -> memref<128xi32, #tpu.memory_space<vmem>>
      %dma_wait3A_185 = arith.constant 0 : i32
      %dma_wait3A_186 = arith.constant 0 : i32
      %dma_wait3A_187 = tpu.memref_slice %arg3[%dma_wait3A_185, %dma_wait3A_186] : memref<100000x64xf32, #tpu.memory_space<hbm>> -> memref<100000x64xf32, #tpu.memory_space<hbm>>
      tpu.wait_indirect_dma semaphore(%arg7 : memref<!tpu.dma_semaphore, #tpu.memory_space<semaphore_mem>>) src(%dma_wait3A_187 : memref<100000x64xf32, #tpu.memory_space<hbm>>) dst(%dma_wait3A_181 : memref<128x64xf32, #tpu.memory_space<vmem>>)
      %mul3A_188 = arith.constant 2 : i32
      %mul3A_189 = arith.muli %mul3A_188, %scan3A_153 : i32
      %add3A_190 = arith.constant 1 : i32
      %add3A_191 = arith.addi %mul3A_189, %add3A_190 : i32
      %dma_wait3A_192 = arith.constant 1 : i32
      %dma_wait3A_193 = arith.constant 0 : i32
      %dma_wait3A_194 = arith.constant 0 : i32
      %dma_wait3A_195 = arith.constant 0 : i32
      %dma_wait3A_196 = tpu.memref_slice %arg6[%rem3A_155, %dma_wait3A_193, %dma_wait3A_194, %dma_wait3A_195] : memref<3x2x128x64xf32, #tpu.memory_space<vmem>> -> memref<1x2x128x64xf32, #tpu.memory_space<vmem>>
      %dma_wait3A_197 = tpu.memref_squeeze %dma_wait3A_196 : memref<1x2x128x64xf32, #tpu.memory_space<vmem>> -> memref<2x128x64xf32, #tpu.memory_space<vmem>>
      %dma_wait3A_198 = arith.constant 0 : i32
      %dma_wait3A_199 = arith.constant 0 : i32
      %dma_wait3A_200 = tpu.memref_slice %dma_wait3A_197[%dma_wait3A_192, %dma_wait3A_198, %dma_wait3A_199] : memref<2x128x64xf32, #tpu.memory_space<vmem>> -> memref<1x128x64xf32, #tpu.memory_space<vmem>>
      %dma_wait3A_201 = tpu.memref_squeeze %dma_wait3A_200 : memref<1x128x64xf32, #tpu.memory_space<vmem>> -> memref<128x64xf32, #tpu.memory_space<vmem>>
      %dma_wait3A_202 = arith.constant 0 : i32
      %dma_wait3A_203 = tpu.memref_slice %arg5[%add3A_191, %dma_wait3A_202] : memref<200x128xi32, #tpu.memory_space<vmem>> -> memref<1x128xi32, #tpu.memory_space<vmem>>
      %dma_wait3A_204 = tpu.memref_squeeze %dma_wait3A_203 : memref<1x128xi32, #tpu.memory_space<vmem>> -> memref<128xi32, #tpu.memory_space<vmem>>
      %dma_wait3A_205 = arith.constant 0 : i32
      %dma_wait3A_206 = arith.constant 0 : i32
      %dma_wait3A_207 = tpu.memref_slice %arg3[%dma_wait3A_205, %dma_wait3A_206] : memref<100000x64xf32, #tpu.memory_space<hbm>> -> memref<100000x64xf32, #tpu.memory_space<hbm>>
      tpu.wait_indirect_dma semaphore(%arg7 : memref<!tpu.dma_semaphore, #tpu.memory_space<semaphore_mem>>) src(%dma_wait3A_207 : memref<100000x64xf32, #tpu.memory_space<hbm>>) dst(%dma_wait3A_201 : memref<128x64xf32, #tpu.memory_space<vmem>>)
      %dma_start3A_208 = arith.constant 0 : i32
      %dma_start3A_209 = arith.constant 0 : i32
      %dma_start3A_210 = arith.constant 0 : i32
      %dma_start3A_211 = arith.constant 0 : i32
      %dma_start3A_212 = tpu.memref_slice %arg6[%rem3A_155, %dma_start3A_209, %dma_start3A_210, %dma_start3A_211] : memref<3x2x128x64xf32, #tpu.memory_space<vmem>> -> memref<1x2x128x64xf32, #tpu.memory_space<vmem>>
      %dma_start3A_213 = tpu.memref_squeeze %dma_start3A_212 : memref<1x2x128x64xf32, #tpu.memory_space<vmem>> -> memref<2x128x64xf32, #tpu.memory_space<vmem>>
      %dma_start3A_214 = arith.constant 0 : i32
      %dma_start3A_215 = arith.constant 0 : i32
      %dma_start3A_216 = tpu.memref_slice %dma_start3A_213[%dma_start3A_208, %dma_start3A_214, %dma_start3A_215] : memref<2x128x64xf32, #tpu.memory_space<vmem>> -> memref<1x128x64xf32, #tpu.memory_space<vmem>>
      %dma_start3A_217 = tpu.memref_squeeze %dma_start3A_216 : memref<1x128x64xf32, #tpu.memory_space<vmem>> -> memref<128x64xf32, #tpu.memory_space<vmem>>
      %dma_start3A_218 = arith.constant 0 : i32
      %dma_start3A_219 = tpu.memref_slice %arg4[%scan3A_153, %mul3A_2, %dma_start3A_218] : memref<100x4096x128xf32, #tpu.memory_space<hbm>> -> memref<1x128x64xf32, #tpu.memory_space<hbm>>
      %dma_start3A_220 = tpu.memref_squeeze %dma_start3A_219 : memref<1x128x64xf32, #tpu.memory_space<hbm>> -> memref<128x64xf32, #tpu.memory_space<hbm>>
      %dma_start3A_221 = arith.constant 0 : i32
      %dma_start3A_222 = tpu.memref_slice %arg4[%scan3A_153, %mul3A_2, %dma_start3A_221] : memref<100x4096x128xf32, #tpu.memory_space<hbm>> -> memref<1x128x64xf32, #tpu.memory_space<hbm>>
      %dma_start3A_223 = tpu.memref_squeeze %dma_start3A_222 : memref<1x128x64xf32, #tpu.memory_space<hbm>> -> memref<128x64xf32, #tpu.memory_space<hbm>>
      %dma_start3A_224 = arith.constant 0 : i32
      %dma_start3A_225 = arith.constant 0 : i32
      %dma_start3A_226 = arith.constant 0 : i32
      %dma_start3A_227 = tpu.memref_slice %arg6[%rem3A_155, %dma_start3A_224, %dma_start3A_225, %dma_start3A_226] : memref<3x2x128x64xf32, #tpu.memory_space<vmem>> -> memref<1x2x128x64xf32, #tpu.memory_space<vmem>>
      %dma_start3A_228 = tpu.memref_squeeze %dma_start3A_227 : memref<1x2x128x64xf32, #tpu.memory_space<vmem>> -> memref<2x128x64xf32, #tpu.memory_space<vmem>>
      %dma_start3A_229 = arith.constant 0 : i32
      %dma_start3A_230 = arith.constant 0 : i32
      %dma_start3A_231 = tpu.memref_slice %dma_start3A_228[%dma_start3A_208, %dma_start3A_229, %dma_start3A_230] : memref<2x128x64xf32, #tpu.memory_space<vmem>> -> memref<1x128x64xf32, #tpu.memory_space<vmem>>
      %dma_start3A_232 = tpu.memref_squeeze %dma_start3A_231 : memref<1x128x64xf32, #tpu.memory_space<vmem>> -> memref<128x64xf32, #tpu.memory_space<vmem>>
      tpu.enqueue_dma source(%dma_start3A_232 : memref<128x64xf32, #tpu.memory_space<vmem>>) target(%dma_start3A_223 : memref<128x64xf32, #tpu.memory_space<hbm>>) target_semaphore(%arg8 : memref<!tpu.dma_semaphore, #tpu.memory_space<semaphore_mem>>)
      %dma_start3A_233 = arith.constant 1 : i32
      %dma_start3A_234 = arith.constant 0 : i32
      %dma_start3A_235 = arith.constant 0 : i32
      %dma_start3A_236 = arith.constant 0 : i32
      %dma_start3A_237 = tpu.memref_slice %arg6[%rem3A_155, %dma_start3A_234, %dma_start3A_235, %dma_start3A_236] : memref<3x2x128x64xf32, #tpu.memory_space<vmem>> -> memref<1x2x128x64xf32, #tpu.memory_space<vmem>>
      %dma_start3A_238 = tpu.memref_squeeze %dma_start3A_237 : memref<1x2x128x64xf32, #tpu.memory_space<vmem>> -> memref<2x128x64xf32, #tpu.memory_space<vmem>>
      %dma_start3A_239 = arith.constant 0 : i32
      %dma_start3A_240 = arith.constant 0 : i32
      %dma_start3A_241 = tpu.memref_slice %dma_start3A_238[%dma_start3A_233, %dma_start3A_239, %dma_start3A_240] : memref<2x128x64xf32, #tpu.memory_space<vmem>> -> memref<1x128x64xf32, #tpu.memory_space<vmem>>
      %dma_start3A_242 = tpu.memref_squeeze %dma_start3A_241 : memref<1x128x64xf32, #tpu.memory_space<vmem>> -> memref<128x64xf32, #tpu.memory_space<vmem>>
      %dma_start3A_243 = arith.constant 64 : i32
      %dma_start3A_244 = tpu.memref_slice %arg4[%scan3A_153, %mul3A_2, %dma_start3A_243] : memref<100x4096x128xf32, #tpu.memory_space<hbm>> -> memref<1x128x64xf32, #tpu.memory_space<hbm>>
      %dma_start3A_245 = tpu.memref_squeeze %dma_start3A_244 : memref<1x128x64xf32, #tpu.memory_space<hbm>> -> memref<128x64xf32, #tpu.memory_space<hbm>>
      %dma_start3A_246 = arith.constant 64 : i32
      %dma_start3A_247 = tpu.memref_slice %arg4[%scan3A_153, %mul3A_2, %dma_start3A_246] : memref<100x4096x128xf32, #tpu.memory_space<hbm>> -> memref<1x128x64xf32, #tpu.memory_space<hbm>>
      %dma_start3A_248 = tpu.memref_squeeze %dma_start3A_247 : memref<1x128x64xf32, #tpu.memory_space<hbm>> -> memref<128x64xf32, #tpu.memory_space<hbm>>
      %dma_start3A_249 = arith.constant 0 : i32
      %dma_start3A_250 = arith.constant 0 : i32
      %dma_start3A_251 = arith.constant 0 : i32
      %dma_start3A_252 = tpu.memref_slice %arg6[%rem3A_155, %dma_start3A_249, %dma_start3A_250, %dma_start3A_251] : memref<3x2x128x64xf32, #tpu.memory_space<vmem>> -> memref<1x2x128x64xf32, #tpu.memory_space<vmem>>
      %dma_start3A_253 = tpu.memref_squeeze %dma_start3A_252 : memref<1x2x128x64xf32, #tpu.memory_space<vmem>> -> memref<2x128x64xf32, #tpu.memory_space<vmem>>
      %dma_start3A_254 = arith.constant 0 : i32
      %dma_start3A_255 = arith.constant 0 : i32
      %dma_start3A_256 = tpu.memref_slice %dma_start3A_253[%dma_start3A_233, %dma_start3A_254, %dma_start3A_255] : memref<2x128x64xf32, #tpu.memory_space<vmem>> -> memref<1x128x64xf32, #tpu.memory_space<vmem>>
      %dma_start3A_257 = tpu.memref_squeeze %dma_start3A_256 : memref<1x128x64xf32, #tpu.memory_space<vmem>> -> memref<128x64xf32, #tpu.memory_space<vmem>>
      tpu.enqueue_dma source(%dma_start3A_257 : memref<128x64xf32, #tpu.memory_space<vmem>>) target(%dma_start3A_248 : memref<128x64xf32, #tpu.memory_space<hbm>>) target_semaphore(%arg8 : memref<!tpu.dma_semaphore, #tpu.memory_space<semaphore_mem>>)
    }
    %scan3A_44 = arith.constant 100 : i32
    %rem3A = arith.constant 99 : i32
    %rem3A_45 = arith.constant 3 : i32
    %rem3A_46 = arith.remsi %rem3A, %rem3A_45 : i32
    %dma_wait3A = arith.constant 0 : i32
    %dma_wait3A_47 = arith.constant 99 : i32
    %dma_wait3A_48 = arith.constant 0 : i32
    %dma_wait3A_49 = arith.constant 0 : i32
    %dma_wait3A_50 = arith.constant 0 : i32
    %dma_wait3A_51 = tpu.memref_slice %arg6[%rem3A_46, %dma_wait3A_48, %dma_wait3A_49, %dma_wait3A_50] : memref<3x2x128x64xf32, #tpu.memory_space<vmem>> -> memref<1x2x128x64xf32, #tpu.memory_space<vmem>>
    %dma_wait3A_52 = tpu.memref_squeeze %dma_wait3A_51 : memref<1x2x128x64xf32, #tpu.memory_space<vmem>> -> memref<2x128x64xf32, #tpu.memory_space<vmem>>
    %dma_wait3A_53 = arith.constant 0 : i32
    %dma_wait3A_54 = arith.constant 0 : i32
    %dma_wait3A_55 = tpu.memref_slice %dma_wait3A_52[%dma_wait3A, %dma_wait3A_53, %dma_wait3A_54] : memref<2x128x64xf32, #tpu.memory_space<vmem>> -> memref<1x128x64xf32, #tpu.memory_space<vmem>>
    %dma_wait3A_56 = tpu.memref_squeeze %dma_wait3A_55 : memref<1x128x64xf32, #tpu.memory_space<vmem>> -> memref<128x64xf32, #tpu.memory_space<vmem>>
    %dma_wait3A_57 = arith.constant 0 : i32
    %dma_wait3A_58 = tpu.memref_slice %arg4[%dma_wait3A_47, %mul3A_2, %dma_wait3A_57] : memref<100x4096x128xf32, #tpu.memory_space<hbm>> -> memref<1x128x64xf32, #tpu.memory_space<hbm>>
    %dma_wait3A_59 = tpu.memref_squeeze %dma_wait3A_58 : memref<1x128x64xf32, #tpu.memory_space<hbm>> -> memref<128x64xf32, #tpu.memory_space<hbm>>
    %dma_wait3A_60 = arith.constant 0 : i32
    %dma_wait3A_61 = tpu.memref_slice %arg4[%dma_wait3A_47, %mul3A_2, %dma_wait3A_60] : memref<100x4096x128xf32, #tpu.memory_space<hbm>> -> memref<1x128x64xf32, #tpu.memory_space<hbm>>
    %dma_wait3A_62 = tpu.memref_squeeze %dma_wait3A_61 : memref<1x128x64xf32, #tpu.memory_space<hbm>> -> memref<128x64xf32, #tpu.memory_space<hbm>>
    %dma_wait3A_63 = arith.constant 0 : i32
    %dma_wait3A_64 = arith.constant 0 : i32
    %dma_wait3A_65 = arith.constant 0 : i32
    %dma_wait3A_66 = tpu.memref_slice %arg6[%rem3A_46, %dma_wait3A_63, %dma_wait3A_64, %dma_wait3A_65] : memref<3x2x128x64xf32, #tpu.memory_space<vmem>> -> memref<1x2x128x64xf32, #tpu.memory_space<vmem>>
    %dma_wait3A_67 = tpu.memref_squeeze %dma_wait3A_66 : memref<1x2x128x64xf32, #tpu.memory_space<vmem>> -> memref<2x128x64xf32, #tpu.memory_space<vmem>>
    %dma_wait3A_68 = arith.constant 0 : i32
    %dma_wait3A_69 = arith.constant 0 : i32
    %dma_wait3A_70 = tpu.memref_slice %dma_wait3A_67[%dma_wait3A, %dma_wait3A_68, %dma_wait3A_69] : memref<2x128x64xf32, #tpu.memory_space<vmem>> -> memref<1x128x64xf32, #tpu.memory_space<vmem>>
    %dma_wait3A_71 = tpu.memref_squeeze %dma_wait3A_70 : memref<1x128x64xf32, #tpu.memory_space<vmem>> -> memref<128x64xf32, #tpu.memory_space<vmem>>
    tpu.wait_dma2 semaphore(%arg8 : memref<!tpu.dma_semaphore, #tpu.memory_space<semaphore_mem>>) src(%dma_wait3A_71 : memref<128x64xf32, #tpu.memory_space<vmem>>) dst(%dma_wait3A_62 : memref<128x64xf32, #tpu.memory_space<hbm>>)
    %dma_wait3A_72 = arith.constant 1 : i32
    %dma_wait3A_73 = arith.constant 99 : i32
    %dma_wait3A_74 = arith.constant 0 : i32
    %dma_wait3A_75 = arith.constant 0 : i32
    %dma_wait3A_76 = arith.constant 0 : i32
    %dma_wait3A_77 = tpu.memref_slice %arg6[%rem3A_46, %dma_wait3A_74, %dma_wait3A_75, %dma_wait3A_76] : memref<3x2x128x64xf32, #tpu.memory_space<vmem>> -> memref<1x2x128x64xf32, #tpu.memory_space<vmem>>
    %dma_wait3A_78 = tpu.memref_squeeze %dma_wait3A_77 : memref<1x2x128x64xf32, #tpu.memory_space<vmem>> -> memref<2x128x64xf32, #tpu.memory_space<vmem>>
    %dma_wait3A_79 = arith.constant 0 : i32
    %dma_wait3A_80 = arith.constant 0 : i32
    %dma_wait3A_81 = tpu.memref_slice %dma_wait3A_78[%dma_wait3A_72, %dma_wait3A_79, %dma_wait3A_80] : memref<2x128x64xf32, #tpu.memory_space<vmem>> -> memref<1x128x64xf32, #tpu.memory_space<vmem>>
    %dma_wait3A_82 = tpu.memref_squeeze %dma_wait3A_81 : memref<1x128x64xf32, #tpu.memory_space<vmem>> -> memref<128x64xf32, #tpu.memory_space<vmem>>
    %dma_wait3A_83 = arith.constant 64 : i32
    %dma_wait3A_84 = tpu.memref_slice %arg4[%dma_wait3A_73, %mul3A_2, %dma_wait3A_83] : memref<100x4096x128xf32, #tpu.memory_space<hbm>> -> memref<1x128x64xf32, #tpu.memory_space<hbm>>
    %dma_wait3A_85 = tpu.memref_squeeze %dma_wait3A_84 : memref<1x128x64xf32, #tpu.memory_space<hbm>> -> memref<128x64xf32, #tpu.memory_space<hbm>>
    %dma_wait3A_86 = arith.constant 64 : i32
    %dma_wait3A_87 = tpu.memref_slice %arg4[%dma_wait3A_73, %mul3A_2, %dma_wait3A_86] : memref<100x4096x128xf32, #tpu.memory_space<hbm>> -> memref<1x128x64xf32, #tpu.memory_space<hbm>>
    %dma_wait3A_88 = tpu.memref_squeeze %dma_wait3A_87 : memref<1x128x64xf32, #tpu.memory_space<hbm>> -> memref<128x64xf32, #tpu.memory_space<hbm>>
    %dma_wait3A_89 = arith.constant 0 : i32
    %dma_wait3A_90 = arith.constant 0 : i32
    %dma_wait3A_91 = arith.constant 0 : i32
    %dma_wait3A_92 = tpu.memref_slice %arg6[%rem3A_46, %dma_wait3A_89, %dma_wait3A_90, %dma_wait3A_91] : memref<3x2x128x64xf32, #tpu.memory_space<vmem>> -> memref<1x2x128x64xf32, #tpu.memory_space<vmem>>
    %dma_wait3A_93 = tpu.memref_squeeze %dma_wait3A_92 : memref<1x2x128x64xf32, #tpu.memory_space<vmem>> -> memref<2x128x64xf32, #tpu.memory_space<vmem>>
    %dma_wait3A_94 = arith.constant 0 : i32
    %dma_wait3A_95 = arith.constant 0 : i32
    %dma_wait3A_96 = tpu.memref_slice %dma_wait3A_93[%dma_wait3A_72, %dma_wait3A_94, %dma_wait3A_95] : memref<2x128x64xf32, #tpu.memory_space<vmem>> -> memref<1x128x64xf32, #tpu.memory_space<vmem>>
    %dma_wait3A_97 = tpu.memref_squeeze %dma_wait3A_96 : memref<1x128x64xf32, #tpu.memory_space<vmem>> -> memref<128x64xf32, #tpu.memory_space<vmem>>
    tpu.wait_dma2 semaphore(%arg8 : memref<!tpu.dma_semaphore, #tpu.memory_space<semaphore_mem>>) src(%dma_wait3A_97 : memref<128x64xf32, #tpu.memory_space<vmem>>) dst(%dma_wait3A_88 : memref<128x64xf32, #tpu.memory_space<hbm>>)
    %rem3A_98 = arith.constant 98 : i32
    %rem3A_99 = arith.constant 3 : i32
    %rem3A_100 = arith.remsi %rem3A_98, %rem3A_99 : i32
    %dma_wait3A_101 = arith.constant 0 : i32
    %dma_wait3A_102 = arith.constant 98 : i32
    %dma_wait3A_103 = arith.constant 0 : i32
    %dma_wait3A_104 = arith.constant 0 : i32
    %dma_wait3A_105 = arith.constant 0 : i32
    %dma_wait3A_106 = tpu.memref_slice %arg6[%rem3A_100, %dma_wait3A_103, %dma_wait3A_104, %dma_wait3A_105] : memref<3x2x128x64xf32, #tpu.memory_space<vmem>> -> memref<1x2x128x64xf32, #tpu.memory_space<vmem>>
    %dma_wait3A_107 = tpu.memref_squeeze %dma_wait3A_106 : memref<1x2x128x64xf32, #tpu.memory_space<vmem>> -> memref<2x128x64xf32, #tpu.memory_space<vmem>>
    %dma_wait3A_108 = arith.constant 0 : i32
    %dma_wait3A_109 = arith.constant 0 : i32
    %dma_wait3A_110 = tpu.memref_slice %dma_wait3A_107[%dma_wait3A_101, %dma_wait3A_108, %dma_wait3A_109] : memref<2x128x64xf32, #tpu.memory_space<vmem>> -> memref<1x128x64xf32, #tpu.memory_space<vmem>>
    %dma_wait3A_111 = tpu.memref_squeeze %dma_wait3A_110 : memref<1x128x64xf32, #tpu.memory_space<vmem>> -> memref<128x64xf32, #tpu.memory_space<vmem>>
    %dma_wait3A_112 = arith.constant 0 : i32
    %dma_wait3A_113 = tpu.memref_slice %arg4[%dma_wait3A_102, %mul3A_2, %dma_wait3A_112] : memref<100x4096x128xf32, #tpu.memory_space<hbm>> -> memref<1x128x64xf32, #tpu.memory_space<hbm>>
    %dma_wait3A_114 = tpu.memref_squeeze %dma_wait3A_113 : memref<1x128x64xf32, #tpu.memory_space<hbm>> -> memref<128x64xf32, #tpu.memory_space<hbm>>
    %dma_wait3A_115 = arith.constant 0 : i32
    %dma_wait3A_116 = tpu.memref_slice %arg4[%dma_wait3A_102, %mul3A_2, %dma_wait3A_115] : memref<100x4096x128xf32, #tpu.memory_space<hbm>> -> memref<1x128x64xf32, #tpu.memory_space<hbm>>
    %dma_wait3A_117 = tpu.memref_squeeze %dma_wait3A_116 : memref<1x128x64xf32, #tpu.memory_space<hbm>> -> memref<128x64xf32, #tpu.memory_space<hbm>>
    %dma_wait3A_118 = arith.constant 0 : i32
    %dma_wait3A_119 = arith.constant 0 : i32
    %dma_wait3A_120 = arith.constant 0 : i32
    %dma_wait3A_121 = tpu.memref_slice %arg6[%rem3A_100, %dma_wait3A_118, %dma_wait3A_119, %dma_wait3A_120] : memref<3x2x128x64xf32, #tpu.memory_space<vmem>> -> memref<1x2x128x64xf32, #tpu.memory_space<vmem>>
    %dma_wait3A_122 = tpu.memref_squeeze %dma_wait3A_121 : memref<1x2x128x64xf32, #tpu.memory_space<vmem>> -> memref<2x128x64xf32, #tpu.memory_space<vmem>>
    %dma_wait3A_123 = arith.constant 0 : i32
    %dma_wait3A_124 = arith.constant 0 : i32
    %dma_wait3A_125 = tpu.memref_slice %dma_wait3A_122[%dma_wait3A_101, %dma_wait3A_123, %dma_wait3A_124] : memref<2x128x64xf32, #tpu.memory_space<vmem>> -> memref<1x128x64xf32, #tpu.memory_space<vmem>>
    %dma_wait3A_126 = tpu.memref_squeeze %dma_wait3A_125 : memref<1x128x64xf32, #tpu.memory_space<vmem>> -> memref<128x64xf32, #tpu.memory_space<vmem>>
    tpu.wait_dma2 semaphore(%arg8 : memref<!tpu.dma_semaphore, #tpu.memory_space<semaphore_mem>>) src(%dma_wait3A_126 : memref<128x64xf32, #tpu.memory_space<vmem>>) dst(%dma_wait3A_117 : memref<128x64xf32, #tpu.memory_space<hbm>>)
    %dma_wait3A_127 = arith.constant 1 : i32
    %dma_wait3A_128 = arith.constant 98 : i32
    %dma_wait3A_129 = arith.constant 0 : i32
    %dma_wait3A_130 = arith.constant 0 : i32
    %dma_wait3A_131 = arith.constant 0 : i32
    %dma_wait3A_132 = tpu.memref_slice %arg6[%rem3A_100, %dma_wait3A_129, %dma_wait3A_130, %dma_wait3A_131] : memref<3x2x128x64xf32, #tpu.memory_space<vmem>> -> memref<1x2x128x64xf32, #tpu.memory_space<vmem>>
    %dma_wait3A_133 = tpu.memref_squeeze %dma_wait3A_132 : memref<1x2x128x64xf32, #tpu.memory_space<vmem>> -> memref<2x128x64xf32, #tpu.memory_space<vmem>>
    %dma_wait3A_134 = arith.constant 0 : i32
    %dma_wait3A_135 = arith.constant 0 : i32
    %dma_wait3A_136 = tpu.memref_slice %dma_wait3A_133[%dma_wait3A_127, %dma_wait3A_134, %dma_wait3A_135] : memref<2x128x64xf32, #tpu.memory_space<vmem>> -> memref<1x128x64xf32, #tpu.memory_space<vmem>>
    %dma_wait3A_137 = tpu.memref_squeeze %dma_wait3A_136 : memref<1x128x64xf32, #tpu.memory_space<vmem>> -> memref<128x64xf32, #tpu.memory_space<vmem>>
    %dma_wait3A_138 = arith.constant 64 : i32
    %dma_wait3A_139 = tpu.memref_slice %arg4[%dma_wait3A_128, %mul3A_2, %dma_wait3A_138] : memref<100x4096x128xf32, #tpu.memory_space<hbm>> -> memref<1x128x64xf32, #tpu.memory_space<hbm>>
    %dma_wait3A_140 = tpu.memref_squeeze %dma_wait3A_139 : memref<1x128x64xf32, #tpu.memory_space<hbm>> -> memref<128x64xf32, #tpu.memory_space<hbm>>
    %dma_wait3A_141 = arith.constant 64 : i32
    %dma_wait3A_142 = tpu.memref_slice %arg4[%dma_wait3A_128, %mul3A_2, %dma_wait3A_141] : memref<100x4096x128xf32, #tpu.memory_space<hbm>> -> memref<1x128x64xf32, #tpu.memory_space<hbm>>
    %dma_wait3A_143 = tpu.memref_squeeze %dma_wait3A_142 : memref<1x128x64xf32, #tpu.memory_space<hbm>> -> memref<128x64xf32, #tpu.memory_space<hbm>>
    %dma_wait3A_144 = arith.constant 0 : i32
    %dma_wait3A_145 = arith.constant 0 : i32
    %dma_wait3A_146 = arith.constant 0 : i32
    %dma_wait3A_147 = tpu.memref_slice %arg6[%rem3A_100, %dma_wait3A_144, %dma_wait3A_145, %dma_wait3A_146] : memref<3x2x128x64xf32, #tpu.memory_space<vmem>> -> memref<1x2x128x64xf32, #tpu.memory_space<vmem>>
    %dma_wait3A_148 = tpu.memref_squeeze %dma_wait3A_147 : memref<1x2x128x64xf32, #tpu.memory_space<vmem>> -> memref<2x128x64xf32, #tpu.memory_space<vmem>>
    %dma_wait3A_149 = arith.constant 0 : i32
    %dma_wait3A_150 = arith.constant 0 : i32
    %dma_wait3A_151 = tpu.memref_slice %dma_wait3A_148[%dma_wait3A_127, %dma_wait3A_149, %dma_wait3A_150] : memref<2x128x64xf32, #tpu.memory_space<vmem>> -> memref<1x128x64xf32, #tpu.memory_space<vmem>>
    %dma_wait3A_152 = tpu.memref_squeeze %dma_wait3A_151 : memref<1x128x64xf32, #tpu.memory_space<vmem>> -> memref<128x64xf32, #tpu.memory_space<vmem>>
    tpu.wait_dma2 semaphore(%arg8 : memref<!tpu.dma_semaphore, #tpu.memory_space<semaphore_mem>>) src(%dma_wait3A_152 : memref<128x64xf32, #tpu.memory_space<vmem>>) dst(%dma_wait3A_143 : memref<128x64xf32, #tpu.memory_space<hbm>>)
    return
  }
}

module attributes {stable_mosaic.version = 14 : i64} {
  func.func @body(%arg0: i32, %arg1: memref<100x128x128xf32, #tpu.memory_space<vmem>>, %arg2: memref<200x64x128xf32, #tpu.memory_space<vmem>>) attributes {dimension_semantics = [#tpu.dimension_semantics<arbitrary>], iteration_bounds = array<i64: 32>, scalar_prefetch = 0 : i64, scratch_operands = 0 : i64, tpu.core_type = #tpu.core_type<tc>, window_params = [{transform_indices = @transform_0, window_bounds = array<i64: 100, 128, 128>}, {transform_indices = @transform_1, window_bounds = array<i64: 200, 64, 128>}]} {
    %get3A = arith.constant 0 : index
    %get3A_0 = arith.constant 0 : index
    %get3A_1 = arith.constant 0 : index
    %get3A_2 = vector.load %arg1[%get3A, %get3A_0, %get3A_1] : memref<100x128x128xf32, #tpu.memory_space<vmem>>, vector<100x128x128xf32>
    %transpose3A = tpu.transpose %get3A_2, [0, 2, 1] : vector<100x128x128xf32> -> vector<100x128x128xf32>
    %reshape3A = vector.shape_cast %transpose3A : vector<100x128x128xf32> to vector<200x64x128xf32>
    %swap3A = arith.constant 0 : index
    %swap3A_3 = arith.constant 0 : index
    %swap3A_4 = arith.constant 0 : index
    %swap3A_5 = vector.load %arg2[%swap3A, %swap3A_3, %swap3A_4] : memref<200x64x128xf32, #tpu.memory_space<vmem>>, vector<200x64x128xf32>
    tpu.vector_store %arg2[%swap3A, %swap3A_3, %swap3A_4], %reshape3A {strides = array<i32>} : memref<200x64x128xf32, #tpu.memory_space<vmem>>, vector<200x64x128xf32>,
    return
  }
  func.func @transform_0(%arg0: i32) -> (i32, i32, i32) {
    %c0_i32 = arith.constant 0 : i32
    %c0_i32_0 = arith.constant 0 : i32
    %c0_i32_1 = arith.constant 0 : i32
    return %c0_i32, %arg0, %c0_i32_0 : i32, i32, i32
  }
  func.func @transform_1(%arg0: i32) -> (i32, i32, i32) {
    %add3A = arith.constant 0 : i32
    %add3A_0 = arith.addi %add3A, %arg0 : i32
    %c0_i32 = arith.constant 0 : i32
    %c0_i32_1 = arith.constant 0 : i32
    %c0_i32_2 = arith.constant 0 : i32
    return %c0_i32, %c0_i32_1, %add3A_0 : i32, i32, i32
  }
}

module attributes {stable_mosaic.version = 14 : i64} {
  func.func @body(%arg0: i32, %arg1: memref<200x64x16384xf32, #tpu.memory_space<any>>, %arg2: memref<100x128x128xf32, #tpu.memory_space<vmem>>, %arg3: memref<200x64x128xf32, #tpu.memory_space<vmem>>) attributes {dimension_semantics = [#tpu.dimension_semantics<arbitrary>], iteration_bounds = array<i64: 32>, scalar_prefetch = 0 : i64, scratch_operands = 0 : i64, tpu.core_type = #tpu.core_type<tc>, window_params = [{}, {transform_indices = @transform_1, window_bounds = array<i64: 100, 128, 128>}, {transform_indices = @transform_2, window_bounds = array<i64: 200, 64, 128>}]} {
    %get3A = arith.constant 0 : index
    %get3A_0 = arith.constant 0 : index
    %get3A_1 = arith.constant 0 : index
    %get3A_2 = vector.load %arg2[%get3A, %get3A_0, %get3A_1] : memref<100x128x128xf32, #tpu.memory_space<vmem>>, vector<100x128x128xf32>
    %transpose3A = tpu.transpose %get3A_2, [0, 2, 1] : vector<100x128x128xf32> -> vector<100x128x128xf32>
    %reshape3A = vector.shape_cast %transpose3A : vector<100x128x128xf32> to vector<200x64x128xf32>
    %swap3A = arith.constant 0 : index
    %swap3A_3 = arith.constant 0 : index
    %swap3A_4 = arith.constant 0 : index
    %swap3A_5 = vector.load %arg3[%swap3A, %swap3A_3, %swap3A_4] : memref<200x64x128xf32, #tpu.memory_space<vmem>>, vector<200x64x128xf32>
    tpu.vector_store %arg3[%swap3A, %swap3A_3, %swap3A_4], %reshape3A {strides = array<i32>} : memref<200x64x128xf32, #tpu.memory_space<vmem>>, vector<200x64x128xf32>,
    return
  }
  func.func @transform_1(%arg0: i32) -> (i32, i32, i32) {
    %c0_i32 = arith.constant 0 : i32
    %c0_i32_0 = arith.constant 0 : i32
    %c0_i32_1 = arith.constant 0 : i32
    return %c0_i32, %arg0, %c0_i32_0 : i32, i32, i32
  }
  func.func @transform_2(%arg0: i32) -> (i32, i32, i32) {
    %add3A = arith.constant 32 : i32
    %add3A_0 = arith.addi %add3A, %arg0 : i32
    %c0_i32 = arith.constant 0 : i32
    %c0_i32_1 = arith.constant 0 : i32
    %c0_i32_2 = arith.constant 0 : i32
    return %c0_i32, %c0_i32_1, %add3A_0 : i32, i32, i32
  }
}

module attributes {stable_mosaic.version = 14 : i64} {
  func.func @body(%arg0: i32, %arg1: memref<200x64x16384xf32, #tpu.memory_space<any>>, %arg2: memref<100x128x128xf32, #tpu.memory_space<vmem>>, %arg3: memref<200x64x128xf32, #tpu.memory_space<vmem>>) attributes {dimension_semantics = [#tpu.dimension_semantics<arbitrary>], iteration_bounds = array<i64: 32>, scalar_prefetch = 0 : i64, scratch_operands = 0 : i64, tpu.core_type = #tpu.core_type<tc>, window_params = [{}, {transform_indices = @transform_1, window_bounds = array<i64: 100, 128, 128>}, {transform_indices = @transform_2, window_bounds = array<i64: 200, 64, 128>}]} {
    %get3A = arith.constant 0 : index
    %get3A_0 = arith.constant 0 : index
    %get3A_1 = arith.constant 0 : index
    %get3A_2 = vector.load %arg2[%get3A, %get3A_0, %get3A_1] : memref<100x128x128xf32, #tpu.memory_space<vmem>>, vector<100x128x128xf32>
    %transpose3A = tpu.transpose %get3A_2, [0, 2, 1] : vector<100x128x128xf32> -> vector<100x128x128xf32>
    %reshape3A = vector.shape_cast %transpose3A : vector<100x128x128xf32> to vector<200x64x128xf32>
    %swap3A = arith.constant 0 : index
    %swap3A_3 = arith.constant 0 : index
    %swap3A_4 = arith.constant 0 : index
    %swap3A_5 = vector.load %arg3[%swap3A, %swap3A_3, %swap3A_4] : memref<200x64x128xf32, #tpu.memory_space<vmem>>, vector<200x64x128xf32>
    tpu.vector_store %arg3[%swap3A, %swap3A_3, %swap3A_4], %reshape3A {strides = array<i32>} : memref<200x64x128xf32, #tpu.memory_space<vmem>>, vector<200x64x128xf32>,
    return
  }
  func.func @transform_1(%arg0: i32) -> (i32, i32, i32) {
    %c0_i32 = arith.constant 0 : i32
    %c0_i32_0 = arith.constant 0 : i32
    %c0_i32_1 = arith.constant 0 : i32
    return %c0_i32, %arg0, %c0_i32_0 : i32, i32, i32
  }
  func.func @transform_2(%arg0: i32) -> (i32, i32, i32) {
    %add3A = arith.constant 64 : i32
    %add3A_0 = arith.addi %add3A, %arg0 : i32
    %c0_i32 = arith.constant 0 : i32
    %c0_i32_1 = arith.constant 0 : i32
    %c0_i32_2 = arith.constant 0 : i32
    return %c0_i32, %c0_i32_1, %add3A_0 : i32, i32, i32
  }
}

module attributes {stable_mosaic.version = 14 : i64} {
  func.func @body(%arg0: i32, %arg1: memref<200x64x16384xf32, #tpu.memory_space<any>>, %arg2: memref<100x128x128xf32, #tpu.memory_space<vmem>>, %arg3: memref<200x64x128xf32, #tpu.memory_space<vmem>>) attributes {dimension_semantics = [#tpu.dimension_semantics<arbitrary>], iteration_bounds = array<i64: 32>, scalar_prefetch = 0 : i64, scratch_operands = 0 : i64, tpu.core_type = #tpu.core_type<tc>, window_params = [{}, {transform_indices = @transform_1, window_bounds = array<i64: 100, 128, 128>}, {transform_indices = @transform_2, window_bounds = array<i64: 200, 64, 128>}]} {
    %get3A = arith.constant 0 : index
    %get3A_0 = arith.constant 0 : index
    %get3A_1 = arith.constant 0 : index
    %get3A_2 = vector.load %arg2[%get3A, %get3A_0, %get3A_1] : memref<100x128x128xf32, #tpu.memory_space<vmem>>, vector<100x128x128xf32>
    %transpose3A = tpu.transpose %get3A_2, [0, 2, 1] : vector<100x128x128xf32> -> vector<100x128x128xf32>
    %reshape3A = vector.shape_cast %transpose3A : vector<100x128x128xf32> to vector<200x64x128xf32>
    %swap3A = arith.constant 0 : index
    %swap3A_3 = arith.constant 0 : index
    %swap3A_4 = arith.constant 0 : index
    %swap3A_5 = vector.load %arg3[%swap3A, %swap3A_3, %swap3A_4] : memref<200x64x128xf32, #tpu.memory_space<vmem>>, vector<200x64x128xf32>
    tpu.vector_store %arg3[%swap3A, %swap3A_3, %swap3A_4], %reshape3A {strides = array<i32>} : memref<200x64x128xf32, #tpu.memory_space<vmem>>, vector<200x64x128xf32>,
    return
  }
  func.func @transform_1(%arg0: i32) -> (i32, i32, i32) {
    %c0_i32 = arith.constant 0 : i32
    %c0_i32_0 = arith.constant 0 : i32
    %c0_i32_1 = arith.constant 0 : i32
    return %c0_i32, %arg0, %c0_i32_0 : i32, i32, i32
  }
  func.func @transform_2(%arg0: i32) -> (i32, i32, i32) {
    %add3A = arith.constant 96 : i32
    %add3A_0 = arith.addi %add3A, %arg0 : i32
    %c0_i32 = arith.constant 0 : i32
    %c0_i32_1 = arith.constant 0 : i32
    %c0_i32_2 = arith.constant 0 : i32
    return %c0_i32, %c0_i32_1, %add3A_0 : i32, i32, i32
  }
}

</mosaic_0001>

<sc_bundles>
// kernel: kernel.10.cloned.1.call-start
scs
__scs_entry_jumppad:
0x0: {  	(pc) =	sbr.rel $0x88, $3  }
0x1: {  	(tag) =	ssettag $0x0;
	lr =	simm.s32 $0x1  }
0x2: {  	[smem:$0x3F9F] =	sst lr;
	_ =	strace $0xD0000000  }
0x3: {  	_ = 	snop  }
0x4: {  	_ = 	snop  }
0x5: {  	_ = 	snop  }
0x6: {  	_ = 	snop  }
0x7: {  	_ = 	snop  }
__scs_overlays_trampoline_lowered:
0x8: {  	[smem:$0x3FAE] =	sst s0  }
0x9: {  	[smem:$0x3FAF] =	sst s1  }
0xa: {  	[smem:$0x3FB0] =	sst s2  }
0xb: {  	[smem:$0x3FB1] =	sst s3  }
0xc: {  	[smem:$0x3FB2] =	sst s4  }
0xd: {  	[smem:$0x3FB3] =	sst s5  }
0xe: {  	[smem:$0x3FB4] =	sst s6  }
0xf: {  	[smem:$0x3FB5] =	sst s7  }
0x10: {  	[smem:$0x3FB6] =	sst s8  }
0x11: {  	[smem:$0x3FB7] =	sst s9;
	s0 =	simm.s32 @!p0 $0x0  }
0x12: {  	s1 =	sld [smem:$0x3F9D];
	s0 =	simm.s32 @p0 $0x1  }
0x13: {  	[smem:$0x3FB8] =	sst s0;
	s0 =	simm.s32 @!p1 $0x0  }
0x14: {  	s2 =	sld [smem:$0x3F9C];
	s0 =	simm.s32 @p1 $0x1  }
0x15: {  	[smem:$0x3FB9] =	sst s0;
	s0 =	simm.s32 @!p2 $0x0  }
0x16: {  	s3 =	sld [smem:$0x3FDB];
	s0 =	simm.s32 @p2 $0x1  }
0x17: {  	s4 =	simm.s32 $0x1BF5;
	[smem:$0x3FBB] =	sst s0  }
0x18: {  	s0 =	sld [smem:$0x3F9E];
	_ =	swait.ge [sflag:s4], $0x0  }
0x19: {  	s7 =	sld [smem:$0x3F9F]  }
0x1a: {  	s8 =	sadd.s32 $0xFFFFE003, lr  }
0x1b: {  	s9 =	sadd.s32 $0xFFFFFEF7, lr;
	s5 =	simm.s32 $0xFFFFFFFF;
	p2 =	slt.u32 s8, $0xFFFFF086  }
0x1c: {  	p1 =	slt.u32 s9, $0xF7A;
	s5 =	simm.s32 @!p2 $0x0  }
0x1d: {  	s5 =	simm.s32 @p1 $0x1;
	p0 =	seq.s32 s7, s2  }
0x1e: {  	s7 =	smul.u32 @!p0 $0xF7A, s2;
	p2 =	seq.s32 @!p0 s5, $0x0  }
0x1f: {  	s9 =	smul.u32 $0xF7A, s1;
	s8 =	simm.s32 @!p0 $0x1BF5;
	p2 =	por !p2, p0  }
0x20: {  	[sflag:s8] =	ssyncset.s32 @!p0 $0xFFFFF086;
	s6 =	sadd.s32 @!p0 s3, s7;
	s7 =	simm.s32 @!p0 $0x108  }
0x21: {  	s3 =	sadd.s32 s3, s9;
	s6 =	sadd.s32 @!p0 $0x88, s6;
	s7 =	simm.s32 @p2 $0x1082  }
0x22: {  	[simem:s7], [sflag:s8] =	dma.local @!p0 [hbm:s6], $0xF7A  }
0x23: {  	s9 =	sor.u32 $0xD0000000, s2;
	s6 =	simm.s32 $0x108;
	_ =	swait.ge @!p0 [sflag:s8], $0x0  }
0x24: {  	s3 =	sadd.s32 $0x88, s3;
	s6 =	simm.s32 @!p1 $0x1082;
	[sflag:s4] =	ssyncset.s32 $0xFFFFF086  }
0x25: {  	[simem:s6], [sflag:s4] =	dma.local [hbm:s3], $0xF7A  }
0x26: {  	[smem:$0x3F9F] =	sst s1;
	(tag) =	ssettag s2;
	_ =	strace s9  }
0x27: {  	s1 =	sld [smem:$0x3FAF]  }
0x28: {  	s2 =	sld [smem:$0x3FB0]  }
0x29: {  	s4 =	sld [smem:$0x3FB2]  }
0x2a: {  	p0 =	seq.s32 s5, $0x0;
	s5 =	sld [smem:$0x3FB3]  }
0x2b: {  	s6 =	sld [smem:$0x3FB4]  }
0x2c: {  	s7 =	sld [smem:$0x3FB5]  }
0x2d: {  	s3 =	simm.s32 $0x108;
	s8 =	sld [smem:$0x3FB6]  }
0x2e: {  	s3 =	simm.s32 @!p0 $0x1082;
	s9 =	sld [smem:$0x3FB7]  }
0x2f: {  	lr =	sadd.s32 s0, s3;
	s0 =	sld [smem:$0x3FAE]  }
0x30: {  	s3 =	sld [smem:$0x3FB1]  }
0x31: {  	[smem:$0x3FBA] =	sst s10  }
0x32: {  	s10 =	sld [smem:$0x3FB8];
	_ =	sdelay $0x3  }
0x33: {  	p0 =	seq.s32 s10, $0x1;
	s10 =	sld [smem:$0x3FBA];
	_ =	sdelay $0x3  }
0x34: {  	[smem:$0x3FBA] =	sst s10  }
0x35: {  	s10 =	sld [smem:$0x3FB9];
	_ =	sdelay $0x3  }
0x36: {  	p1 =	seq.s32 s10, $0x1;
	s10 =	sld [smem:$0x3FBA];
	_ =	sdelay $0x3  }
0x37: {  	[smem:$0x3FBA] =	sst s10  }
0x38: {  	s10 =	sld [smem:$0x3FBB]  }
0x39: {  	_ = 	snop;
	(pc) =	sbr.ind lr, $3  }
0x3a: {  	_ = 	snop  }
0x3b: {  	_ = 	snop  }
0x3c: {  	p2 =	seq.s32 s10, $0x1;
	s10 =	sld [smem:$0x3FBA]  }
0x3d: {  	_ =	shalt  }
0x3e: {  	_ =	shalt  }
0x3f: {  	_ =	shalt  }
0x40: {  	_ =	shalt  }
0x41: {  	_ =	shalt  }
0x42: {  	_ =	shalt  }
0x43: {  	_ =	shalt  }
0x44: {  	_ =	shalt  }
0x45: {  	_ =	shalt  }
0x46: {  	_ =	shalt  }
0x47: {  	_ =	shalt  }
0x48: {  	_ =	shalt  }
0x49: {  	_ =	shalt  }
0x4a: {  	_ =	shalt  }
0x4b: {  	_ =	shalt  }
0x4c: {  	_ =	shalt  }
0x4d: {  	_ =	shalt  }
0x4e: {  	_ =	shalt  }
0x4f: {  	_ =	shalt  }
0x50: {  	_ =	shalt  }
0x51: {  	_ =	shalt  }
0x52: {  	_ =	shalt  }
0x53: {  	_ =	shalt  }
0x54: {  	_ =	shalt  }
0x55: {  	_ =	shalt  }
0x56: {  	_ =	shalt  }
0x57: {  	_ =	shalt  }
0x58: {  	_ =	shalt  }
0x59: {  	_ =	shalt  }
0x5a: {  	_ =	shalt  }
0x5b: {  	_ =	shalt  }
0x5c: {  	_ =	shalt  }
0x5d: {  	_ =	shalt  }
0x5e: {  	_ =	shalt  }
0x5f: {  	_ =	shalt  }
0x60: {  	_ =	shalt  }
0x61: {  	_ =	shalt  }
0x62: {  	_ =	shalt  }
0x63: {  	_ =	shalt  }
0x64: {  	_ =	shalt  }
0x65: {  	_ =	shalt  }
0x66: {  	_ =	shalt  }
0x67: {  	_ =	shalt  }
0x68: {  	_ =	shalt  }
0x69: {  	_ =	shalt  }
0x6a: {  	_ =	shalt  }
0x6b: {  	_ =	shalt  }
0x6c: {  	_ =	shalt  }
0x6d: {  	_ =	shalt  }
0x6e: {  	_ =	shalt  }
0x6f: {  	_ =	shalt  }
0x70: {  	_ =	shalt  }
0x71: {  	_ =	shalt  }
0x72: {  	_ =	shalt  }
0x73: {  	_ =	shalt  }
0x74: {  	_ =	shalt  }
0x75: {  	_ =	shalt  }
0x76: {  	_ =	shalt  }
0x77: {  	_ =	shalt  }
0x78: {  	_ =	shalt  }
0x79: {  	_ =	shalt  }
0x7a: {  	_ =	shalt  }
0x7b: {  	_ =	shalt  }
0x7c: {  	_ =	shalt  }
0x7d: {  	_ =	shalt  }
0x7e: {  	_ =	shalt  }
0x7f: {  	_ =	shalt  }
0x80: {  	_ =	shalt  }
0x81: {  	_ =	shalt  }
0x82: {  	_ =	shalt  }
0x83: {  	_ =	shalt  }
0x84: {  	_ =	shalt  }
0x85: {  	_ =	shalt  }
0x86: {  	_ =	shalt  }
0x87: {  	_ =	shalt  }
.Lfunc_end0:
.L_simem_size_0:
called_computation_lowered:
.L_overlay_start_0:
0x88: {  	s2 =	sld [smem:$0x3FD9]  }
0x89: {  	s3 =	sld [smem:$0x3FFE];
	_ =	sdelay $0x1  }
0x8a: {  	s1 =	srdreg.scid  }
0x8b: {  	s0 =	sand.u32 $0x1, s1  }
0x8c: {  	s16 =	sshll.u32 s0, $0xA;
	s2 =	sadd.s32 s3, s2  }
0x8d: {  	s2 =	sadd.s32 s2, s16  }
0x8e: {  	[smem:$0x3FC6] =	sst s2  }
0x8f: {  	_ = 	snop  }
0x90: {  	(tm) =	ssettm $0x1  }
0x91: {  	s17 =	sld [smem:$0x3FFB];
	_ =	sdelay $0x3  }
0x92: {  	_ =	strace s17  }
0x93: {  	s2 =	sld [smem:$0x3FFC];
	_ =	sdelay $0x3  }
0x94: {  	_ =	strace s2  }
0x95: {  	s2 =	sld [smem:$0x3FFD];
	_ =	sdelay $0x3  }
0x96: {  	_ =	strace s2  }
0x97: {  	_ =	strace $0x8FFFFFFF  }
0x98: {  	s18 =	sld [smem:$0x3FDB];
	_ =	sdelay $0x1  }
0x99: {  	s19 =	simm.s32 $_scs_section_size  }
0x9a: {  	s4 =	simm.s32 $_size__tile_overlayer_lowered;
	s5 =	simm.s32 $_tile_overlayer_lowered  }
0x9b: {  	s22 =	simm.s32 $0x1BFF;
	s21 =	sshll.u32 s5, $0x1;
	s2 =	sadd.s32 s19, s18  }
0x9c: {  	s6 =	simm.s32 $0x0;
	s20 =	sshll.u32 s4, $0x1;
	s4 =	sadd.s32 s21, s2  }
0x9d: {  	[timem:s6], [sflag:s22] =	dma.local [hbm:s4], s20  }
0x9e: {  	_ =	swait.ge [sflag:s22], s20  }
0x9f: {  	s3 =	ssub.s32 $0x0, s20;
	[sflag:s22] =	ssyncset.done $0x0  }
0xa0: {  	[sflag:s22] =	ssyncadd.s32 s3;
	_ =	sdelay $0x1  }
0xa1: {  	s23 =	simm.s32 $0x1B8B  }
0xa2: {  	_ =	swait.ge [sflag:s23], $0x1  }
0xa3: {  	[sflag:s23] =	ssyncset.done $0x0  }
0xa4: {  	s25 =	simm.s32 $0x1B8E;
	s24 =	sld [smem:$0x3FFE];
	[sflag:s23] =	ssyncadd.s32 $0xFFFFFFFF  }
0xa5: {  	s26 =	simm.s32 $execute0_lowered;
	[smem:$0x3FD2] =	sst s25  }
0xa6: {  	s4 =	sshll.u32 s26, $0x1;
	_ =	strace $0x80000046;
	[dreg:$0x1] =	wrdreg $0xFFFFFFFF  }
0xa7: {  	s28 =	simm.s32 $_size_execute0_lowered;
	s2 =	sadd.s32 s2, s4;
	[dreg:$0x0] =	wrdreg $0x0  }
0xa8: {  	s4 =	sshll.u32 s28, $0x1;
	[dreg:$0x2] =	wrdreg s2  }
0xa9: {  	[dreg:$0x3] =	wrdreg s4  }
0xaa: {  	[dreg:$0x4] =	wrdreg $0xC0  }
0xab: {  	_ =	task [dreg:s6], $0x5FFFF  }
0xac: {  	[dreg:$0x1] =	wrdreg $0xFFFFFFFF  }
0xad: {  	[dreg:$0x0] =	wrdreg $0x60  }
0xae: {  	[dreg:$0x2] =	wrdreg s24  }
0xaf: {  	[dreg:$0x3] =	wrdreg $0x9  }
0xb0: {  	_ =	task.clear_ibuf [dreg:s6], $0x4FFFF;
	_ =	strace $0x90000046  }
0xb1: {  	s29 =	simm.s32 $0x9;
	_ =	strace $0x80000048  }
0xb2: {  	_ =	swait.ge [sflag:s29], $0x1  }
0xb3: {  	[sflag:s29] =	ssyncadd.s32 $0xFFFFFFFF  }
0xb4: {  	_ =	strace $0x90000048  }
0xb5: {  	_ =	sfence  }
0xb6: {  	s30 =	sld [smem:$0x0];
	_ =	sdelay $0x2  }
0xb7: {  	s31 =	sshll.u32 s1, $0xD;
	s1 =	sshrl.u32 s1, $0x2  }
0xb8: {  	s3 =	sand.u32 $0x4000, s31;
	s1 =	sadd.s32 s1, s30  }
0xb9: {  	s0 =	sor.u32 s3, s0;
	s1 =	sshll.u32 s1, $0x11  }
0xba: {  	s0 =	sor.u32 s1, s0  }
0xbb: {  	s0 =	sadd.s32 $0x8F2B, s0  }
0xbc: {  	[sflag:s0] =	ssyncadd.remote.s32 $0x1  }
0xbd: {  	_ =	sfence.sel $0xFFFF  }
0xbe: {  	[dreg:$0x0] =	wrdreg $0xFFFFFFFF;
	(pc) =	sbr.abs _section_cstart, $3  }
0xbf: {  	[dreg:$0x1] =	wrdreg $0xFFFFFFFF  }
0xc0: {  	_ =	task.clear_ibuf [dreg:s6], $0x2FFFF;
	_ =	strace $0x9FFFFFFF  }
0xc1: {  	(tm) =	ssettm $0x7FFFFFFF  }
tec
execute0_lowered:
.L_overlay_start_1:
0x0: {  	(tag) =	ssettag $0x1  }
0x1: {  	s3 =	rddreg [dreg:$0x0]  }
0x2: {  	s2 =	srdreg.scid;
	s0 =	rddreg [dreg:$0x1]  }
0x3: {  	s1 =	stileid.u32;
	s9 =	simm.s32 $0x3;
	s10 =	simm.s32 $0x6400  }
0x4: {  	s11 =	simm.s32 $0x8400;
	s12 =	simm.s32 $0x1;
	s13 =	simm.s32 $0x40  }
0x5: {  	s14 =	simm.s32 $0x2;
	s15 =	simm.s32 $0x0;
	s4 =	sand.u32 $0x1, s2  }
0x6: {  	s2 =	simm.s32 $0x0;
	s5 =	sshll.u32 s1, $0x8;
	s31 =	sshll.u32 s1, $0xC  }
0x7: {  	s6 =	sshll.u32 s4, $0x7;
	[smem:$0x7FF] =	sst s2;
	s7 =	ssub.s32 $0x2, s4  }
0x8: {  	s4 =	sshll.u32 s4, $0xB;
	s5 =	sor.u32 s6, s5;
	_ =	strace $0x80000047  }
0x9: {  	s6 =	sadd.s32 s31, s3;
	s8 =	sshrl.u32 s7, $0x1;
	s5 =	sshrl.u32 s5, $0x3  }
0xa: {  	s7 =	ssub.s32 s7, s8;
	s6 =	sadd.s32 s4, s6;
	s8 =	simm.s32 $0x4000  }
0xb: {  	s5 =	sadd.s32 s5, s3;
	s3 =	sadd.s32 $0x1000, s3;
	s6 =	sadd.s32 $0x128600, s6  }
0xc: {  	s4 =	sadd.s32 $0xC4600, s5;
	s5 =	smax.u32 s7, $0x1;
	s7 =	simm.s32 $0x80  }
.LBB2_1:
0xd: {  	[tilespmem:s2], [sflag:$0x3] =	stream.strided.gather [hbm4b:s4+s7], $0x6400, s8, s7, $0x38;
	[tilespmem:$0x12400] =	vst v63  }
0xe: {  	_ =	swait.ge [sflag:s9], $0x6400  }
0xf: {  	[sflag:s9] =	ssyncset.done $0x0  }
0x10: {  	[sflag:s9] =	ssyncadd.s32 $0xFFFF9C00  }
0x11: {  	[tilespmem:s10], [sflag:$0x1] =	stream.indirect.gather [hbm4b:s3+s7], $0x40, s2, s7, $0xb8;
	[tilespmem:$0x12400] =	vst v63  }
0x12: {  	s16 =	simm.s32 $0x180;
	s17 =	smov.u32 s6;
	s19 =	simm.s32 $0x0  }
0x13: {  	[tilespmem:s11], [sflag:$0x1] =	stream.indirect.gather [hbm4b:s3+s7], $0x40, s7, s7, $0xb8;
	[tilespmem:$0x12400] =	vst v63  }
.LBB2_2:
0x14: {  	p0 =	slt.u32 s19, $0x2  }
0x15: {  	s21 =	simm.s32 @!p0 $0x2  }
0x16: {  	_ =	swait.ge @!p0 [sflag:s21], $0x2000  }
0x17: {  	[sflag:s21] =	ssyncset.done @!p0 $0x0  }
0x18: {  	[sflag:s21] =	ssyncadd.s32 @!p0 $0xFFFFE000  }
0x19: {  	s20 =	smul.u32 $0xAB, s19;
	p1 =	seq.s32 @!p0 s19, $0x63;
	_ =	swait.ge @!p0 [sflag:s21], $0x2000  }
0x1a: {  	p1 =	por p0, !p1;
	[sflag:s21] =	ssyncset.done @!p0 $0x0  }
0x1b: {  	[sflag:s21] =	ssyncadd.s32 @!p0 $0xFFFFE000;
	s21 =	sadd.s32 @p1 $0xAB, s20  }
0x1c: {  	s21 =	sshrl.u32 @p1 s21, $0x9  }
0x1d: {  	s21 =	sand.u32 @p1 $0x7F, s21  }
0x1e: {  	s21 =	smul.u32 @p1 $0x3, s21  }
0x1f: {  	s18 =	sadd.s32 $0x1, s19  }
0x20: {  	s21 =	ssub.s32 @p1 s18, s21  }
0x21: {  	s21 =	sand.u32 @p1 $0xFF, s21  }
0x22: {  	s21 =	sshll.u32 @p1 s21, $0xE  }
0x23: {  	s23 =	sadd.s32 @p1 $0xFFFFFF80, s16;
	s20 =	sshrl.u32 s20, $0x9;
	s22 =	sadd.s32 @p1 $0x6400, s21  }
0x24: {  	[tilespmem:s22], [sflag:$0x1] =	stream.indirect.gather @p1 [hbm4b:s3+s7], $0x40, s23, s7, $0xb8;
	[tilespmem:$0x12400] =	vst v63  }
0x25: {  	s20 =	sand.u32 $0x7F, s20;
	s21 =	sadd.s32 @p1 $0x8400, s21  }
0x26: {  	[tilespmem:s21], [sflag:$0x1] =	stream.indirect.gather @p1 [hbm4b:s3+s7], $0x40, s16, s7, $0xb8;
	[tilespmem:$0x12400] =	vst v63  }
0x27: {  	s20 =	smul.u32 $0x3, s20;
	_ =	swait.ge [sflag:s12], $0x2000  }
0x28: {  	[sflag:s12] =	ssyncset.done $0x0  }
0x29: {  	s29 =	ssub.s32 s19, s20;
	[sflag:s12] =	ssyncadd.s32 $0xFFFFE000  }
0x2a: {  	s19 =	sand.u32 $0xFF, s29;
	_ =	swait.ge [sflag:s12], $0x2000  }
0x2b: {  	p0 =	sne.s32 s18, $0x64;
	s19 =	sshll.u32 s19, $0xE;
	[sflag:s12] =	ssyncset.done $0x0  }
.Ltmp0:
0x2c: {  	s30 =	sadd.s32 $0x6400, s19;
	[sflag:s12] =	ssyncadd.s32 $0xFFFFE000;
	(pc) =	sbr.rel @p0 .LBB2_2-.Ltmp0, $4  }
0x2d: {  	[hbm4b:s17+s13] =	stream.strided.scatter [tilespmem:s30], [sflag:$0x2], $0x2000, s7, s13, $0x38;
	[tilespmem:$0x12400] =	vst v63  }
0x2e: {  	s31 =	sadd.s32 $0x8, s17;
	s19 =	sadd.s32 $0x8400, s19  }
0x2f: {  	[hbm4b:s31+s13] =	stream.strided.scatter [tilespmem:s19], [sflag:$0x2], $0x2000, s7, s13, $0x38;
	[tilespmem:$0x12400] =	vst v63  }
0x30: {  	s16 =	sadd.s32 $0x100, s16;
	s17 =	sadd.s32 $0x10000, s17;
	s19 =	smov.u32 s18  }
0x31: {  	_ =	swait.ge [sflag:s14], $0x2000  }
0x32: {  	[sflag:s14] =	ssyncset.done $0x0  }
0x33: {  	[sflag:s14] =	ssyncadd.s32 $0xFFFFE000  }
0x34: {  	_ =	swait.ge [sflag:s14], $0x2000  }
0x35: {  	[sflag:s14] =	ssyncset.done $0x0  }
0x36: {  	s15 =	sadd.s32 $0x1, s15;
	[sflag:s14] =	ssyncadd.s32 $0xFFFFE000  }
0x37: {  	p0 =	sne.s32 s15, s5;
	_ =	swait.ge [sflag:s14], $0x2000  }
.Ltmp1:
0x38: {  	[sflag:s14] =	ssyncset.done $0x0;
	(pc) =	sbr.rel @p0 .LBB2_1-.Ltmp1, $4  }
0x39: {  	[sflag:s14] =	ssyncadd.s32 $0xFFFFE000  }
0x3a: {  	_ =	swait.ge [sflag:s14], $0x2000  }
0x3b: {  	[sflag:s14] =	ssyncset.done $0x0  }
0x3c: {  	[sflag:s14] =	ssyncadd.s32 $0xFFFFE000  }
0x3d: {  	_ =	sfence.sel $0x180000  }
0x3e: {  	[bflag:$0x0] =	sbarrier.arrive $0xFFFF  }
0x3f: {  	p0 =	sne.s32 s1, $0x0;
	_ =	strace $0x90000047  }
0x40: {  	s0 =	sadd.s32 @!p0 $0x100000, s0;
	[bflag:$0x2] =	sbarrier.arrive $0xFFFF  }
0x41: {  	[sflag:s0] =	ssyncadd.tile.s32 @!p0 $0x1;
	_ =	shalt  }
.Lfunc_end2:
_tile_overlayer_lowered:
.L_overlay_start_2:
0x42: {  	(tag) =	ssettag $0x2  }
0x43: {  	s0 =	rddreg [dreg:$0x0];
	s2 =	stileid.u32  }
0x44: {  	s1 =	rddreg [dreg:$0x1];
	p0 =	sne.s32 s2, $0x0  }
0x45: {  	s3 =	rddreg [dreg:$0x2];
	[bflag:$0x3] =	sbarrier.arrive $0xFFFF;
	s2 =	simm.s32 @!p0 $0x1C03  }
0x46: {  	[timem:s3], [sflag:s2] =	dma.local @!p0 [hbm:s0], s1  }
0x47: {  	s0 =	simm.s32 @!p0 $0x3  }
0x48: {  	_ =	swait.ge @!p0 [sflag:s0], s1  }
0x49: {  	s1 =	ssub.s32 @!p0 $0x0, s1;
	[sflag:s0] =	ssyncset.done @!p0 $0x0  }
0x4a: {  	[sflag:s0] =	ssyncadd.s32 @!p0 s1  }
0x4b: {  	[bflag:$0x3] =	sbarrier.arrive $0xFFFF  }
0x4c: {  	_ =	shalt  }

// kernel: kernel.13.cloned.1.call-start
scs
__scs_entry_jumppad:
0x0: {  	(pc) =	sbr.rel $0x88, $3  }
0x1: {  	(tag) =	ssettag $0x0;
	lr =	simm.s32 $0x1  }
0x2: {  	[smem:$0x3F9F] =	sst lr;
	_ =	strace $0xD0000000  }
0x3: {  	_ = 	snop  }
0x4: {  	_ = 	snop  }
0x5: {  	_ = 	snop  }
0x6: {  	_ = 	snop  }
0x7: {  	_ = 	snop  }
__scs_overlays_trampoline_lowered:
0x8: {  	[smem:$0x3FAE] =	sst s0  }
0x9: {  	[smem:$0x3FAF] =	sst s1  }
0xa: {  	[smem:$0x3FB0] =	sst s2  }
0xb: {  	[smem:$0x3FB1] =	sst s3  }
0xc: {  	[smem:$0x3FB2] =	sst s4  }
0xd: {  	[smem:$0x3FB3] =	sst s5  }
0xe: {  	[smem:$0x3FB4] =	sst s6  }
0xf: {  	[smem:$0x3FB5] =	sst s7  }
0x10: {  	[smem:$0x3FB6] =	sst s8  }
0x11: {  	[smem:$0x3FB7] =	sst s9;
	s0 =	simm.s32 @!p0 $0x0  }
0x12: {  	s1 =	sld [smem:$0x3F9D];
	s0 =	simm.s32 @p0 $0x1  }
0x13: {  	[smem:$0x3FB8] =	sst s0;
	s0 =	simm.s32 @!p1 $0x0  }
0x14: {  	s2 =	sld [smem:$0x3F9C];
	s0 =	simm.s32 @p1 $0x1  }
0x15: {  	[smem:$0x3FB9] =	sst s0;
	s0 =	simm.s32 @!p2 $0x0  }
0x16: {  	s3 =	sld [smem:$0x3FDB];
	s0 =	simm.s32 @p2 $0x1  }
0x17: {  	s4 =	simm.s32 $0x1BF5;
	[smem:$0x3FBB] =	sst s0  }
0x18: {  	s0 =	sld [smem:$0x3F9E];
	_ =	swait.ge [sflag:s4], $0x0  }
0x19: {  	s7 =	sld [smem:$0x3F9F]  }
0x1a: {  	s8 =	sadd.s32 $0xFFFFE003, lr  }
0x1b: {  	s9 =	sadd.s32 $0xFFFFFEF7, lr;
	s5 =	simm.s32 $0xFFFFFFFF;
	p2 =	slt.u32 s8, $0xFFFFF086  }
0x1c: {  	p1 =	slt.u32 s9, $0xF7A;
	s5 =	simm.s32 @!p2 $0x0  }
0x1d: {  	s5 =	simm.s32 @p1 $0x1;
	p0 =	seq.s32 s7, s2  }
0x1e: {  	s7 =	smul.u32 @!p0 $0xF7A, s2;
	p2 =	seq.s32 @!p0 s5, $0x0  }
0x1f: {  	s9 =	smul.u32 $0xF7A, s1;
	s8 =	simm.s32 @!p0 $0x1BF5;
	p2 =	por !p2, p0  }
0x20: {  	[sflag:s8] =	ssyncset.s32 @!p0 $0xFFFFF086;
	s6 =	sadd.s32 @!p0 s3, s7;
	s7 =	simm.s32 @!p0 $0x108  }
0x21: {  	s3 =	sadd.s32 s3, s9;
	s6 =	sadd.s32 @!p0 $0x88, s6;
	s7 =	simm.s32 @p2 $0x1082  }
0x22: {  	[simem:s7], [sflag:s8] =	dma.local @!p0 [hbm:s6], $0xF7A  }
0x23: {  	s9 =	sor.u32 $0xD0000000, s2;
	s6 =	simm.s32 $0x108;
	_ =	swait.ge @!p0 [sflag:s8], $0x0  }
0x24: {  	s3 =	sadd.s32 $0x88, s3;
	s6 =	simm.s32 @!p1 $0x1082;
	[sflag:s4] =	ssyncset.s32 $0xFFFFF086  }
0x25: {  	[simem:s6], [sflag:s4] =	dma.local [hbm:s3], $0xF7A  }
0x26: {  	[smem:$0x3F9F] =	sst s1;
	(tag) =	ssettag s2;
	_ =	strace s9  }
0x27: {  	s1 =	sld [smem:$0x3FAF]  }
0x28: {  	s2 =	sld [smem:$0x3FB0]  }
0x29: {  	s4 =	sld [smem:$0x3FB2]  }
0x2a: {  	p0 =	seq.s32 s5, $0x0;
	s5 =	sld [smem:$0x3FB3]  }
0x2b: {  	s6 =	sld [smem:$0x3FB4]  }
0x2c: {  	s7 =	sld [smem:$0x3FB5]  }
0x2d: {  	s3 =	simm.s32 $0x108;
	s8 =	sld [smem:$0x3FB6]  }
0x2e: {  	s3 =	simm.s32 @!p0 $0x1082;
	s9 =	sld [smem:$0x3FB7]  }
0x2f: {  	lr =	sadd.s32 s0, s3;
	s0 =	sld [smem:$0x3FAE]  }
0x30: {  	s3 =	sld [smem:$0x3FB1]  }
0x31: {  	[smem:$0x3FBA] =	sst s10  }
0x32: {  	s10 =	sld [smem:$0x3FB8];
	_ =	sdelay $0x3  }
0x33: {  	p0 =	seq.s32 s10, $0x1;
	s10 =	sld [smem:$0x3FBA];
	_ =	sdelay $0x3  }
0x34: {  	[smem:$0x3FBA] =	sst s10  }
0x35: {  	s10 =	sld [smem:$0x3FB9];
	_ =	sdelay $0x3  }
0x36: {  	p1 =	seq.s32 s10, $0x1;
	s10 =	sld [smem:$0x3FBA];
	_ =	sdelay $0x3  }
0x37: {  	[smem:$0x3FBA] =	sst s10  }
0x38: {  	s10 =	sld [smem:$0x3FBB]  }
0x39: {  	_ = 	snop;
	(pc) =	sbr.ind lr, $3  }
0x3a: {  	_ = 	snop  }
0x3b: {  	_ = 	snop  }
0x3c: {  	p2 =	seq.s32 s10, $0x1;
	s10 =	sld [smem:$0x3FBA]  }
0x3d: {  	_ =	shalt  }
0x3e: {  	_ =	shalt  }
0x3f: {  	_ =	shalt  }
0x40: {  	_ =	shalt  }
0x41: {  	_ =	shalt  }
0x42: {  	_ =	shalt  }
0x43: {  	_ =	shalt  }
0x44: {  	_ =	shalt  }
0x45: {  	_ =	shalt  }
0x46: {  	_ =	shalt  }
0x47: {  	_ =	shalt  }
0x48: {  	_ =	shalt  }
0x49: {  	_ =	shalt  }
0x4a: {  	_ =	shalt  }
0x4b: {  	_ =	shalt  }
0x4c: {  	_ =	shalt  }
0x4d: {  	_ =	shalt  }
0x4e: {  	_ =	shalt  }
0x4f: {  	_ =	shalt  }
0x50: {  	_ =	shalt  }
0x51: {  	_ =	shalt  }
0x52: {  	_ =	shalt  }
0x53: {  	_ =	shalt  }
0x54: {  	_ =	shalt  }
0x55: {  	_ =	shalt  }
0x56: {  	_ =	shalt  }
0x57: {  	_ =	shalt  }
0x58: {  	_ =	shalt  }
0x59: {  	_ =	shalt  }
0x5a: {  	_ =	shalt  }
0x5b: {  	_ =	shalt  }
0x5c: {  	_ =	shalt  }
0x5d: {  	_ =	shalt  }
0x5e: {  	_ =	shalt  }
0x5f: {  	_ =	shalt  }
0x60: {  	_ =	shalt  }
0x61: {  	_ =	shalt  }
0x62: {  	_ =	shalt  }
0x63: {  	_ =	shalt  }
0x64: {  	_ =	shalt  }
0x65: {  	_ =	shalt  }
0x66: {  	_ =	shalt  }
0x67: {  	_ =	shalt  }
0x68: {  	_ =	shalt  }
0x69: {  	_ =	shalt  }
0x6a: {  	_ =	shalt  }
0x6b: {  	_ =	shalt  }
0x6c: {  	_ =	shalt  }
0x6d: {  	_ =	shalt  }
0x6e: {  	_ =	shalt  }
0x6f: {  	_ =	shalt  }
0x70: {  	_ =	shalt  }
0x71: {  	_ =	shalt  }
0x72: {  	_ =	shalt  }
0x73: {  	_ =	shalt  }
0x74: {  	_ =	shalt  }
0x75: {  	_ =	shalt  }
0x76: {  	_ =	shalt  }
0x77: {  	_ =	shalt  }
0x78: {  	_ =	shalt  }
0x79: {  	_ =	shalt  }
0x7a: {  	_ =	shalt  }
0x7b: {  	_ =	shalt  }
0x7c: {  	_ =	shalt  }
0x7d: {  	_ =	shalt  }
0x7e: {  	_ =	shalt  }
0x7f: {  	_ =	shalt  }
0x80: {  	_ =	shalt  }
0x81: {  	_ =	shalt  }
0x82: {  	_ =	shalt  }
0x83: {  	_ =	shalt  }
0x84: {  	_ =	shalt  }
0x85: {  	_ =	shalt  }
0x86: {  	_ =	shalt  }
0x87: {  	_ =	shalt  }
.Lfunc_end0:
.L_simem_size_0:
called_computation.1_lowered:
.L_overlay_start_0:
0x88: {  	s2 =	sld [smem:$0x3FD9]  }
0x89: {  	s3 =	sld [smem:$0x3FFE];
	_ =	sdelay $0x1  }
0x8a: {  	s1 =	srdreg.scid  }
0x8b: {  	s0 =	sand.u32 $0x1, s1  }
0x8c: {  	s17 =	sshll.u32 s0, $0xA;
	s2 =	sadd.s32 s3, s2  }
0x8d: {  	s2 =	sadd.s32 s2, s17  }
0x8e: {  	[smem:$0x3FC6] =	sst s2  }
0x8f: {  	_ = 	snop  }
0x90: {  	(tm) =	ssettm $0x1  }
0x91: {  	s18 =	sld [smem:$0x3FFB];
	_ =	sdelay $0x3  }
0x92: {  	_ =	strace s18  }
0x93: {  	s2 =	sld [smem:$0x3FFC];
	_ =	sdelay $0x3  }
0x94: {  	_ =	strace s2  }
0x95: {  	s2 =	sld [smem:$0x3FFD];
	_ =	sdelay $0x3  }
0x96: {  	_ =	strace s2  }
0x97: {  	_ =	strace $0x8FFFFFFF  }
0x98: {  	s19 =	sld [smem:$0x3FDB];
	_ =	sdelay $0x1  }
0x99: {  	s20 =	simm.s32 $_scs_section_size  }
0x9a: {  	s4 =	simm.s32 $_size__tile_overlayer_lowered;
	s5 =	simm.s32 $_tile_overlayer_lowered  }
0x9b: {  	s6 =	simm.s32 $0x1BFF;
	s21 =	sshll.u32 s5, $0x1;
	s3 =	sadd.s32 s20, s19  }
0x9c: {  	s22 =	simm.s32 $0x0;
	s4 =	sshll.u32 s4, $0x1;
	s5 =	sadd.s32 s21, s3  }
0x9d: {  	[timem:s22], [sflag:s6] =	dma.local [hbm:s5], s4  }
0x9e: {  	_ =	swait.ge [sflag:s6], s4  }
0x9f: {  	s4 =	ssub.s32 $0x0, s4;
	[sflag:s6] =	ssyncset.done $0x0  }
0xa0: {  	[sflag:s6] =	ssyncadd.s32 s4;
	_ =	sdelay $0x1  }
0xa1: {  	s23 =	simm.s32 $0x1B8B  }
0xa2: {  	_ =	swait.ge [sflag:s23], $0x1  }
0xa3: {  	[sflag:s23] =	ssyncset.done $0x0  }
0xa4: {  	[sflag:s23] =	ssyncadd.s32 $0xFFFFFFFF  }
0xa5: {  	s4 =	sld [smem:$0x0]  }
0xa6: {  	s5 =	sand.u32 $0xFFFFFFFE, s1  }
0xa7: {  	p0 =	sne.s32 s1, s5  }
0xa8: {  	s5 =	sshll.u32 @p0 s5, $0xE  }
0xa9: {  	s5 =	sadd.s32 @p0 $0x11B8D, s5;
	s6 =	sshll.u32 @p0 s4, $0x11  }
0xaa: {  	s5 =	sor.u32 @p0 s6, s5  }
0xab: {  	[sflag:s5] =	ssyncadd.remote.s32 @p0 $0x1;
	_ =	sdelay $0x1  }
0xac: {  	s5 =	simm.s32 @p0 $0x1B8D  }
0xad: {  	_ =	swait.eq @p0 [sflag:s5], $0x1  }
0xae: {  	[sflag:s5] =	ssyncadd.s32 @p0 $0xFFFFFFFF  }
0xaf: {  	s6 =	sshll.u32 @!p0 s1, $0xE  }
0xb0: {  	s6 =	sor.u32 @!p0 $0x4000, s6;
	s5 =	simm.s32 @!p0 $0x1B8D  }
0xb1: {  	s4 =	sshll.u32 @!p0 s4, $0x11;
	s6 =	sadd.s32 @!p0 $0x11B8D, s6;
	_ =	swait.eq @!p0 [sflag:s5], $0x1  }
0xb2: {  	s4 =	sor.u32 @!p0 s4, s6;
	[sflag:s5] =	ssyncadd.s32 @!p0 $0xFFFFFFFF  }
0xb3: {  	s25 =	simm.s32 $0x1B8E;
	s24 =	sld [smem:$0x3FFE];
	[sflag:s4] =	ssyncadd.remote.s32 @!p0 $0x1  }
0xb4: {  	s26 =	simm.s32 $execute0_lowered;
	[smem:$0x3FD2] =	sst s25  }
0xb5: {  	s5 =	sshll.u32 s26, $0x1;
	_ =	strace $0x80000049;
	[dreg:$0x1] =	wrdreg $0xFFFFFFFF  }
0xb6: {  	s28 =	simm.s32 $_size_execute0_lowered;
	s3 =	sadd.s32 s3, s5;
	[dreg:$0x0] =	wrdreg $0x0  }
0xb7: {  	s5 =	sshll.u32 s28, $0x1;
	[dreg:$0x2] =	wrdreg s3  }
0xb8: {  	[dreg:$0x3] =	wrdreg s5  }
0xb9: {  	[dreg:$0x4] =	wrdreg $0xC0  }
0xba: {  	_ =	task [dreg:s22], $0x5FFFF  }
0xbb: {  	[dreg:$0x1] =	wrdreg $0xFFFFFFFF  }
0xbc: {  	[dreg:$0x0] =	wrdreg $0x60  }
0xbd: {  	[dreg:$0x2] =	wrdreg s24  }
0xbe: {  	[dreg:$0x3] =	wrdreg $0xA  }
0xbf: {  	_ =	task.clear_ibuf [dreg:s22], $0x4FFFF;
	_ =	strace $0x90000049  }
0xc0: {  	s29 =	simm.s32 $0xA;
	_ =	strace $0x8000004B  }
0xc1: {  	_ =	swait.ge [sflag:s29], $0x1  }
0xc2: {  	[sflag:s29] =	ssyncadd.s32 $0xFFFFFFFF  }
0xc3: {  	_ =	strace $0x9000004B  }
0xc4: {  	_ =	sfence  }
0xc5: {  	s30 =	sld [smem:$0x0];
	_ =	sdelay $0x2  }
0xc6: {  	s31 =	sshll.u32 s1, $0xD;
	s1 =	sshrl.u32 s1, $0x2  }
0xc7: {  	s4 =	sand.u32 $0x4000, s31;
	s1 =	sadd.s32 s1, s30  }
0xc8: {  	s0 =	sor.u32 s4, s0;
	s1 =	sshll.u32 s1, $0x11  }
0xc9: {  	s0 =	sor.u32 s1, s0  }
0xca: {  	s0 =	sadd.s32 $0x8F2B, s0  }
0xcb: {  	[sflag:s0] =	ssyncadd.remote.s32 $0x1  }
0xcc: {  	_ =	sfence.sel $0xFFFF  }
0xcd: {  	[dreg:$0x0] =	wrdreg $0xFFFFFFFF;
	(pc) =	sbr.abs _section_cstart, $3  }
0xce: {  	[dreg:$0x1] =	wrdreg $0xFFFFFFFF  }
0xcf: {  	_ =	task.clear_ibuf [dreg:s22], $0x2FFFF;
	_ =	strace $0x9FFFFFFF  }
0xd0: {  	(tm) =	ssettm $0x7FFFFFFF  }
0xd1: {  	_ =	shalt  }
tec
execute0_lowered:
.L_overlay_start_1:
0x0: {  	(tag) =	ssettag $0x1  }
0x1: {  	s3 =	rddreg [dreg:$0x0]  }
0x2: {  	s2 =	srdreg.scid;
	s0 =	rddreg [dreg:$0x1]  }
0x3: {  	s1 =	stileid.u32;
	s9 =	simm.s32 $0x3;
	s10 =	simm.s32 $0x6400  }
0x4: {  	s11 =	simm.s32 $0x8400;
	s12 =	simm.s32 $0x1;
	s13 =	simm.s32 $0x40  }
0x5: {  	s14 =	simm.s32 $0x2;
	s15 =	simm.s32 $0x0;
	s4 =	sand.u32 $0x1, s2  }
0x6: {  	s2 =	simm.s32 $0x0;
	s5 =	sshll.u32 s1, $0x8;
	s31 =	sshll.u32 s1, $0xC  }
0x7: {  	s6 =	sshll.u32 s4, $0x7;
	[smem:$0x7FF] =	sst s2;
	s7 =	ssub.s32 $0x2, s4  }
0x8: {  	s4 =	sshll.u32 s4, $0xB;
	s5 =	sor.u32 s6, s5;
	_ =	strace $0x8000004A  }
0x9: {  	s6 =	sadd.s32 s31, s3;
	s8 =	sshrl.u32 s7, $0x1;
	s5 =	sshrl.u32 s5, $0x3  }
0xa: {  	s7 =	ssub.s32 s7, s8;
	s6 =	sadd.s32 s4, s6;
	s8 =	simm.s32 $0x4000  }
0xb: {  	s5 =	sadd.s32 s5, s3;
	s3 =	sadd.s32 $0x1000, s3;
	s6 =	sadd.s32 $0x768600, s6  }
0xc: {  	s4 =	sadd.s32 $0xC4800, s5;
	s5 =	smax.u32 s7, $0x1;
	s7 =	simm.s32 $0x80  }
.LBB2_1:
0xd: {  	[tilespmem:s2], [sflag:$0x3] =	stream.strided.gather [hbm4b:s4+s7], $0x6400, s8, s7, $0x38;
	[tilespmem:$0x12400] =	vst v63  }
0xe: {  	_ =	swait.ge [sflag:s9], $0x6400  }
0xf: {  	[sflag:s9] =	ssyncset.done $0x0  }
0x10: {  	[sflag:s9] =	ssyncadd.s32 $0xFFFF9C00  }
0x11: {  	[tilespmem:s10], [sflag:$0x1] =	stream.indirect.gather [hbm4b:s3+s7], $0x40, s2, s7, $0xb8;
	[tilespmem:$0x12400] =	vst v63  }
0x12: {  	s16 =	simm.s32 $0x180;
	s17 =	smov.u32 s6;
	s19 =	simm.s32 $0x0  }
0x13: {  	[tilespmem:s11], [sflag:$0x1] =	stream.indirect.gather [hbm4b:s3+s7], $0x40, s7, s7, $0xb8;
	[tilespmem:$0x12400] =	vst v63  }
.LBB2_2:
0x14: {  	p0 =	slt.u32 s19, $0x2  }
0x15: {  	s21 =	simm.s32 @!p0 $0x2  }
0x16: {  	_ =	swait.ge @!p0 [sflag:s21], $0x2000  }
0x17: {  	[sflag:s21] =	ssyncset.done @!p0 $0x0  }
0x18: {  	[sflag:s21] =	ssyncadd.s32 @!p0 $0xFFFFE000  }
0x19: {  	s20 =	smul.u32 $0xAB, s19;
	p1 =	seq.s32 @!p0 s19, $0x63;
	_ =	swait.ge @!p0 [sflag:s21], $0x2000  }
0x1a: {  	p1 =	por p0, !p1;
	[sflag:s21] =	ssyncset.done @!p0 $0x0  }
0x1b: {  	[sflag:s21] =	ssyncadd.s32 @!p0 $0xFFFFE000;
	s21 =	sadd.s32 @p1 $0xAB, s20  }
0x1c: {  	s21 =	sshrl.u32 @p1 s21, $0x9  }
0x1d: {  	s21 =	sand.u32 @p1 $0x7F, s21  }
0x1e: {  	s21 =	smul.u32 @p1 $0x3, s21  }
0x1f: {  	s18 =	sadd.s32 $0x1, s19  }
0x20: {  	s21 =	ssub.s32 @p1 s18, s21  }
0x21: {  	s21 =	sand.u32 @p1 $0xFF, s21  }
0x22: {  	s21 =	sshll.u32 @p1 s21, $0xE  }
0x23: {  	s23 =	sadd.s32 @p1 $0xFFFFFF80, s16;
	s20 =	sshrl.u32 s20, $0x9;
	s22 =	sadd.s32 @p1 $0x6400, s21  }
0x24: {  	[tilespmem:s22], [sflag:$0x1] =	stream.indirect.gather @p1 [hbm4b:s3+s7], $0x40, s23, s7, $0xb8;
	[tilespmem:$0x12400] =	vst v63  }
0x25: {  	s20 =	sand.u32 $0x7F, s20;
	s21 =	sadd.s32 @p1 $0x8400, s21  }
0x26: {  	[tilespmem:s21], [sflag:$0x1] =	stream.indirect.gather @p1 [hbm4b:s3+s7], $0x40, s16, s7, $0xb8;
	[tilespmem:$0x12400] =	vst v63  }
0x27: {  	s20 =	smul.u32 $0x3, s20;
	_ =	swait.ge [sflag:s12], $0x2000  }
0x28: {  	[sflag:s12] =	ssyncset.done $0x0  }
0x29: {  	s29 =	ssub.s32 s19, s20;
	[sflag:s12] =	ssyncadd.s32 $0xFFFFE000  }
0x2a: {  	s19 =	sand.u32 $0xFF, s29;
	_ =	swait.ge [sflag:s12], $0x2000  }
0x2b: {  	p0 =	sne.s32 s18, $0x64;
	s19 =	sshll.u32 s19, $0xE;
	[sflag:s12] =	ssyncset.done $0x0  }
.Ltmp0:
0x2c: {  	s30 =	sadd.s32 $0x6400, s19;
	[sflag:s12] =	ssyncadd.s32 $0xFFFFE000;
	(pc) =	sbr.rel @p0 .LBB2_2-.Ltmp0, $4  }
0x2d: {  	[hbm4b:s17+s13] =	stream.strided.scatter [tilespmem:s30], [sflag:$0x2], $0x2000, s7, s13, $0x38;
	[tilespmem:$0x12400] =	vst v63  }
0x2e: {  	s31 =	sadd.s32 $0x8, s17;
	s19 =	sadd.s32 $0x8400, s19  }
0x2f: {  	[hbm4b:s31+s13] =	stream.strided.scatter [tilespmem:s19], [sflag:$0x2], $0x2000, s7, s13, $0x38;
	[tilespmem:$0x12400] =	vst v63  }
0x30: {  	s16 =	sadd.s32 $0x100, s16;
	s17 =	sadd.s32 $0x10000, s17;
	s19 =	smov.u32 s18  }
0x31: {  	_ =	swait.ge [sflag:s14], $0x2000  }
0x32: {  	[sflag:s14] =	ssyncset.done $0x0  }
0x33: {  	[sflag:s14] =	ssyncadd.s32 $0xFFFFE000  }
0x34: {  	_ =	swait.ge [sflag:s14], $0x2000  }
0x35: {  	[sflag:s14] =	ssyncset.done $0x0  }
0x36: {  	s15 =	sadd.s32 $0x1, s15;
	[sflag:s14] =	ssyncadd.s32 $0xFFFFE000  }
0x37: {  	p0 =	sne.s32 s15, s5;
	_ =	swait.ge [sflag:s14], $0x2000  }
.Ltmp1:
0x38: {  	[sflag:s14] =	ssyncset.done $0x0;
	(pc) =	sbr.rel @p0 .LBB2_1-.Ltmp1, $4  }
0x39: {  	[sflag:s14] =	ssyncadd.s32 $0xFFFFE000  }
0x3a: {  	_ =	swait.ge [sflag:s14], $0x2000  }
0x3b: {  	[sflag:s14] =	ssyncset.done $0x0  }
0x3c: {  	[sflag:s14] =	ssyncadd.s32 $0xFFFFE000  }
0x3d: {  	_ =	sfence.sel $0x180000  }
0x3e: {  	[bflag:$0x0] =	sbarrier.arrive $0xFFFF  }
0x3f: {  	p0 =	sne.s32 s1, $0x0;
	_ =	strace $0x9000004A  }
0x40: {  	s0 =	sadd.s32 @!p0 $0x100000, s0;
	[bflag:$0x2] =	sbarrier.arrive $0xFFFF  }
0x41: {  	[sflag:s0] =	ssyncadd.tile.s32 @!p0 $0x1;
	_ =	shalt  }
.Lfunc_end2:
_tile_overlayer_lowered:
.L_overlay_start_2:
0x42: {  	(tag) =	ssettag $0x2  }
0x43: {  	s0 =	rddreg [dreg:$0x0];
	s2 =	stileid.u32  }
0x44: {  	s1 =	rddreg [dreg:$0x1];
	p0 =	sne.s32 s2, $0x0  }
0x45: {  	s3 =	rddreg [dreg:$0x2];
	[bflag:$0x3] =	sbarrier.arrive $0xFFFF;
	s2 =	simm.s32 @!p0 $0x1C03  }
0x46: {  	[timem:s3], [sflag:s2] =	dma.local @!p0 [hbm:s0], s1  }
0x47: {  	s0 =	simm.s32 @!p0 $0x3  }
0x48: {  	_ =	swait.ge @!p0 [sflag:s0], s1  }
0x49: {  	s1 =	ssub.s32 @!p0 $0x0, s1;
	[sflag:s0] =	ssyncset.done @!p0 $0x0  }
0x4a: {  	[sflag:s0] =	ssyncadd.s32 @!p0 s1  }
0x4b: {  	[bflag:$0x3] =	sbarrier.arrive $0xFFFF  }
0x4c: {  	_ =	shalt  }

// kernel: kernel.16.cloned.1.call-start
scs
__scs_entry_jumppad:
0x0: {  	(pc) =	sbr.rel $0x88, $3  }
0x1: {  	(tag) =	ssettag $0x0;
	lr =	simm.s32 $0x1  }
0x2: {  	[smem:$0x3F9F] =	sst lr;
	_ =	strace $0xD0000000  }
0x3: {  	_ = 	snop  }
0x4: {  	_ = 	snop  }
0x5: {  	_ = 	snop  }
0x6: {  	_ = 	snop  }
0x7: {  	_ = 	snop  }
__scs_overlays_trampoline_lowered:
0x8: {  	[smem:$0x3FAE] =	sst s0  }
0x9: {  	[smem:$0x3FAF] =	sst s1  }
0xa: {  	[smem:$0x3FB0] =	sst s2  }
0xb: {  	[smem:$0x3FB1] =	sst s3  }
0xc: {  	[smem:$0x3FB2] =	sst s4  }
0xd: {  	[smem:$0x3FB3] =	sst s5  }
0xe: {  	[smem:$0x3FB4] =	sst s6  }
0xf: {  	[smem:$0x3FB5] =	sst s7  }
0x10: {  	[smem:$0x3FB6] =	sst s8  }
0x11: {  	[smem:$0x3FB7] =	sst s9;
	s0 =	simm.s32 @!p0 $0x0  }
0x12: {  	s1 =	sld [smem:$0x3F9D];
	s0 =	simm.s32 @p0 $0x1  }
0x13: {  	[smem:$0x3FB8] =	sst s0;
	s0 =	simm.s32 @!p1 $0x0  }
0x14: {  	s2 =	sld [smem:$0x3F9C];
	s0 =	simm.s32 @p1 $0x1  }
0x15: {  	[smem:$0x3FB9] =	sst s0;
	s0 =	simm.s32 @!p2 $0x0  }
0x16: {  	s3 =	sld [smem:$0x3FDB];
	s0 =	simm.s32 @p2 $0x1  }
0x17: {  	s4 =	simm.s32 $0x1BF5;
	[smem:$0x3FBB] =	sst s0  }
0x18: {  	s0 =	sld [smem:$0x3F9E];
	_ =	swait.ge [sflag:s4], $0x0  }
0x19: {  	s7 =	sld [smem:$0x3F9F]  }
0x1a: {  	s8 =	sadd.s32 $0xFFFFE003, lr  }
0x1b: {  	s9 =	sadd.s32 $0xFFFFFEF7, lr;
	s5 =	simm.s32 $0xFFFFFFFF;
	p2 =	slt.u32 s8, $0xFFFFF086  }
0x1c: {  	p1 =	slt.u32 s9, $0xF7A;
	s5 =	simm.s32 @!p2 $0x0  }
0x1d: {  	s5 =	simm.s32 @p1 $0x1;
	p0 =	seq.s32 s7, s2  }
0x1e: {  	s7 =	smul.u32 @!p0 $0xF7A, s2;
	p2 =	seq.s32 @!p0 s5, $0x0  }
0x1f: {  	s9 =	smul.u32 $0xF7A, s1;
	s8 =	simm.s32 @!p0 $0x1BF5;
	p2 =	por !p2, p0  }
0x20: {  	[sflag:s8] =	ssyncset.s32 @!p0 $0xFFFFF086;
	s6 =	sadd.s32 @!p0 s3, s7;
	s7 =	simm.s32 @!p0 $0x108  }
0x21: {  	s3 =	sadd.s32 s3, s9;
	s6 =	sadd.s32 @!p0 $0x88, s6;
	s7 =	simm.s32 @p2 $0x1082  }
0x22: {  	[simem:s7], [sflag:s8] =	dma.local @!p0 [hbm:s6], $0xF7A  }
0x23: {  	s9 =	sor.u32 $0xD0000000, s2;
	s6 =	simm.s32 $0x108;
	_ =	swait.ge @!p0 [sflag:s8], $0x0  }
0x24: {  	s3 =	sadd.s32 $0x88, s3;
	s6 =	simm.s32 @!p1 $0x1082;
	[sflag:s4] =	ssyncset.s32 $0xFFFFF086  }
0x25: {  	[simem:s6], [sflag:s4] =	dma.local [hbm:s3], $0xF7A  }
0x26: {  	[smem:$0x3F9F] =	sst s1;
	(tag) =	ssettag s2;
	_ =	strace s9  }
0x27: {  	s1 =	sld [smem:$0x3FAF]  }
0x28: {  	s2 =	sld [smem:$0x3FB0]  }
0x29: {  	s4 =	sld [smem:$0x3FB2]  }
0x2a: {  	p0 =	seq.s32 s5, $0x0;
	s5 =	sld [smem:$0x3FB3]  }
0x2b: {  	s6 =	sld [smem:$0x3FB4]  }
0x2c: {  	s7 =	sld [smem:$0x3FB5]  }
0x2d: {  	s3 =	simm.s32 $0x108;
	s8 =	sld [smem:$0x3FB6]  }
0x2e: {  	s3 =	simm.s32 @!p0 $0x1082;
	s9 =	sld [smem:$0x3FB7]  }
0x2f: {  	lr =	sadd.s32 s0, s3;
	s0 =	sld [smem:$0x3FAE]  }
0x30: {  	s3 =	sld [smem:$0x3FB1]  }
0x31: {  	[smem:$0x3FBA] =	sst s10  }
0x32: {  	s10 =	sld [smem:$0x3FB8];
	_ =	sdelay $0x3  }
0x33: {  	p0 =	seq.s32 s10, $0x1;
	s10 =	sld [smem:$0x3FBA];
	_ =	sdelay $0x3  }
0x34: {  	[smem:$0x3FBA] =	sst s10  }
0x35: {  	s10 =	sld [smem:$0x3FB9];
	_ =	sdelay $0x3  }
0x36: {  	p1 =	seq.s32 s10, $0x1;
	s10 =	sld [smem:$0x3FBA];
	_ =	sdelay $0x3  }
0x37: {  	[smem:$0x3FBA] =	sst s10  }
0x38: {  	s10 =	sld [smem:$0x3FBB]  }
0x39: {  	_ = 	snop;
	(pc) =	sbr.ind lr, $3  }
0x3a: {  	_ = 	snop  }
0x3b: {  	_ = 	snop  }
0x3c: {  	p2 =	seq.s32 s10, $0x1;
	s10 =	sld [smem:$0x3FBA]  }
0x3d: {  	_ =	shalt  }
0x3e: {  	_ =	shalt  }
0x3f: {  	_ =	shalt  }
0x40: {  	_ =	shalt  }
0x41: {  	_ =	shalt  }
0x42: {  	_ =	shalt  }
0x43: {  	_ =	shalt  }
0x44: {  	_ =	shalt  }
0x45: {  	_ =	shalt  }
0x46: {  	_ =	shalt  }
0x47: {  	_ =	shalt  }
0x48: {  	_ =	shalt  }
0x49: {  	_ =	shalt  }
0x4a: {  	_ =	shalt  }
0x4b: {  	_ =	shalt  }
0x4c: {  	_ =	shalt  }
0x4d: {  	_ =	shalt  }
0x4e: {  	_ =	shalt  }
0x4f: {  	_ =	shalt  }
0x50: {  	_ =	shalt  }
0x51: {  	_ =	shalt  }
0x52: {  	_ =	shalt  }
0x53: {  	_ =	shalt  }
0x54: {  	_ =	shalt  }
0x55: {  	_ =	shalt  }
0x56: {  	_ =	shalt  }
0x57: {  	_ =	shalt  }
0x58: {  	_ =	shalt  }
0x59: {  	_ =	shalt  }
0x5a: {  	_ =	shalt  }
0x5b: {  	_ =	shalt  }
0x5c: {  	_ =	shalt  }
0x5d: {  	_ =	shalt  }
0x5e: {  	_ =	shalt  }
0x5f: {  	_ =	shalt  }
0x60: {  	_ =	shalt  }
0x61: {  	_ =	shalt  }
0x62: {  	_ =	shalt  }
0x63: {  	_ =	shalt  }
0x64: {  	_ =	shalt  }
0x65: {  	_ =	shalt  }
0x66: {  	_ =	shalt  }
0x67: {  	_ =	shalt  }
0x68: {  	_ =	shalt  }
0x69: {  	_ =	shalt  }
0x6a: {  	_ =	shalt  }
0x6b: {  	_ =	shalt  }
0x6c: {  	_ =	shalt  }
0x6d: {  	_ =	shalt  }
0x6e: {  	_ =	shalt  }
0x6f: {  	_ =	shalt  }
0x70: {  	_ =	shalt  }
0x71: {  	_ =	shalt  }
0x72: {  	_ =	shalt  }
0x73: {  	_ =	shalt  }
0x74: {  	_ =	shalt  }
0x75: {  	_ =	shalt  }
0x76: {  	_ =	shalt  }
0x77: {  	_ =	shalt  }
0x78: {  	_ =	shalt  }
0x79: {  	_ =	shalt  }
0x7a: {  	_ =	shalt  }
0x7b: {  	_ =	shalt  }
0x7c: {  	_ =	shalt  }
0x7d: {  	_ =	shalt  }
0x7e: {  	_ =	shalt  }
0x7f: {  	_ =	shalt  }
0x80: {  	_ =	shalt  }
0x81: {  	_ =	shalt  }
0x82: {  	_ =	shalt  }
0x83: {  	_ =	shalt  }
0x84: {  	_ =	shalt  }
0x85: {  	_ =	shalt  }
0x86: {  	_ =	shalt  }
0x87: {  	_ =	shalt  }
.Lfunc_end0:
.L_simem_size_0:
called_computation.2_lowered:
.L_overlay_start_0:
0x88: {  	s2 =	sld [smem:$0x3FD9]  }
0x89: {  	s3 =	sld [smem:$0x3FFE];
	_ =	sdelay $0x1  }
0x8a: {  	s1 =	srdreg.scid  }
0x8b: {  	s0 =	sand.u32 $0x1, s1  }
0x8c: {  	s17 =	sshll.u32 s0, $0xA;
	s2 =	sadd.s32 s3, s2  }
0x8d: {  	s2 =	sadd.s32 s2, s17  }
0x8e: {  	[smem:$0x3FC6] =	sst s2  }
0x8f: {  	_ = 	snop  }
0x90: {  	(tm) =	ssettm $0x1  }
0x91: {  	s18 =	sld [smem:$0x3FFB];
	_ =	sdelay $0x3  }
0x92: {  	_ =	strace s18  }
0x93: {  	s2 =	sld [smem:$0x3FFC];
	_ =	sdelay $0x3  }
0x94: {  	_ =	strace s2  }
0x95: {  	s2 =	sld [smem:$0x3FFD];
	_ =	sdelay $0x3  }
0x96: {  	_ =	strace s2  }
0x97: {  	_ =	strace $0x8FFFFFFF  }
0x98: {  	s19 =	sld [smem:$0x3FDB];
	_ =	sdelay $0x1  }
0x99: {  	s20 =	simm.s32 $_scs_section_size  }
0x9a: {  	s4 =	simm.s32 $_size__tile_overlayer_lowered;
	s5 =	simm.s32 $_tile_overlayer_lowered  }
0x9b: {  	s6 =	simm.s32 $0x1BFF;
	s21 =	sshll.u32 s5, $0x1;
	s3 =	sadd.s32 s20, s19  }
0x9c: {  	s22 =	simm.s32 $0x0;
	s4 =	sshll.u32 s4, $0x1;
	s5 =	sadd.s32 s21, s3  }
0x9d: {  	[timem:s22], [sflag:s6] =	dma.local [hbm:s5], s4  }
0x9e: {  	_ =	swait.ge [sflag:s6], s4  }
0x9f: {  	s4 =	ssub.s32 $0x0, s4;
	[sflag:s6] =	ssyncset.done $0x0  }
0xa0: {  	[sflag:s6] =	ssyncadd.s32 s4;
	_ =	sdelay $0x1  }
0xa1: {  	s23 =	simm.s32 $0x1B8B  }
0xa2: {  	_ =	swait.ge [sflag:s23], $0x1  }
0xa3: {  	[sflag:s23] =	ssyncset.done $0x0  }
0xa4: {  	[sflag:s23] =	ssyncadd.s32 $0xFFFFFFFF  }
0xa5: {  	s4 =	sld [smem:$0x0]  }
0xa6: {  	s5 =	sand.u32 $0xFFFFFFFE, s1  }
0xa7: {  	p0 =	sne.s32 s1, s5  }
0xa8: {  	s5 =	sshll.u32 @p0 s5, $0xE  }
0xa9: {  	s5 =	sadd.s32 @p0 $0x11B8D, s5;
	s6 =	sshll.u32 @p0 s4, $0x11  }
0xaa: {  	s5 =	sor.u32 @p0 s6, s5  }
0xab: {  	[sflag:s5] =	ssyncadd.remote.s32 @p0 $0x1;
	_ =	sdelay $0x1  }
0xac: {  	s5 =	simm.s32 @p0 $0x1B8D  }
0xad: {  	_ =	swait.eq @p0 [sflag:s5], $0x1  }
0xae: {  	[sflag:s5] =	ssyncadd.s32 @p0 $0xFFFFFFFF  }
0xaf: {  	s6 =	sshll.u32 @!p0 s1, $0xE  }
0xb0: {  	s6 =	sor.u32 @!p0 $0x4000, s6;
	s5 =	simm.s32 @!p0 $0x1B8D  }
0xb1: {  	s4 =	sshll.u32 @!p0 s4, $0x11;
	s6 =	sadd.s32 @!p0 $0x11B8D, s6;
	_ =	swait.eq @!p0 [sflag:s5], $0x1  }
0xb2: {  	s4 =	sor.u32 @!p0 s4, s6;
	[sflag:s5] =	ssyncadd.s32 @!p0 $0xFFFFFFFF  }
0xb3: {  	s25 =	simm.s32 $0x1B8E;
	s24 =	sld [smem:$0x3FFE];
	[sflag:s4] =	ssyncadd.remote.s32 @!p0 $0x1  }
0xb4: {  	s26 =	simm.s32 $execute0_lowered;
	[smem:$0x3FD2] =	sst s25  }
0xb5: {  	s5 =	sshll.u32 s26, $0x1;
	_ =	strace $0x8000004C;
	[dreg:$0x1] =	wrdreg $0xFFFFFFFF  }
0xb6: {  	s28 =	simm.s32 $_size_execute0_lowered;
	s3 =	sadd.s32 s3, s5;
	[dreg:$0x0] =	wrdreg $0x0  }
0xb7: {  	s5 =	sshll.u32 s28, $0x1;
	[dreg:$0x2] =	wrdreg s3  }
0xb8: {  	[dreg:$0x3] =	wrdreg s5  }
0xb9: {  	[dreg:$0x4] =	wrdreg $0xC0  }
0xba: {  	_ =	task [dreg:s22], $0x5FFFF  }
0xbb: {  	[dreg:$0x1] =	wrdreg $0xFFFFFFFF  }
0xbc: {  	[dreg:$0x0] =	wrdreg $0x60  }
0xbd: {  	[dreg:$0x2] =	wrdreg s24  }
0xbe: {  	[dreg:$0x3] =	wrdreg $0xB  }
0xbf: {  	_ =	task.clear_ibuf [dreg:s22], $0x4FFFF;
	_ =	strace $0x9000004C  }
0xc0: {  	s29 =	simm.s32 $0xB;
	_ =	strace $0x8000004E  }
0xc1: {  	_ =	swait.ge [sflag:s29], $0x1  }
0xc2: {  	[sflag:s29] =	ssyncadd.s32 $0xFFFFFFFF  }
0xc3: {  	_ =	strace $0x9000004E  }
0xc4: {  	_ =	sfence  }
0xc5: {  	s30 =	sld [smem:$0x0];
	_ =	sdelay $0x2  }
0xc6: {  	s31 =	sshll.u32 s1, $0xD;
	s1 =	sshrl.u32 s1, $0x2  }
0xc7: {  	s4 =	sand.u32 $0x4000, s31;
	s1 =	sadd.s32 s1, s30  }
0xc8: {  	s0 =	sor.u32 s4, s0;
	s1 =	sshll.u32 s1, $0x11  }
0xc9: {  	s0 =	sor.u32 s1, s0  }
0xca: {  	s0 =	sadd.s32 $0x8F2B, s0  }
0xcb: {  	[sflag:s0] =	ssyncadd.remote.s32 $0x1  }
0xcc: {  	_ =	sfence.sel $0xFFFF  }
0xcd: {  	[dreg:$0x0] =	wrdreg $0xFFFFFFFF;
	(pc) =	sbr.abs _section_cstart, $3  }
0xce: {  	[dreg:$0x1] =	wrdreg $0xFFFFFFFF  }
0xcf: {  	_ =	task.clear_ibuf [dreg:s22], $0x2FFFF;
	_ =	strace $0x9FFFFFFF  }
0xd0: {  	(tm) =	ssettm $0x7FFFFFFF  }
0xd1: {  	_ =	shalt  }
tec
execute0_lowered:
.L_overlay_start_1:
0x0: {  	(tag) =	ssettag $0x1  }
0x1: {  	s3 =	rddreg [dreg:$0x0]  }
0x2: {  	s2 =	srdreg.scid;
	s0 =	rddreg [dreg:$0x1]  }
0x3: {  	s1 =	stileid.u32;
	s9 =	simm.s32 $0x3;
	s10 =	simm.s32 $0x6400  }
0x4: {  	s11 =	simm.s32 $0x8400;
	s12 =	simm.s32 $0x1;
	s13 =	simm.s32 $0x40  }
0x5: {  	s14 =	simm.s32 $0x2;
	s15 =	simm.s32 $0x0;
	s4 =	sand.u32 $0x1, s2  }
0x6: {  	s2 =	simm.s32 $0x0;
	s5 =	sshll.u32 s1, $0x8;
	s31 =	sshll.u32 s1, $0xC  }
0x7: {  	s6 =	sshll.u32 s4, $0x7;
	[smem:$0x7FF] =	sst s2;
	s7 =	ssub.s32 $0x2, s4  }
0x8: {  	s4 =	sshll.u32 s4, $0xB;
	s5 =	sor.u32 s6, s5;
	_ =	strace $0x8000004D  }
0x9: {  	s6 =	sadd.s32 s31, s3;
	s8 =	sshrl.u32 s7, $0x1;
	s5 =	sshrl.u32 s5, $0x3  }
0xa: {  	s7 =	ssub.s32 s7, s8;
	s6 =	sadd.s32 s4, s6;
	s8 =	simm.s32 $0x4000  }
0xb: {  	s5 =	sadd.s32 s5, s3;
	s3 =	sadd.s32 $0x1000, s3;
	s6 =	sadd.s32 $0xDA8600, s6  }
0xc: {  	s4 =	sadd.s32 $0xC4A00, s5;
	s5 =	smax.u32 s7, $0x1;
	s7 =	simm.s32 $0x80  }
.LBB2_1:
0xd: {  	[tilespmem:s2], [sflag:$0x3] =	stream.strided.gather [hbm4b:s4+s7], $0x6400, s8, s7, $0x38;
	[tilespmem:$0x12400] =	vst v63  }
0xe: {  	_ =	swait.ge [sflag:s9], $0x6400  }
0xf: {  	[sflag:s9] =	ssyncset.done $0x0  }
0x10: {  	[sflag:s9] =	ssyncadd.s32 $0xFFFF9C00  }
0x11: {  	[tilespmem:s10], [sflag:$0x1] =	stream.indirect.gather [hbm4b:s3+s7], $0x40, s2, s7, $0xb8;
	[tilespmem:$0x12400] =	vst v63  }
0x12: {  	s16 =	simm.s32 $0x180;
	s17 =	smov.u32 s6;
	s19 =	simm.s32 $0x0  }
0x13: {  	[tilespmem:s11], [sflag:$0x1] =	stream.indirect.gather [hbm4b:s3+s7], $0x40, s7, s7, $0xb8;
	[tilespmem:$0x12400] =	vst v63  }
.LBB2_2:
0x14: {  	p0 =	slt.u32 s19, $0x2  }
0x15: {  	s21 =	simm.s32 @!p0 $0x2  }
0x16: {  	_ =	swait.ge @!p0 [sflag:s21], $0x2000  }
0x17: {  	[sflag:s21] =	ssyncset.done @!p0 $0x0  }
0x18: {  	[sflag:s21] =	ssyncadd.s32 @!p0 $0xFFFFE000  }
0x19: {  	s20 =	smul.u32 $0xAB, s19;
	p1 =	seq.s32 @!p0 s19, $0x63;
	_ =	swait.ge @!p0 [sflag:s21], $0x2000  }
0x1a: {  	p1 =	por p0, !p1;
	[sflag:s21] =	ssyncset.done @!p0 $0x0  }
0x1b: {  	[sflag:s21] =	ssyncadd.s32 @!p0 $0xFFFFE000;
	s21 =	sadd.s32 @p1 $0xAB, s20  }
0x1c: {  	s21 =	sshrl.u32 @p1 s21, $0x9  }
0x1d: {  	s21 =	sand.u32 @p1 $0x7F, s21  }
0x1e: {  	s21 =	smul.u32 @p1 $0x3, s21  }
0x1f: {  	s18 =	sadd.s32 $0x1, s19  }
0x20: {  	s21 =	ssub.s32 @p1 s18, s21  }
0x21: {  	s21 =	sand.u32 @p1 $0xFF, s21  }
0x22: {  	s21 =	sshll.u32 @p1 s21, $0xE  }
0x23: {  	s23 =	sadd.s32 @p1 $0xFFFFFF80, s16;
	s20 =	sshrl.u32 s20, $0x9;
	s22 =	sadd.s32 @p1 $0x6400, s21  }
0x24: {  	[tilespmem:s22], [sflag:$0x1] =	stream.indirect.gather @p1 [hbm4b:s3+s7], $0x40, s23, s7, $0xb8;
	[tilespmem:$0x12400] =	vst v63  }
0x25: {  	s20 =	sand.u32 $0x7F, s20;
	s21 =	sadd.s32 @p1 $0x8400, s21  }
0x26: {  	[tilespmem:s21], [sflag:$0x1] =	stream.indirect.gather @p1 [hbm4b:s3+s7], $0x40, s16, s7, $0xb8;
	[tilespmem:$0x12400] =	vst v63  }
0x27: {  	s20 =	smul.u32 $0x3, s20;
	_ =	swait.ge [sflag:s12], $0x2000  }
0x28: {  	[sflag:s12] =	ssyncset.done $0x0  }
0x29: {  	s29 =	ssub.s32 s19, s20;
	[sflag:s12] =	ssyncadd.s32 $0xFFFFE000  }
0x2a: {  	s19 =	sand.u32 $0xFF, s29;
	_ =	swait.ge [sflag:s12], $0x2000  }
0x2b: {  	p0 =	sne.s32 s18, $0x64;
	s19 =	sshll.u32 s19, $0xE;
	[sflag:s12] =	ssyncset.done $0x0  }
.Ltmp0:
0x2c: {  	s30 =	sadd.s32 $0x6400, s19;
	[sflag:s12] =	ssyncadd.s32 $0xFFFFE000;
	(pc) =	sbr.rel @p0 .LBB2_2-.Ltmp0, $4  }
0x2d: {  	[hbm4b:s17+s13] =	stream.strided.scatter [tilespmem:s30], [sflag:$0x2], $0x2000, s7, s13, $0x38;
	[tilespmem:$0x12400] =	vst v63  }
0x2e: {  	s31 =	sadd.s32 $0x8, s17;
	s19 =	sadd.s32 $0x8400, s19  }
0x2f: {  	[hbm4b:s31+s13] =	stream.strided.scatter [tilespmem:s19], [sflag:$0x2], $0x2000, s7, s13, $0x38;
	[tilespmem:$0x12400] =	vst v63  }
0x30: {  	s16 =	sadd.s32 $0x100, s16;
	s17 =	sadd.s32 $0x10000, s17;
	s19 =	smov.u32 s18  }
0x31: {  	_ =	swait.ge [sflag:s14], $0x2000  }
0x32: {  	[sflag:s14] =	ssyncset.done $0x0  }
0x33: {  	[sflag:s14] =	ssyncadd.s32 $0xFFFFE000  }
0x34: {  	_ =	swait.ge [sflag:s14], $0x2000  }
0x35: {  	[sflag:s14] =	ssyncset.done $0x0  }
0x36: {  	s15 =	sadd.s32 $0x1, s15;
	[sflag:s14] =	ssyncadd.s32 $0xFFFFE000  }
0x37: {  	p0 =	sne.s32 s15, s5;
	_ =	swait.ge [sflag:s14], $0x2000  }
.Ltmp1:
0x38: {  	[sflag:s14] =	ssyncset.done $0x0;
	(pc) =	sbr.rel @p0 .LBB2_1-.Ltmp1, $4  }
0x39: {  	[sflag:s14] =	ssyncadd.s32 $0xFFFFE000  }
0x3a: {  	_ =	swait.ge [sflag:s14], $0x2000  }
0x3b: {  	[sflag:s14] =	ssyncset.done $0x0  }
0x3c: {  	[sflag:s14] =	ssyncadd.s32 $0xFFFFE000  }
0x3d: {  	_ =	sfence.sel $0x180000  }
0x3e: {  	[bflag:$0x0] =	sbarrier.arrive $0xFFFF  }
0x3f: {  	p0 =	sne.s32 s1, $0x0;
	_ =	strace $0x9000004D  }
0x40: {  	s0 =	sadd.s32 @!p0 $0x100000, s0;
	[bflag:$0x2] =	sbarrier.arrive $0xFFFF  }
0x41: {  	[sflag:s0] =	ssyncadd.tile.s32 @!p0 $0x1;
	_ =	shalt  }
.Lfunc_end2:
_tile_overlayer_lowered:
.L_overlay_start_2:
0x42: {  	(tag) =	ssettag $0x2  }
0x43: {  	s0 =	rddreg [dreg:$0x0];
	s2 =	stileid.u32  }
0x44: {  	s1 =	rddreg [dreg:$0x1];
	p0 =	sne.s32 s2, $0x0  }
0x45: {  	s3 =	rddreg [dreg:$0x2];
	[bflag:$0x3] =	sbarrier.arrive $0xFFFF;
	s2 =	simm.s32 @!p0 $0x1C03  }
0x46: {  	[timem:s3], [sflag:s2] =	dma.local @!p0 [hbm:s0], s1  }
0x47: {  	s0 =	simm.s32 @!p0 $0x3  }
0x48: {  	_ =	swait.ge @!p0 [sflag:s0], s1  }
0x49: {  	s1 =	ssub.s32 @!p0 $0x0, s1;
	[sflag:s0] =	ssyncset.done @!p0 $0x0  }
0x4a: {  	[sflag:s0] =	ssyncadd.s32 @!p0 s1  }
0x4b: {  	[bflag:$0x3] =	sbarrier.arrive $0xFFFF  }
0x4c: {  	_ =	shalt  }

// kernel: kernel.19.cloned.1.call-start
scs
__scs_entry_jumppad:
0x0: {  	(pc) =	sbr.rel $0x88, $3  }
0x1: {  	(tag) =	ssettag $0x0;
	lr =	simm.s32 $0x1  }
0x2: {  	[smem:$0x3F9F] =	sst lr;
	_ =	strace $0xD0000000  }
0x3: {  	_ = 	snop  }
0x4: {  	_ = 	snop  }
0x5: {  	_ = 	snop  }
0x6: {  	_ = 	snop  }
0x7: {  	_ = 	snop  }
__scs_overlays_trampoline_lowered:
0x8: {  	[smem:$0x3FAE] =	sst s0  }
0x9: {  	[smem:$0x3FAF] =	sst s1  }
0xa: {  	[smem:$0x3FB0] =	sst s2  }
0xb: {  	[smem:$0x3FB1] =	sst s3  }
0xc: {  	[smem:$0x3FB2] =	sst s4  }
0xd: {  	[smem:$0x3FB3] =	sst s5  }
0xe: {  	[smem:$0x3FB4] =	sst s6  }
0xf: {  	[smem:$0x3FB5] =	sst s7  }
0x10: {  	[smem:$0x3FB6] =	sst s8  }
0x11: {  	[smem:$0x3FB7] =	sst s9;
	s0 =	simm.s32 @!p0 $0x0  }
0x12: {  	s1 =	sld [smem:$0x3F9D];
	s0 =	simm.s32 @p0 $0x1  }
0x13: {  	[smem:$0x3FB8] =	sst s0;
	s0 =	simm.s32 @!p1 $0x0  }
0x14: {  	s2 =	sld [smem:$0x3F9C];
	s0 =	simm.s32 @p1 $0x1  }
0x15: {  	[smem:$0x3FB9] =	sst s0;
	s0 =	simm.s32 @!p2 $0x0  }
0x16: {  	s3 =	sld [smem:$0x3FDB];
	s0 =	simm.s32 @p2 $0x1  }
0x17: {  	s4 =	simm.s32 $0x1BF5;
	[smem:$0x3FBB] =	sst s0  }
0x18: {  	s0 =	sld [smem:$0x3F9E];
	_ =	swait.ge [sflag:s4], $0x0  }
0x19: {  	s7 =	sld [smem:$0x3F9F]  }
0x1a: {  	s8 =	sadd.s32 $0xFFFFE003, lr  }
0x1b: {  	s9 =	sadd.s32 $0xFFFFFEF7, lr;
	s5 =	simm.s32 $0xFFFFFFFF;
	p2 =	slt.u32 s8, $0xFFFFF086  }
0x1c: {  	p1 =	slt.u32 s9, $0xF7A;
	s5 =	simm.s32 @!p2 $0x0  }
0x1d: {  	s5 =	simm.s32 @p1 $0x1;
	p0 =	seq.s32 s7, s2  }
0x1e: {  	s7 =	smul.u32 @!p0 $0xF7A, s2;
	p2 =	seq.s32 @!p0 s5, $0x0  }
0x1f: {  	s9 =	smul.u32 $0xF7A, s1;
	s8 =	simm.s32 @!p0 $0x1BF5;
	p2 =	por !p2, p0  }
0x20: {  	[sflag:s8] =	ssyncset.s32 @!p0 $0xFFFFF086;
	s6 =	sadd.s32 @!p0 s3, s7;
	s7 =	simm.s32 @!p0 $0x108  }
0x21: {  	s3 =	sadd.s32 s3, s9;
	s6 =	sadd.s32 @!p0 $0x88, s6;
	s7 =	simm.s32 @p2 $0x1082  }
0x22: {  	[simem:s7], [sflag:s8] =	dma.local @!p0 [hbm:s6], $0xF7A  }
0x23: {  	s9 =	sor.u32 $0xD0000000, s2;
	s6 =	simm.s32 $0x108;
	_ =	swait.ge @!p0 [sflag:s8], $0x0  }
0x24: {  	s3 =	sadd.s32 $0x88, s3;
	s6 =	simm.s32 @!p1 $0x1082;
	[sflag:s4] =	ssyncset.s32 $0xFFFFF086  }
0x25: {  	[simem:s6], [sflag:s4] =	dma.local [hbm:s3], $0xF7A  }
0x26: {  	[smem:$0x3F9F] =	sst s1;
	(tag) =	ssettag s2;
	_ =	strace s9  }
0x27: {  	s1 =	sld [smem:$0x3FAF]  }
0x28: {  	s2 =	sld [smem:$0x3FB0]  }
0x29: {  	s4 =	sld [smem:$0x3FB2]  }
0x2a: {  	p0 =	seq.s32 s5, $0x0;
	s5 =	sld [smem:$0x3FB3]  }
0x2b: {  	s6 =	sld [smem:$0x3FB4]  }
0x2c: {  	s7 =	sld [smem:$0x3FB5]  }
0x2d: {  	s3 =	simm.s32 $0x108;
	s8 =	sld [smem:$0x3FB6]  }
0x2e: {  	s3 =	simm.s32 @!p0 $0x1082;
	s9 =	sld [smem:$0x3FB7]  }
0x2f: {  	lr =	sadd.s32 s0, s3;
	s0 =	sld [smem:$0x3FAE]  }
0x30: {  	s3 =	sld [smem:$0x3FB1]  }
0x31: {  	[smem:$0x3FBA] =	sst s10  }
0x32: {  	s10 =	sld [smem:$0x3FB8];
	_ =	sdelay $0x3  }
0x33: {  	p0 =	seq.s32 s10, $0x1;
	s10 =	sld [smem:$0x3FBA];
	_ =	sdelay $0x3  }
0x34: {  	[smem:$0x3FBA] =	sst s10  }
0x35: {  	s10 =	sld [smem:$0x3FB9];
	_ =	sdelay $0x3  }
0x36: {  	p1 =	seq.s32 s10, $0x1;
	s10 =	sld [smem:$0x3FBA];
	_ =	sdelay $0x3  }
0x37: {  	[smem:$0x3FBA] =	sst s10  }
0x38: {  	s10 =	sld [smem:$0x3FBB]  }
0x39: {  	_ = 	snop;
	(pc) =	sbr.ind lr, $3  }
0x3a: {  	_ = 	snop  }
0x3b: {  	_ = 	snop  }
0x3c: {  	p2 =	seq.s32 s10, $0x1;
	s10 =	sld [smem:$0x3FBA]  }
0x3d: {  	_ =	shalt  }
0x3e: {  	_ =	shalt  }
0x3f: {  	_ =	shalt  }
0x40: {  	_ =	shalt  }
0x41: {  	_ =	shalt  }
0x42: {  	_ =	shalt  }
0x43: {  	_ =	shalt  }
0x44: {  	_ =	shalt  }
0x45: {  	_ =	shalt  }
0x46: {  	_ =	shalt  }
0x47: {  	_ =	shalt  }
0x48: {  	_ =	shalt  }
0x49: {  	_ =	shalt  }
0x4a: {  	_ =	shalt  }
0x4b: {  	_ =	shalt  }
0x4c: {  	_ =	shalt  }
0x4d: {  	_ =	shalt  }
0x4e: {  	_ =	shalt  }
0x4f: {  	_ =	shalt  }
0x50: {  	_ =	shalt  }
0x51: {  	_ =	shalt  }
0x52: {  	_ =	shalt  }
0x53: {  	_ =	shalt  }
0x54: {  	_ =	shalt  }
0x55: {  	_ =	shalt  }
0x56: {  	_ =	shalt  }
0x57: {  	_ =	shalt  }
0x58: {  	_ =	shalt  }
0x59: {  	_ =	shalt  }
0x5a: {  	_ =	shalt  }
0x5b: {  	_ =	shalt  }
0x5c: {  	_ =	shalt  }
0x5d: {  	_ =	shalt  }
0x5e: {  	_ =	shalt  }
0x5f: {  	_ =	shalt  }
0x60: {  	_ =	shalt  }
0x61: {  	_ =	shalt  }
0x62: {  	_ =	shalt  }
0x63: {  	_ =	shalt  }
0x64: {  	_ =	shalt  }
0x65: {  	_ =	shalt  }
0x66: {  	_ =	shalt  }
0x67: {  	_ =	shalt  }
0x68: {  	_ =	shalt  }
0x69: {  	_ =	shalt  }
0x6a: {  	_ =	shalt  }
0x6b: {  	_ =	shalt  }
0x6c: {  	_ =	shalt  }
0x6d: {  	_ =	shalt  }
0x6e: {  	_ =	shalt  }
0x6f: {  	_ =	shalt  }
0x70: {  	_ =	shalt  }
0x71: {  	_ =	shalt  }
0x72: {  	_ =	shalt  }
0x73: {  	_ =	shalt  }
0x74: {  	_ =	shalt  }
0x75: {  	_ =	shalt  }
0x76: {  	_ =	shalt  }
0x77: {  	_ =	shalt  }
0x78: {  	_ =	shalt  }
0x79: {  	_ =	shalt  }
0x7a: {  	_ =	shalt  }
0x7b: {  	_ =	shalt  }
0x7c: {  	_ =	shalt  }
0x7d: {  	_ =	shalt  }
0x7e: {  	_ =	shalt  }
0x7f: {  	_ =	shalt  }
0x80: {  	_ =	shalt  }
0x81: {  	_ =	shalt  }
0x82: {  	_ =	shalt  }
0x83: {  	_ =	shalt  }
0x84: {  	_ =	shalt  }
0x85: {  	_ =	shalt  }
0x86: {  	_ =	shalt  }
0x87: {  	_ =	shalt  }
.Lfunc_end0:
.L_simem_size_0:
called_computation.3_lowered:
.L_overlay_start_0:
0x88: {  	s2 =	sld [smem:$0x3FD9]  }
0x89: {  	s3 =	sld [smem:$0x3FFE];
	_ =	sdelay $0x1  }
0x8a: {  	s1 =	srdreg.scid  }
0x8b: {  	s0 =	sand.u32 $0x1, s1  }
0x8c: {  	s17 =	sshll.u32 s0, $0xA;
	s2 =	sadd.s32 s3, s2  }
0x8d: {  	s2 =	sadd.s32 s2, s17  }
0x8e: {  	[smem:$0x3FC6] =	sst s2  }
0x8f: {  	_ = 	snop  }
0x90: {  	(tm) =	ssettm $0x1  }
0x91: {  	s18 =	sld [smem:$0x3FFB];
	_ =	sdelay $0x3  }
0x92: {  	_ =	strace s18  }
0x93: {  	s2 =	sld [smem:$0x3FFC];
	_ =	sdelay $0x3  }
0x94: {  	_ =	strace s2  }
0x95: {  	s2 =	sld [smem:$0x3FFD];
	_ =	sdelay $0x3  }
0x96: {  	_ =	strace s2  }
0x97: {  	_ =	strace $0x8FFFFFFF  }
0x98: {  	s19 =	sld [smem:$0x3FDB];
	_ =	sdelay $0x1  }
0x99: {  	s20 =	simm.s32 $_scs_section_size  }
0x9a: {  	s4 =	simm.s32 $_size__tile_overlayer_lowered;
	s5 =	simm.s32 $_tile_overlayer_lowered  }
0x9b: {  	s6 =	simm.s32 $0x1BFF;
	s21 =	sshll.u32 s5, $0x1;
	s3 =	sadd.s32 s20, s19  }
0x9c: {  	s22 =	simm.s32 $0x0;
	s4 =	sshll.u32 s4, $0x1;
	s5 =	sadd.s32 s21, s3  }
0x9d: {  	[timem:s22], [sflag:s6] =	dma.local [hbm:s5], s4  }
0x9e: {  	_ =	swait.ge [sflag:s6], s4  }
0x9f: {  	s4 =	ssub.s32 $0x0, s4;
	[sflag:s6] =	ssyncset.done $0x0  }
0xa0: {  	[sflag:s6] =	ssyncadd.s32 s4;
	_ =	sdelay $0x1  }
0xa1: {  	s23 =	simm.s32 $0x1B8B  }
0xa2: {  	_ =	swait.ge [sflag:s23], $0x1  }
0xa3: {  	[sflag:s23] =	ssyncset.done $0x0  }
0xa4: {  	[sflag:s23] =	ssyncadd.s32 $0xFFFFFFFF  }
0xa5: {  	s4 =	sld [smem:$0x0]  }
0xa6: {  	s5 =	sand.u32 $0xFFFFFFFE, s1  }
0xa7: {  	p0 =	sne.s32 s1, s5  }
0xa8: {  	s5 =	sshll.u32 @p0 s5, $0xE  }
0xa9: {  	s5 =	sadd.s32 @p0 $0x11B8D, s5;
	s6 =	sshll.u32 @p0 s4, $0x11  }
0xaa: {  	s5 =	sor.u32 @p0 s6, s5  }
0xab: {  	[sflag:s5] =	ssyncadd.remote.s32 @p0 $0x1;
	_ =	sdelay $0x1  }
0xac: {  	s5 =	simm.s32 @p0 $0x1B8D  }
0xad: {  	_ =	swait.eq @p0 [sflag:s5], $0x1  }
0xae: {  	[sflag:s5] =	ssyncadd.s32 @p0 $0xFFFFFFFF  }
0xaf: {  	s6 =	sshll.u32 @!p0 s1, $0xE  }
0xb0: {  	s6 =	sor.u32 @!p0 $0x4000, s6;
	s5 =	simm.s32 @!p0 $0x1B8D  }
0xb1: {  	s4 =	sshll.u32 @!p0 s4, $0x11;
	s6 =	sadd.s32 @!p0 $0x11B8D, s6;
	_ =	swait.eq @!p0 [sflag:s5], $0x1  }
0xb2: {  	s4 =	sor.u32 @!p0 s4, s6;
	[sflag:s5] =	ssyncadd.s32 @!p0 $0xFFFFFFFF  }
0xb3: {  	s25 =	simm.s32 $0x1B8E;
	s24 =	sld [smem:$0x3FFE];
	[sflag:s4] =	ssyncadd.remote.s32 @!p0 $0x1  }
0xb4: {  	s26 =	simm.s32 $execute0_lowered;
	[smem:$0x3FD2] =	sst s25  }
0xb5: {  	s5 =	sshll.u32 s26, $0x1;
	_ =	strace $0x8000004F;
	[dreg:$0x1] =	wrdreg $0xFFFFFFFF  }
0xb6: {  	s28 =	simm.s32 $_size_execute0_lowered;
	s3 =	sadd.s32 s3, s5;
	[dreg:$0x0] =	wrdreg $0x0  }
0xb7: {  	s5 =	sshll.u32 s28, $0x1;
	[dreg:$0x2] =	wrdreg s3  }
0xb8: {  	[dreg:$0x3] =	wrdreg s5  }
0xb9: {  	[dreg:$0x4] =	wrdreg $0xC0  }
0xba: {  	_ =	task [dreg:s22], $0x5FFFF  }
0xbb: {  	[dreg:$0x1] =	wrdreg $0xFFFFFFFF  }
0xbc: {  	[dreg:$0x0] =	wrdreg $0x60  }
0xbd: {  	[dreg:$0x2] =	wrdreg s24  }
0xbe: {  	[dreg:$0x3] =	wrdreg $0xC  }
0xbf: {  	_ =	task.clear_ibuf [dreg:s22], $0x4FFFF;
	_ =	strace $0x9000004F  }
0xc0: {  	s29 =	simm.s32 $0xC;
	_ =	strace $0x80000051  }
0xc1: {  	_ =	swait.ge [sflag:s29], $0x1  }
0xc2: {  	[sflag:s29] =	ssyncadd.s32 $0xFFFFFFFF  }
0xc3: {  	_ =	strace $0x90000051  }
0xc4: {  	_ =	sfence  }
0xc5: {  	s30 =	sld [smem:$0x0];
	_ =	sdelay $0x2  }
0xc6: {  	s31 =	sshll.u32 s1, $0xD;
	s1 =	sshrl.u32 s1, $0x2  }
0xc7: {  	s4 =	sand.u32 $0x4000, s31;
	s1 =	sadd.s32 s1, s30  }
0xc8: {  	s0 =	sor.u32 s4, s0;
	s1 =	sshll.u32 s1, $0x11  }
0xc9: {  	s0 =	sor.u32 s1, s0  }
0xca: {  	s0 =	sadd.s32 $0x8F2B, s0  }
0xcb: {  	[sflag:s0] =	ssyncadd.remote.s32 $0x1  }
0xcc: {  	_ =	sfence.sel $0xFFFF  }
0xcd: {  	[dreg:$0x0] =	wrdreg $0xFFFFFFFF;
	(pc) =	sbr.abs _section_cstart, $3  }
0xce: {  	[dreg:$0x1] =	wrdreg $0xFFFFFFFF  }
0xcf: {  	_ =	task.clear_ibuf [dreg:s22], $0x2FFFF;
	_ =	strace $0x9FFFFFFF  }
0xd0: {  	(tm) =	ssettm $0x7FFFFFFF  }
0xd1: {  	_ =	shalt  }
tec
execute0_lowered:
.L_overlay_start_1:
0x0: {  	(tag) =	ssettag $0x1  }
0x1: {  	s3 =	rddreg [dreg:$0x0]  }
0x2: {  	s2 =	srdreg.scid;
	s0 =	rddreg [dreg:$0x1]  }
0x3: {  	s1 =	stileid.u32;
	s9 =	simm.s32 $0x3;
	s10 =	simm.s32 $0x6400  }
0x4: {  	s11 =	simm.s32 $0x8400;
	s12 =	simm.s32 $0x1;
	s13 =	simm.s32 $0x40  }
0x5: {  	s14 =	simm.s32 $0x2;
	s15 =	simm.s32 $0x0;
	s4 =	sand.u32 $0x1, s2  }
0x6: {  	s2 =	simm.s32 $0x0;
	s5 =	sshll.u32 s1, $0x8;
	s31 =	sshll.u32 s1, $0xC  }
0x7: {  	s6 =	sshll.u32 s4, $0x7;
	[smem:$0x7FF] =	sst s2;
	s7 =	ssub.s32 $0x2, s4  }
0x8: {  	s4 =	sshll.u32 s4, $0xB;
	s5 =	sor.u32 s6, s5;
	_ =	strace $0x80000050  }
0x9: {  	s6 =	sadd.s32 s31, s3;
	s8 =	sshrl.u32 s7, $0x1;
	s5 =	sshrl.u32 s5, $0x3  }
0xa: {  	s7 =	ssub.s32 s7, s8;
	s6 =	sadd.s32 s4, s6;
	s8 =	simm.s32 $0x4000  }
0xb: {  	s5 =	sadd.s32 s5, s3;
	s3 =	sadd.s32 $0x1000, s3;
	s6 =	sadd.s32 $0x13E8600, s6  }
0xc: {  	s4 =	sadd.s32 $0xC4C00, s5;
	s5 =	smax.u32 s7, $0x1;
	s7 =	simm.s32 $0x80  }
.LBB2_1:
0xd: {  	[tilespmem:s2], [sflag:$0x3] =	stream.strided.gather [hbm4b:s4+s7], $0x6400, s8, s7, $0x38;
	[tilespmem:$0x12400] =	vst v63  }
0xe: {  	_ =	swait.ge [sflag:s9], $0x6400  }
0xf: {  	[sflag:s9] =	ssyncset.done $0x0  }
0x10: {  	[sflag:s9] =	ssyncadd.s32 $0xFFFF9C00  }
0x11: {  	[tilespmem:s10], [sflag:$0x1] =	stream.indirect.gather [hbm4b:s3+s7], $0x40, s2, s7, $0xb8;
	[tilespmem:$0x12400] =	vst v63  }
0x12: {  	s16 =	simm.s32 $0x180;
	s17 =	smov.u32 s6;
	s19 =	simm.s32 $0x0  }
0x13: {  	[tilespmem:s11], [sflag:$0x1] =	stream.indirect.gather [hbm4b:s3+s7], $0x40, s7, s7, $0xb8;
	[tilespmem:$0x12400] =	vst v63  }
.LBB2_2:
0x14: {  	p0 =	slt.u32 s19, $0x2  }
0x15: {  	s21 =	simm.s32 @!p0 $0x2  }
0x16: {  	_ =	swait.ge @!p0 [sflag:s21], $0x2000  }
0x17: {  	[sflag:s21] =	ssyncset.done @!p0 $0x0  }
0x18: {  	[sflag:s21] =	ssyncadd.s32 @!p0 $0xFFFFE000  }
0x19: {  	s20 =	smul.u32 $0xAB, s19;
	p1 =	seq.s32 @!p0 s19, $0x63;
	_ =	swait.ge @!p0 [sflag:s21], $0x2000  }
0x1a: {  	p1 =	por p0, !p1;
	[sflag:s21] =	ssyncset.done @!p0 $0x0  }
0x1b: {  	[sflag:s21] =	ssyncadd.s32 @!p0 $0xFFFFE000;
	s21 =	sadd.s32 @p1 $0xAB, s20  }
0x1c: {  	s21 =	sshrl.u32 @p1 s21, $0x9  }
0x1d: {  	s21 =	sand.u32 @p1 $0x7F, s21  }
0x1e: {  	s21 =	smul.u32 @p1 $0x3, s21  }
0x1f: {  	s18 =	sadd.s32 $0x1, s19  }
0x20: {  	s21 =	ssub.s32 @p1 s18, s21  }
0x21: {  	s21 =	sand.u32 @p1 $0xFF, s21  }
0x22: {  	s21 =	sshll.u32 @p1 s21, $0xE  }
0x23: {  	s23 =	sadd.s32 @p1 $0xFFFFFF80, s16;
	s20 =	sshrl.u32 s20, $0x9;
	s22 =	sadd.s32 @p1 $0x6400, s21  }
0x24: {  	[tilespmem:s22], [sflag:$0x1] =	stream.indirect.gather @p1 [hbm4b:s3+s7], $0x40, s23, s7, $0xb8;
	[tilespmem:$0x12400] =	vst v63  }
0x25: {  	s20 =	sand.u32 $0x7F, s20;
	s21 =	sadd.s32 @p1 $0x8400, s21  }
0x26: {  	[tilespmem:s21], [sflag:$0x1] =	stream.indirect.gather @p1 [hbm4b:s3+s7], $0x40, s16, s7, $0xb8;
	[tilespmem:$0x12400] =	vst v63  }
0x27: {  	s20 =	smul.u32 $0x3, s20;
	_ =	swait.ge [sflag:s12], $0x2000  }
0x28: {  	[sflag:s12] =	ssyncset.done $0x0  }
0x29: {  	s29 =	ssub.s32 s19, s20;
	[sflag:s12] =	ssyncadd.s32 $0xFFFFE000  }
0x2a: {  	s19 =	sand.u32 $0xFF, s29;
	_ =	swait.ge [sflag:s12], $0x2000  }
0x2b: {  	p0 =	sne.s32 s18, $0x64;
	s19 =	sshll.u32 s19, $0xE;
	[sflag:s12] =	ssyncset.done $0x0  }
.Ltmp0:
0x2c: {  	s30 =	sadd.s32 $0x6400, s19;
	[sflag:s12] =	ssyncadd.s32 $0xFFFFE000;
	(pc) =	sbr.rel @p0 .LBB2_2-.Ltmp0, $4  }
0x2d: {  	[hbm4b:s17+s13] =	stream.strided.scatter [tilespmem:s30], [sflag:$0x2], $0x2000, s7, s13, $0x38;
	[tilespmem:$0x12400] =	vst v63  }
0x2e: {  	s31 =	sadd.s32 $0x8, s17;
	s19 =	sadd.s32 $0x8400, s19  }
0x2f: {  	[hbm4b:s31+s13] =	stream.strided.scatter [tilespmem:s19], [sflag:$0x2], $0x2000, s7, s13, $0x38;
	[tilespmem:$0x12400] =	vst v63  }
0x30: {  	s16 =	sadd.s32 $0x100, s16;
	s17 =	sadd.s32 $0x10000, s17;
	s19 =	smov.u32 s18  }
0x31: {  	_ =	swait.ge [sflag:s14], $0x2000  }
0x32: {  	[sflag:s14] =	ssyncset.done $0x0  }
0x33: {  	[sflag:s14] =	ssyncadd.s32 $0xFFFFE000  }
0x34: {  	_ =	swait.ge [sflag:s14], $0x2000  }
0x35: {  	[sflag:s14] =	ssyncset.done $0x0  }
0x36: {  	s15 =	sadd.s32 $0x1, s15;
	[sflag:s14] =	ssyncadd.s32 $0xFFFFE000  }
0x37: {  	p0 =	sne.s32 s15, s5;
	_ =	swait.ge [sflag:s14], $0x2000  }
.Ltmp1:
0x38: {  	[sflag:s14] =	ssyncset.done $0x0;
	(pc) =	sbr.rel @p0 .LBB2_1-.Ltmp1, $4  }
0x39: {  	[sflag:s14] =	ssyncadd.s32 $0xFFFFE000  }
0x3a: {  	_ =	swait.ge [sflag:s14], $0x2000  }
0x3b: {  	[sflag:s14] =	ssyncset.done $0x0  }
0x3c: {  	[sflag:s14] =	ssyncadd.s32 $0xFFFFE000  }
0x3d: {  	_ =	sfence.sel $0x180000  }
0x3e: {  	[bflag:$0x0] =	sbarrier.arrive $0xFFFF  }
0x3f: {  	p0 =	sne.s32 s1, $0x0;
	_ =	strace $0x90000050  }
0x40: {  	s0 =	sadd.s32 @!p0 $0x100000, s0;
	[bflag:$0x2] =	sbarrier.arrive $0xFFFF  }
0x41: {  	[sflag:s0] =	ssyncadd.tile.s32 @!p0 $0x1;
	_ =	shalt  }
.Lfunc_end2:
_tile_overlayer_lowered:
.L_overlay_start_2:
0x42: {  	(tag) =	ssettag $0x2  }
0x43: {  	s0 =	rddreg [dreg:$0x0];
	s2 =	stileid.u32  }
0x44: {  	s1 =	rddreg [dreg:$0x1];
	p0 =	sne.s32 s2, $0x0  }
0x45: {  	s3 =	rddreg [dreg:$0x2];
	[bflag:$0x3] =	sbarrier.arrive $0xFFFF;
	s2 =	simm.s32 @!p0 $0x1C03  }
0x46: {  	[timem:s3], [sflag:s2] =	dma.local @!p0 [hbm:s0], s1  }
0x47: {  	s0 =	simm.s32 @!p0 $0x3  }
0x48: {  	_ =	swait.ge @!p0 [sflag:s0], s1  }
0x49: {  	s1 =	ssub.s32 @!p0 $0x0, s1;
	[sflag:s0] =	ssyncset.done @!p0 $0x0  }
0x4a: {  	[sflag:s0] =	ssyncadd.s32 @!p0 s1  }
0x4b: {  	[bflag:$0x3] =	sbarrier.arrive $0xFFFF  }
0x4c: {  	_ =	shalt  }

</sc_bundles>
